<compile_context>
chip_gen: v7x
topology: tpu7x:2x2x1
jax: 0.10.2.dev20260603
libtpu: 0.0.44.dev20260713+nightly
codegen_flags: <defaults>
</compile_context>

<pallas_src>
import functools

import jax
import jax.numpy as jnp
from jax import lax
from jax.experimental import pallas as pl
from jax.experimental.pallas import tpu as pltpu
from jax.experimental.pallas import tpu_sc as plsc

_N_NODES = 10000
_D = 128
_N_REL = 16
_E = 320000

_L = 16
_NC = 2
_NS = 16
_NW = _NC * _NS
_EW = _E // _NW
_C = 48
_NCHUNK = 210
_EWPAD = _NCHUNK * _C
_DCH = _D // _L


def _sc_body(node_hbm, idx_hbm, relw_hbm, out_hbm,
             node_sh, relw_sh,
             ibuf0, ibuf1,
             hrows0, trows0, rrows0, hrows1, trows1, rrows1,
             out_v,
             si0, si1, sh0, st0, sr0, sh1, st1, sr1):
    wid = lax.axis_index("s") * _NC + lax.axis_index("c")
    sid = lax.axis_index("s")
    lane = lax.iota(jnp.int32, _L)
    perms = [jnp.bitwise_xor(lane, jnp.int32(1 << b)) for b in range(4)]
    gdn = lax.GatherDimensionNumbers(
        offset_dims=(), collapsed_slice_dims=(0,), start_index_map=(0,))

    def _permute(x, p):
        return lax.gather(x, p[:, None], gdn, (1,),
                          mode=lax.GatherScatterMode.PROMISE_IN_BOUNDS)

    ibufs = (ibuf0, ibuf1)
    isems = (si0, si1)
    rows = ((hrows0, trows0, rrows0), (hrows1, trows1, rrows1))
    gsems = ((sh0, st0, sr0), (sh1, st1, sr1))

    @pl.when(sid == 0)
    def _():
        pltpu.sync_copy(node_hbm, node_sh)
        pltpu.sync_copy(relw_hbm, relw_sh)

    plsc.subcore_barrier()

    def fire_idx(i, b):
        pltpu.async_copy(idx_hbm.at[wid, i], ibufs[b], isems[b])

    def wait_idx(i, b):
        pltpu.make_async_copy(idx_hbm.at[wid, i], ibufs[b], isems[b]).wait()

    def fire_g(b):
        hr, tr, rr = rows[b]
        sh, st, sr = gsems[b]
        ib = ibufs[b]
        pltpu.async_copy(node_sh.at[ib.at[0]], hr, sh)
        pltpu.async_copy(node_sh.at[ib.at[1]], tr, st)
        pltpu.async_copy(relw_sh.at[ib.at[2]], rr, sr)

    def wait_g(b):
        hr, tr, rr = rows[b]
        sh, st, sr = gsems[b]
        ib = ibufs[b]
        pltpu.make_async_copy(node_sh.at[ib.at[0]], hr, sh).wait()
        pltpu.make_async_copy(node_sh.at[ib.at[1]], tr, st).wait()
        pltpu.make_async_copy(relw_sh.at[ib.at[2]], rr, sr).wait()

    def compute(i, b):
        hr, tr, rr = rows[b]

        def quad(base_row, q4, scores):
            for j in range(4):
                k = q4 * 4 + j
                row = base_row + k
                ps = [hr[row, pl.ds(dd * _L, _L)]
                      * rr[row, pl.ds(dd * _L, _L)]
                      * tr[row, pl.ds(dd * _L, _L)]
                      for dd in range(_DCH)]
                while len(ps) > 1:
                    ps = [ps[m] + ps[m + 1] for m in range(0, len(ps), 2)]
                acc = ps[0]
                for p in perms:
                    acc = acc + _permute(acc, p)
                scores = jnp.where(lane == k, acc, scores)
            return scores

        def group_body(g, _):
            scores = lax.fori_loop(
                0, 4, functools.partial(quad, g * _L),
                jnp.zeros((_L,), jnp.float32))
            out_v[pl.ds(i * _C + g * _L, _L)] = scores * (1.0 / _D)
            return 0

        lax.fori_loop(0, _C // _L, group_body, 0)

    last = jnp.int32(_NCHUNK - 1)
    fire_idx(0, 0)
    fire_idx(1, 1)
    wait_idx(0, 0)
    fire_g(0)
    wait_idx(1, 1)
    fire_g(1)

    def pair_body(u, _):
        for b in range(2):
            i = u * 2 + b
            nxt = jnp.minimum(i + 2, last)
            wait_g(b)
            fire_idx(nxt, b)
            compute(i, b)
            wait_idx(nxt, b)
            fire_g(b)
        return 0

    lax.fori_loop(0, _NCHUNK // 2, pair_body, 0)
    wait_g(0)
    wait_g(1)
    pltpu.sync_copy(out_v, out_hbm.at[wid])


@jax.jit
def _sc_score(node_embeddings, idx_all, rel_weight):
    mesh = plsc.VectorSubcoreMesh(core_axis_name="c", subcore_axis_name="s")
    kfn = functools.partial(
        pl.kernel,
        mesh=mesh,
        out_type=jax.ShapeDtypeStruct((_NW, _EWPAD), jnp.float32),
        scratch_types=[
            pltpu.VMEM_SHARED((_N_NODES, _D), jnp.float32),
            pltpu.VMEM_SHARED((_N_REL, _D), jnp.float32),
            pltpu.VMEM((3, _C), jnp.int32),
            pltpu.VMEM((3, _C), jnp.int32),
            pltpu.VMEM((_C, _D), jnp.float32),
            pltpu.VMEM((_C, _D), jnp.float32),
            pltpu.VMEM((_C, _D), jnp.float32),
            pltpu.VMEM((_C, _D), jnp.float32),
            pltpu.VMEM((_C, _D), jnp.float32),
            pltpu.VMEM((_C, _D), jnp.float32),
            pltpu.VMEM((_EWPAD,), jnp.float32),
            pltpu.SemaphoreType.DMA,
            pltpu.SemaphoreType.DMA,
            pltpu.SemaphoreType.DMA,
            pltpu.SemaphoreType.DMA,
            pltpu.SemaphoreType.DMA,
            pltpu.SemaphoreType.DMA,
            pltpu.SemaphoreType.DMA,
            pltpu.SemaphoreType.DMA,
        ],
    )(_sc_body)
    return kfn(node_embeddings, idx_all, rel_weight)


def kernel(node_embeddings, edge_index, relation_type, rel_weight):
    pad = ((0, 0), (0, _EWPAD - _EW))
    head = jnp.pad(edge_index[0].reshape(_NW, _EW), pad)
    tail = jnp.pad(edge_index[1].reshape(_NW, _EW), pad)
    rel_type = jnp.pad(
        relation_type.astype(jnp.int32).reshape(_NW, _EW), pad)
    idx_all = jnp.stack(
        [head.reshape(_NW, _NCHUNK, _C),
         tail.reshape(_NW, _NCHUNK, _C),
         rel_type.reshape(_NW, _NCHUNK, _C)], axis=2)
    out = _sc_score(node_embeddings, idx_all, rel_weight)
    return out[:, :_EW].reshape(_E)

# --- scband reference (transcript-rebuilt; emitter-appended) ---
"""Pipeline reference for scband-decoder-68599217652389 (READ-ONLY COPY).

The authoritative reference and input builder live on the scoring server;
editing this copy changes nothing except your own understanding.
"""

import jax, jax.numpy as jnp
import numpy as np

N_NODES = 10000
N_EDGES = 320000
D = 128
N_REL = 16

def setup_inputs(seed: int = 0) -> dict:
    key = jax.random.key(seed)
    k1, k2, k3, k4 = jax.random.split(key, 4)
    node_embeddings = jax.random.normal(k1, (N_NODES, D), dtype=jnp.float32)
    edge_index = jax.random.randint(k2, (2, N_EDGES), 0, N_NODES)
    relation_type = jax.random.randint(k3, (N_EDGES,), 0, N_REL)
    # DistMultHead.relation_emb: nn.Embedding(num_relations, embedding_dim)
    # initialized with nn.init.normal_(weight, mean=1.0, std=0.1)
    rel_weight = 1.0 + 0.1 * jax.random.normal(k4, (N_REL, D), dtype=jnp.float32)
    return {
        "node_embeddings": node_embeddings,
        "edge_index": edge_index,
        "relation_type": relation_type,
        "rel_weight": rel_weight,
    }

def reference(node_embeddings, edge_index, relation_type, rel_weight):
    # DistMultHead.forward
    head = jnp.take(node_embeddings, edge_index[0], axis=0)   # [E, D] gather
    tail = jnp.take(node_embeddings, edge_index[1], axis=0)   # [E, D] gather
    rel = jnp.take(rel_weight, relation_type, axis=0)         # [E, D] embedding lookup
    score = (head * rel * tail).mean(axis=-1)                 # [E]
    return score

if __name__ == "__main__":
    import jax
    _d = setup_inputs()
    print(jax.jit(kernel)(*tuple(_d.values())))

</pallas_src>

<mosaic_0001>
#map = affine_map<(d0, d1) -> (0, 0)>
#map1 = affine_map<(d0, d1) -> (0, 0, 0, 0)>
module attributes {stable_mosaic.version = 14 : i64} {
  func.func @_sc_body(%arg0: i32, %arg1: i32, %arg2: memref<10000x128xf32, #tpu.memory_space<hbm>>, %arg3: memref<32x210x3x48xi32, #tpu.memory_space<hbm>>, %arg4: memref<16x128xf32, #tpu.memory_space<hbm>>, %arg5: memref<32x10080xf32, #tpu.memory_space<hbm>>, %arg6: memref<10000x128xf32, #tpu.memory_space<vmem_shared>>, %arg7: memref<16x128xf32, #tpu.memory_space<vmem_shared>>, %arg8: memref<3x48xi32, #tpu.memory_space<vmem>>, %arg9: memref<3x48xi32, #tpu.memory_space<vmem>>, %arg10: memref<48x128xf32, #tpu.memory_space<vmem>>, %arg11: memref<48x128xf32, #tpu.memory_space<vmem>>, %arg12: memref<48x128xf32, #tpu.memory_space<vmem>>, %arg13: memref<48x128xf32, #tpu.memory_space<vmem>>, %arg14: memref<48x128xf32, #tpu.memory_space<vmem>>, %arg15: memref<48x128xf32, #tpu.memory_space<vmem>>, %arg16: memref<10080xf32, #tpu.memory_space<vmem>>, %arg17: memref<!tpu.dma_semaphore, #tpu.memory_space<semaphore_mem>>, %arg18: memref<!tpu.dma_semaphore, #tpu.memory_space<semaphore_mem>>, %arg19: memref<!tpu.dma_semaphore, #tpu.memory_space<semaphore_mem>>, %arg20: memref<!tpu.dma_semaphore, #tpu.memory_space<semaphore_mem>>, %arg21: memref<!tpu.dma_semaphore, #tpu.memory_space<semaphore_mem>>, %arg22: memref<!tpu.dma_semaphore, #tpu.memory_space<semaphore_mem>>, %arg23: memref<!tpu.dma_semaphore, #tpu.memory_space<semaphore_mem>>, %arg24: memref<!tpu.dma_semaphore, #tpu.memory_space<semaphore_mem>>) attributes {dimension_semantics = [#tpu.dimension_semantics<core_parallel>, #tpu.dimension_semantics<subcore_parallel>], iteration_bounds = array<i64: 2, 16>, scalar_prefetch = 0 : i64, scratch_operands = 19 : i64, tpu.core_type = #tpu.core_type<sc_vector_subcore>, window_params = [{transform_indices = #map}, {transform_indices = #map1}, {transform_indices = #map}, {transform_indices = #map}]} {
    %mul3A = arith.constant 2 : i32
    %mul3A_0 = arith.muli %arg1, %mul3A : i32
    %add3A = arith.addi %mul3A_0, %arg0 : i32
    %iota3A = tpu.iota {dimensions = array<i32: 0>} : vector<16xi32>
    %xor3A = arith.constant 1 : i32
    %xor3A_1 = vector.broadcast %xor3A : i32 to vector<16xi32>
    %xor3A_2 = arith.xori %iota3A, %xor3A_1 : vector<16xi32>
    %xor3A_3 = arith.constant 2 : i32
    %xor3A_4 = vector.broadcast %xor3A_3 : i32 to vector<16xi32>
    %xor3A_5 = arith.xori %iota3A, %xor3A_4 : vector<16xi32>
    %xor3A_6 = arith.constant 4 : i32
    %xor3A_7 = vector.broadcast %xor3A_6 : i32 to vector<16xi32>
    %xor3A_8 = arith.xori %iota3A, %xor3A_7 : vector<16xi32>
    %xor3A_9 = arith.constant 8 : i32
    %xor3A_10 = vector.broadcast %xor3A_9 : i32 to vector<16xi32>
    %xor3A_11 = arith.xori %iota3A, %xor3A_10 : vector<16xi32>
    %eq3A = arith.constant 0 : i32
    %eq3A_12 = arith.cmpi eq, %arg1, %eq3A : i32
    %convert_element_type3A = arith.extui %eq3A_12 : i1 to i32
    %cond3A = arith.constant 0 : i32
    %cond3A_13 = arith.cmpi ne, %convert_element_type3A, %cond3A : i32
    scf.if %cond3A_13 {
      "tpu.region"() ({
        %run_scoped3A = tpu.sem_alloc : memref<!tpu.dma_semaphore, #tpu.memory_space<semaphore_mem>>
        tpu.enqueue_dma source(%arg2 : memref<10000x128xf32, #tpu.memory_space<hbm>>) target(%arg6 : memref<10000x128xf32, #tpu.memory_space<vmem_shared>>) target_semaphore(%run_scoped3A : memref<!tpu.dma_semaphore, #tpu.memory_space<semaphore_mem>>)
        tpu.wait_dma2 semaphore(%run_scoped3A : memref<!tpu.dma_semaphore, #tpu.memory_space<semaphore_mem>>) src(%arg2 : memref<10000x128xf32, #tpu.memory_space<hbm>>) dst(%arg6 : memref<10000x128xf32, #tpu.memory_space<vmem_shared>>)
        tpu.yield
      }) : () -> ()
      "tpu.region"() ({
        %run_scoped3A = tpu.sem_alloc : memref<!tpu.dma_semaphore, #tpu.memory_space<semaphore_mem>>
        tpu.enqueue_dma source(%arg4 : memref<16x128xf32, #tpu.memory_space<hbm>>) target(%arg7 : memref<16x128xf32, #tpu.memory_space<vmem_shared>>) target_semaphore(%run_scoped3A : memref<!tpu.dma_semaphore, #tpu.memory_space<semaphore_mem>>)
        tpu.wait_dma2 semaphore(%run_scoped3A : memref<!tpu.dma_semaphore, #tpu.memory_space<semaphore_mem>>) src(%arg4 : memref<16x128xf32, #tpu.memory_space<hbm>>) dst(%arg7 : memref<16x128xf32, #tpu.memory_space<vmem_shared>>)
        tpu.yield
      }) : () -> ()
    } else {
    }
    %barrier3A = arith.constant 0 : index
    tpu.barrier barrier_id(%barrier3A)
    %dma_start3A = arith.constant 0 : i32
    %dma_start3A_14 = arith.constant 0 : i32
    %dma_start3A_15 = arith.constant 0 : i32
    %dma_start3A_16 = tpu.memref_slice %arg3[%add3A, %dma_start3A, %dma_start3A_14, %dma_start3A_15] : memref<32x210x3x48xi32, #tpu.memory_space<hbm>> -> memref<1x1x3x48xi32, #tpu.memory_space<hbm>>
    %dma_start3A_17 = tpu.memref_squeeze %dma_start3A_16 : memref<1x1x3x48xi32, #tpu.memory_space<hbm>> -> memref<3x48xi32, #tpu.memory_space<hbm>>
    %dma_start3A_18 = arith.constant 0 : i32
    %dma_start3A_19 = arith.constant 0 : i32
    %dma_start3A_20 = tpu.memref_slice %arg3[%add3A, %dma_start3A, %dma_start3A_18, %dma_start3A_19] : memref<32x210x3x48xi32, #tpu.memory_space<hbm>> -> memref<1x1x3x48xi32, #tpu.memory_space<hbm>>
    %dma_start3A_21 = tpu.memref_squeeze %dma_start3A_20 : memref<1x1x3x48xi32, #tpu.memory_space<hbm>> -> memref<3x48xi32, #tpu.memory_space<hbm>>
    tpu.enqueue_dma source(%dma_start3A_21 : memref<3x48xi32, #tpu.memory_space<hbm>>) target(%arg8 : memref<3x48xi32, #tpu.memory_space<vmem>>) target_semaphore(%arg17 : memref<!tpu.dma_semaphore, #tpu.memory_space<semaphore_mem>>)
    %dma_start3A_22 = arith.constant 1 : i32
    %dma_start3A_23 = arith.constant 0 : i32
    %dma_start3A_24 = arith.constant 0 : i32
    %dma_start3A_25 = tpu.memref_slice %arg3[%add3A, %dma_start3A_22, %dma_start3A_23, %dma_start3A_24] : memref<32x210x3x48xi32, #tpu.memory_space<hbm>> -> memref<1x1x3x48xi32, #tpu.memory_space<hbm>>
    %dma_start3A_26 = tpu.memref_squeeze %dma_start3A_25 : memref<1x1x3x48xi32, #tpu.memory_space<hbm>> -> memref<3x48xi32, #tpu.memory_space<hbm>>
    %dma_start3A_27 = arith.constant 0 : i32
    %dma_start3A_28 = arith.constant 0 : i32
    %dma_start3A_29 = tpu.memref_slice %arg3[%add3A, %dma_start3A_22, %dma_start3A_27, %dma_start3A_28] : memref<32x210x3x48xi32, #tpu.memory_space<hbm>> -> memref<1x1x3x48xi32, #tpu.memory_space<hbm>>
    %dma_start3A_30 = tpu.memref_squeeze %dma_start3A_29 : memref<1x1x3x48xi32, #tpu.memory_space<hbm>> -> memref<3x48xi32, #tpu.memory_space<hbm>>
    tpu.enqueue_dma source(%dma_start3A_30 : memref<3x48xi32, #tpu.memory_space<hbm>>) target(%arg9 : memref<3x48xi32, #tpu.memory_space<vmem>>) target_semaphore(%arg18 : memref<!tpu.dma_semaphore, #tpu.memory_space<semaphore_mem>>)
    %dma_wait3A = arith.constant 0 : i32
    %dma_wait3A_31 = arith.constant 0 : i32
    %dma_wait3A_32 = arith.constant 0 : i32
    %dma_wait3A_33 = tpu.memref_slice %arg3[%add3A, %dma_wait3A, %dma_wait3A_31, %dma_wait3A_32] : memref<32x210x3x48xi32, #tpu.memory_space<hbm>> -> memref<1x1x3x48xi32, #tpu.memory_space<hbm>>
    %dma_wait3A_34 = tpu.memref_squeeze %dma_wait3A_33 : memref<1x1x3x48xi32, #tpu.memory_space<hbm>> -> memref<3x48xi32, #tpu.memory_space<hbm>>
    %dma_wait3A_35 = arith.constant 0 : i32
    %dma_wait3A_36 = arith.constant 0 : i32
    %dma_wait3A_37 = tpu.memref_slice %arg3[%add3A, %dma_wait3A, %dma_wait3A_35, %dma_wait3A_36] : memref<32x210x3x48xi32, #tpu.memory_space<hbm>> -> memref<1x1x3x48xi32, #tpu.memory_space<hbm>>
    %dma_wait3A_38 = tpu.memref_squeeze %dma_wait3A_37 : memref<1x1x3x48xi32, #tpu.memory_space<hbm>> -> memref<3x48xi32, #tpu.memory_space<hbm>>
    tpu.wait_dma2 semaphore(%arg17 : memref<!tpu.dma_semaphore, #tpu.memory_space<semaphore_mem>>) src(%dma_wait3A_38 : memref<3x48xi32, #tpu.memory_space<hbm>>) dst(%arg8 : memref<3x48xi32, #tpu.memory_space<vmem>>)
    %dma_start3A_39 = arith.constant 0 : i32
    %dma_start3A_40 = arith.constant 0 : i32
    %dma_start3A_41 = tpu.memref_slice %arg8[%dma_start3A_39, %dma_start3A_40] : memref<3x48xi32, #tpu.memory_space<vmem>> -> memref<1x48xi32, #tpu.memory_space<vmem>>
    %dma_start3A_42 = tpu.memref_squeeze %dma_start3A_41 : memref<1x48xi32, #tpu.memory_space<vmem>> -> memref<48xi32, #tpu.memory_space<vmem>>
    %dma_start3A_43 = arith.constant 0 : i32
    %dma_start3A_44 = arith.constant 0 : i32
    %dma_start3A_45 = tpu.memref_slice %arg6[%dma_start3A_43, %dma_start3A_44] : memref<10000x128xf32, #tpu.memory_space<vmem_shared>> -> memref<10000x128xf32, #tpu.memory_space<vmem_shared>>
    tpu.enqueue_indirect_dma source(%dma_start3A_45 : memref<10000x128xf32, #tpu.memory_space<vmem_shared>>) target(%arg10 : memref<48x128xf32, #tpu.memory_space<vmem>>) offsets(%dma_start3A_42 : memref<48xi32, #tpu.memory_space<vmem>>) semaphore(%arg19 : memref<!tpu.dma_semaphore, #tpu.memory_space<semaphore_mem>>)
    %dma_start3A_46 = arith.constant 1 : i32
    %dma_start3A_47 = arith.constant 0 : i32
    %dma_start3A_48 = tpu.memref_slice %arg8[%dma_start3A_46, %dma_start3A_47] : memref<3x48xi32, #tpu.memory_space<vmem>> -> memref<1x48xi32, #tpu.memory_space<vmem>>
    %dma_start3A_49 = tpu.memref_squeeze %dma_start3A_48 : memref<1x48xi32, #tpu.memory_space<vmem>> -> memref<48xi32, #tpu.memory_space<vmem>>
    %dma_start3A_50 = arith.constant 0 : i32
    %dma_start3A_51 = arith.constant 0 : i32
    %dma_start3A_52 = tpu.memref_slice %arg6[%dma_start3A_50, %dma_start3A_51] : memref<10000x128xf32, #tpu.memory_space<vmem_shared>> -> memref<10000x128xf32, #tpu.memory_space<vmem_shared>>
    tpu.enqueue_indirect_dma source(%dma_start3A_52 : memref<10000x128xf32, #tpu.memory_space<vmem_shared>>) target(%arg11 : memref<48x128xf32, #tpu.memory_space<vmem>>) offsets(%dma_start3A_49 : memref<48xi32, #tpu.memory_space<vmem>>) semaphore(%arg20 : memref<!tpu.dma_semaphore, #tpu.memory_space<semaphore_mem>>)
    %dma_start3A_53 = arith.constant 2 : i32
    %dma_start3A_54 = arith.constant 0 : i32
    %dma_start3A_55 = tpu.memref_slice %arg8[%dma_start3A_53, %dma_start3A_54] : memref<3x48xi32, #tpu.memory_space<vmem>> -> memref<1x48xi32, #tpu.memory_space<vmem>>
    %dma_start3A_56 = tpu.memref_squeeze %dma_start3A_55 : memref<1x48xi32, #tpu.memory_space<vmem>> -> memref<48xi32, #tpu.memory_space<vmem>>
    %dma_start3A_57 = arith.constant 0 : i32
    %dma_start3A_58 = arith.constant 0 : i32
    %dma_start3A_59 = tpu.memref_slice %arg7[%dma_start3A_57, %dma_start3A_58] : memref<16x128xf32, #tpu.memory_space<vmem_shared>> -> memref<16x128xf32, #tpu.memory_space<vmem_shared>>
    tpu.enqueue_indirect_dma source(%dma_start3A_59 : memref<16x128xf32, #tpu.memory_space<vmem_shared>>) target(%arg12 : memref<48x128xf32, #tpu.memory_space<vmem>>) offsets(%dma_start3A_56 : memref<48xi32, #tpu.memory_space<vmem>>) semaphore(%arg21 : memref<!tpu.dma_semaphore, #tpu.memory_space<semaphore_mem>>)
    %dma_wait3A_60 = arith.constant 1 : i32
    %dma_wait3A_61 = arith.constant 0 : i32
    %dma_wait3A_62 = arith.constant 0 : i32
    %dma_wait3A_63 = tpu.memref_slice %arg3[%add3A, %dma_wait3A_60, %dma_wait3A_61, %dma_wait3A_62] : memref<32x210x3x48xi32, #tpu.memory_space<hbm>> -> memref<1x1x3x48xi32, #tpu.memory_space<hbm>>
    %dma_wait3A_64 = tpu.memref_squeeze %dma_wait3A_63 : memref<1x1x3x48xi32, #tpu.memory_space<hbm>> -> memref<3x48xi32, #tpu.memory_space<hbm>>
    %dma_wait3A_65 = arith.constant 0 : i32
    %dma_wait3A_66 = arith.constant 0 : i32
    %dma_wait3A_67 = tpu.memref_slice %arg3[%add3A, %dma_wait3A_60, %dma_wait3A_65, %dma_wait3A_66] : memref<32x210x3x48xi32, #tpu.memory_space<hbm>> -> memref<1x1x3x48xi32, #tpu.memory_space<hbm>>
    %dma_wait3A_68 = tpu.memref_squeeze %dma_wait3A_67 : memref<1x1x3x48xi32, #tpu.memory_space<hbm>> -> memref<3x48xi32, #tpu.memory_space<hbm>>
    tpu.wait_dma2 semaphore(%arg18 : memref<!tpu.dma_semaphore, #tpu.memory_space<semaphore_mem>>) src(%dma_wait3A_68 : memref<3x48xi32, #tpu.memory_space<hbm>>) dst(%arg9 : memref<3x48xi32, #tpu.memory_space<vmem>>)
    %dma_start3A_69 = arith.constant 0 : i32
    %dma_start3A_70 = arith.constant 0 : i32
    %dma_start3A_71 = tpu.memref_slice %arg9[%dma_start3A_69, %dma_start3A_70] : memref<3x48xi32, #tpu.memory_space<vmem>> -> memref<1x48xi32, #tpu.memory_space<vmem>>
    %dma_start3A_72 = tpu.memref_squeeze %dma_start3A_71 : memref<1x48xi32, #tpu.memory_space<vmem>> -> memref<48xi32, #tpu.memory_space<vmem>>
    %dma_start3A_73 = arith.constant 0 : i32
    %dma_start3A_74 = arith.constant 0 : i32
    %dma_start3A_75 = tpu.memref_slice %arg6[%dma_start3A_73, %dma_start3A_74] : memref<10000x128xf32, #tpu.memory_space<vmem_shared>> -> memref<10000x128xf32, #tpu.memory_space<vmem_shared>>
    tpu.enqueue_indirect_dma source(%dma_start3A_75 : memref<10000x128xf32, #tpu.memory_space<vmem_shared>>) target(%arg13 : memref<48x128xf32, #tpu.memory_space<vmem>>) offsets(%dma_start3A_72 : memref<48xi32, #tpu.memory_space<vmem>>) semaphore(%arg22 : memref<!tpu.dma_semaphore, #tpu.memory_space<semaphore_mem>>)
    %dma_start3A_76 = arith.constant 1 : i32
    %dma_start3A_77 = arith.constant 0 : i32
    %dma_start3A_78 = tpu.memref_slice %arg9[%dma_start3A_76, %dma_start3A_77] : memref<3x48xi32, #tpu.memory_space<vmem>> -> memref<1x48xi32, #tpu.memory_space<vmem>>
    %dma_start3A_79 = tpu.memref_squeeze %dma_start3A_78 : memref<1x48xi32, #tpu.memory_space<vmem>> -> memref<48xi32, #tpu.memory_space<vmem>>
    %dma_start3A_80 = arith.constant 0 : i32
    %dma_start3A_81 = arith.constant 0 : i32
    %dma_start3A_82 = tpu.memref_slice %arg6[%dma_start3A_80, %dma_start3A_81] : memref<10000x128xf32, #tpu.memory_space<vmem_shared>> -> memref<10000x128xf32, #tpu.memory_space<vmem_shared>>
    tpu.enqueue_indirect_dma source(%dma_start3A_82 : memref<10000x128xf32, #tpu.memory_space<vmem_shared>>) target(%arg14 : memref<48x128xf32, #tpu.memory_space<vmem>>) offsets(%dma_start3A_79 : memref<48xi32, #tpu.memory_space<vmem>>) semaphore(%arg23 : memref<!tpu.dma_semaphore, #tpu.memory_space<semaphore_mem>>)
    %dma_start3A_83 = arith.constant 2 : i32
    %dma_start3A_84 = arith.constant 0 : i32
    %dma_start3A_85 = tpu.memref_slice %arg9[%dma_start3A_83, %dma_start3A_84] : memref<3x48xi32, #tpu.memory_space<vmem>> -> memref<1x48xi32, #tpu.memory_space<vmem>>
    %dma_start3A_86 = tpu.memref_squeeze %dma_start3A_85 : memref<1x48xi32, #tpu.memory_space<vmem>> -> memref<48xi32, #tpu.memory_space<vmem>>
    %dma_start3A_87 = arith.constant 0 : i32
    %dma_start3A_88 = arith.constant 0 : i32
    %dma_start3A_89 = tpu.memref_slice %arg7[%dma_start3A_87, %dma_start3A_88] : memref<16x128xf32, #tpu.memory_space<vmem_shared>> -> memref<16x128xf32, #tpu.memory_space<vmem_shared>>
    tpu.enqueue_indirect_dma source(%dma_start3A_89 : memref<16x128xf32, #tpu.memory_space<vmem_shared>>) target(%arg15 : memref<48x128xf32, #tpu.memory_space<vmem>>) offsets(%dma_start3A_86 : memref<48xi32, #tpu.memory_space<vmem>>) semaphore(%arg24 : memref<!tpu.dma_semaphore, #tpu.memory_space<semaphore_mem>>)
    %scan3A = arith.constant 209 : i32
    %scan3A_90 = arith.constant 0 : i32
    %scan3A_91 = arith.constant 0 : i32
    %scan3A_92 = arith.constant 105 : i32
    %scan3A_93 = arith.addi %scan3A_91, %scan3A_92 : i32
    %scan3A_94 = arith.constant 1 : i32
    %scan3A_95 = scf.for %scan3A_139 = %scan3A_91 to %scan3A_93 step %scan3A_94 iter_args(%scan3A_140 = %scan3A_90) -> (i32)  : i32 {
      %mul3A_141 = arith.constant 2 : i32
      %mul3A_142 = arith.muli %scan3A_139, %mul3A_141 : i32
      %add3A_143 = arith.constant 0 : i32
      %add3A_144 = arith.addi %mul3A_142, %add3A_143 : i32
      %add3A_145 = arith.constant 2 : i32
      %add3A_146 = arith.addi %add3A_144, %add3A_145 : i32
      %min3A = arith.minsi %add3A_146, %scan3A : i32
      %dma_wait3A_147 = arith.constant 0 : i32
      %dma_wait3A_148 = arith.constant 0 : i32
      %dma_wait3A_149 = tpu.memref_slice %arg8[%dma_wait3A_147, %dma_wait3A_148] : memref<3x48xi32, #tpu.memory_space<vmem>> -> memref<1x48xi32, #tpu.memory_space<vmem>>
      %dma_wait3A_150 = tpu.memref_squeeze %dma_wait3A_149 : memref<1x48xi32, #tpu.memory_space<vmem>> -> memref<48xi32, #tpu.memory_space<vmem>>
      %dma_wait3A_151 = arith.constant 0 : i32
      %dma_wait3A_152 = arith.constant 0 : i32
      %dma_wait3A_153 = tpu.memref_slice %arg6[%dma_wait3A_151, %dma_wait3A_152] : memref<10000x128xf32, #tpu.memory_space<vmem_shared>> -> memref<10000x128xf32, #tpu.memory_space<vmem_shared>>
      tpu.wait_indirect_dma semaphore(%arg19 : memref<!tpu.dma_semaphore, #tpu.memory_space<semaphore_mem>>) src(%dma_wait3A_153 : memref<10000x128xf32, #tpu.memory_space<vmem_shared>>) dst(%arg10 : memref<48x128xf32, #tpu.memory_space<vmem>>)
      %dma_wait3A_154 = arith.constant 1 : i32
      %dma_wait3A_155 = arith.constant 0 : i32
      %dma_wait3A_156 = tpu.memref_slice %arg8[%dma_wait3A_154, %dma_wait3A_155] : memref<3x48xi32, #tpu.memory_space<vmem>> -> memref<1x48xi32, #tpu.memory_space<vmem>>
      %dma_wait3A_157 = tpu.memref_squeeze %dma_wait3A_156 : memref<1x48xi32, #tpu.memory_space<vmem>> -> memref<48xi32, #tpu.memory_space<vmem>>
      %dma_wait3A_158 = arith.constant 0 : i32
      %dma_wait3A_159 = arith.constant 0 : i32
      %dma_wait3A_160 = tpu.memref_slice %arg6[%dma_wait3A_158, %dma_wait3A_159] : memref<10000x128xf32, #tpu.memory_space<vmem_shared>> -> memref<10000x128xf32, #tpu.memory_space<vmem_shared>>
      tpu.wait_indirect_dma semaphore(%arg20 : memref<!tpu.dma_semaphore, #tpu.memory_space<semaphore_mem>>) src(%dma_wait3A_160 : memref<10000x128xf32, #tpu.memory_space<vmem_shared>>) dst(%arg11 : memref<48x128xf32, #tpu.memory_space<vmem>>)
      %dma_wait3A_161 = arith.constant 2 : i32
      %dma_wait3A_162 = arith.constant 0 : i32
      %dma_wait3A_163 = tpu.memref_slice %arg8[%dma_wait3A_161, %dma_wait3A_162] : memref<3x48xi32, #tpu.memory_space<vmem>> -> memref<1x48xi32, #tpu.memory_space<vmem>>
      %dma_wait3A_164 = tpu.memref_squeeze %dma_wait3A_163 : memref<1x48xi32, #tpu.memory_space<vmem>> -> memref<48xi32, #tpu.memory_space<vmem>>
      %dma_wait3A_165 = arith.constant 0 : i32
      %dma_wait3A_166 = arith.constant 0 : i32
      %dma_wait3A_167 = tpu.memref_slice %arg7[%dma_wait3A_165, %dma_wait3A_166] : memref<16x128xf32, #tpu.memory_space<vmem_shared>> -> memref<16x128xf32, #tpu.memory_space<vmem_shared>>
      tpu.wait_indirect_dma semaphore(%arg21 : memref<!tpu.dma_semaphore, #tpu.memory_space<semaphore_mem>>) src(%dma_wait3A_167 : memref<16x128xf32, #tpu.memory_space<vmem_shared>>) dst(%arg12 : memref<48x128xf32, #tpu.memory_space<vmem>>)
      %dma_start3A_168 = arith.constant 0 : i32
      %dma_start3A_169 = arith.constant 0 : i32
      %dma_start3A_170 = tpu.memref_slice %arg3[%add3A, %min3A, %dma_start3A_168, %dma_start3A_169] : memref<32x210x3x48xi32, #tpu.memory_space<hbm>> -> memref<1x1x3x48xi32, #tpu.memory_space<hbm>>
      %dma_start3A_171 = tpu.memref_squeeze %dma_start3A_170 : memref<1x1x3x48xi32, #tpu.memory_space<hbm>> -> memref<3x48xi32, #tpu.memory_space<hbm>>
      %dma_start3A_172 = arith.constant 0 : i32
      %dma_start3A_173 = arith.constant 0 : i32
      %dma_start3A_174 = tpu.memref_slice %arg3[%add3A, %min3A, %dma_start3A_172, %dma_start3A_173] : memref<32x210x3x48xi32, #tpu.memory_space<hbm>> -> memref<1x1x3x48xi32, #tpu.memory_space<hbm>>
      %dma_start3A_175 = tpu.memref_squeeze %dma_start3A_174 : memref<1x1x3x48xi32, #tpu.memory_space<hbm>> -> memref<3x48xi32, #tpu.memory_space<hbm>>
      tpu.enqueue_dma source(%dma_start3A_175 : memref<3x48xi32, #tpu.memory_space<hbm>>) target(%arg8 : memref<3x48xi32, #tpu.memory_space<vmem>>) target_semaphore(%arg17 : memref<!tpu.dma_semaphore, #tpu.memory_space<semaphore_mem>>)
      %scan3A_176 = arith.constant 0 : i32
      %scan3A_177 = arith.constant 0 : i32
      %scan3A_178 = arith.constant 3 : i32
      %scan3A_179 = arith.addi %scan3A_177, %scan3A_178 : i32
      %scan3A_180 = arith.constant 1 : i32
      %scan3A_181 = scf.for %scan3A_285 = %scan3A_177 to %scan3A_179 step %scan3A_180 iter_args(%scan3A_286 = %scan3A_176) -> (i32)  : i32 {
        %mul3A_287 = arith.constant 16 : i32
        %mul3A_288 = arith.muli %scan3A_285, %mul3A_287 : i32
        %broadcast_in_dim3A = arith.constant 0.000000e+00 : f32
        %broadcast_in_dim3A_289 = vector.broadcast %broadcast_in_dim3A : f32 to vector<16xf32>
        %scan3A_290 = arith.constant 0 : i32
        %scan3A_291 = arith.constant 4 : i32
        %scan3A_292 = arith.addi %scan3A_290, %scan3A_291 : i32
        %scan3A_293 = arith.constant 1 : i32
        %scan3A_294 = scf.for %scan3A_308 = %scan3A_290 to %scan3A_292 step %scan3A_293 iter_args(%scan3A_309 = %broadcast_in_dim3A_289) -> (vector<16xf32>)  : i32 {
          %mul3A_310 = arith.constant 4 : i32
          %mul3A_311 = arith.muli %scan3A_308, %mul3A_310 : i32
          %add3A_312 = arith.constant 0 : i32
          %add3A_313 = arith.addi %mul3A_311, %add3A_312 : i32
          %add3A_314 = arith.addi %mul3A_288, %add3A_313 : i32
          %get3A = arith.index_cast %add3A_314 : i32 to index
          %get3A_315 = arith.constant 0 : index
          %get3A_316 = tpu.vector_load %arg10[%get3A, %get3A_315] {strides = array<i32>} : memref<48x128xf32, #tpu.memory_space<vmem>>, vector<1x16xf32>,
          %get3A_317 = vector.shape_cast %get3A_316 : vector<1x16xf32> to vector<16xf32>
          %get3A_318 = arith.index_cast %add3A_314 : i32 to index
          %get3A_319 = arith.constant 0 : index
          %get3A_320 = tpu.vector_load %arg12[%get3A_318, %get3A_319] {strides = array<i32>} : memref<48x128xf32, #tpu.memory_space<vmem>>, vector<1x16xf32>,
          %get3A_321 = vector.shape_cast %get3A_320 : vector<1x16xf32> to vector<16xf32>
          %mul3A_322 = arith.mulf %get3A_317, %get3A_321 : vector<16xf32>
          %get3A_323 = arith.index_cast %add3A_314 : i32 to index
          %get3A_324 = arith.constant 0 : index
          %get3A_325 = tpu.vector_load %arg11[%get3A_323, %get3A_324] {strides = array<i32>} : memref<48x128xf32, #tpu.memory_space<vmem>>, vector<1x16xf32>,
          %get3A_326 = vector.shape_cast %get3A_325 : vector<1x16xf32> to vector<16xf32>
          %mul3A_327 = arith.mulf %mul3A_322, %get3A_326 : vector<16xf32>
          %get3A_328 = arith.index_cast %add3A_314 : i32 to index
          %get3A_329 = arith.constant 16 : index
          %get3A_330 = tpu.vector_load %arg10[%get3A_328, %get3A_329] {strides = array<i32>} : memref<48x128xf32, #tpu.memory_space<vmem>>, vector<1x16xf32>,
          %get3A_331 = vector.shape_cast %get3A_330 : vector<1x16xf32> to vector<16xf32>
          %get3A_332 = arith.index_cast %add3A_314 : i32 to index
          %get3A_333 = arith.constant 16 : index
          %get3A_334 = tpu.vector_load %arg12[%get3A_332, %get3A_333] {strides = array<i32>} : memref<48x128xf32, #tpu.memory_space<vmem>>, vector<1x16xf32>,
          %get3A_335 = vector.shape_cast %get3A_334 : vector<1x16xf32> to vector<16xf32>
          %mul3A_336 = arith.mulf %get3A_331, %get3A_335 : vector<16xf32>
          %get3A_337 = arith.index_cast %add3A_314 : i32 to index
          %get3A_338 = arith.constant 16 : index
          %get3A_339 = tpu.vector_load %arg11[%get3A_337, %get3A_338] {strides = array<i32>} : memref<48x128xf32, #tpu.memory_space<vmem>>, vector<1x16xf32>,
          %get3A_340 = vector.shape_cast %get3A_339 : vector<1x16xf32> to vector<16xf32>
          %mul3A_341 = arith.mulf %mul3A_336, %get3A_340 : vector<16xf32>
          %get3A_342 = arith.index_cast %add3A_314 : i32 to index
          %get3A_343 = arith.constant 32 : index
          %get3A_344 = tpu.vector_load %arg10[%get3A_342, %get3A_343] {strides = array<i32>} : memref<48x128xf32, #tpu.memory_space<vmem>>, vector<1x16xf32>,
          %get3A_345 = vector.shape_cast %get3A_344 : vector<1x16xf32> to vector<16xf32>
          %get3A_346 = arith.index_cast %add3A_314 : i32 to index
          %get3A_347 = arith.constant 32 : index
          %get3A_348 = tpu.vector_load %arg12[%get3A_346, %get3A_347] {strides = array<i32>} : memref<48x128xf32, #tpu.memory_space<vmem>>, vector<1x16xf32>,
          %get3A_349 = vector.shape_cast %get3A_348 : vector<1x16xf32> to vector<16xf32>
          %mul3A_350 = arith.mulf %get3A_345, %get3A_349 : vector<16xf32>
          %get3A_351 = arith.index_cast %add3A_314 : i32 to index
          %get3A_352 = arith.constant 32 : index
          %get3A_353 = tpu.vector_load %arg11[%get3A_351, %get3A_352] {strides = array<i32>} : memref<48x128xf32, #tpu.memory_space<vmem>>, vector<1x16xf32>,
          %get3A_354 = vector.shape_cast %get3A_353 : vector<1x16xf32> to vector<16xf32>
          %mul3A_355 = arith.mulf %mul3A_350, %get3A_354 : vector<16xf32>
          %get3A_356 = arith.index_cast %add3A_314 : i32 to index
          %get3A_357 = arith.constant 48 : index
          %get3A_358 = tpu.vector_load %arg10[%get3A_356, %get3A_357] {strides = array<i32>} : memref<48x128xf32, #tpu.memory_space<vmem>>, vector<1x16xf32>,
          %get3A_359 = vector.shape_cast %get3A_358 : vector<1x16xf32> to vector<16xf32>
          %get3A_360 = arith.index_cast %add3A_314 : i32 to index
          %get3A_361 = arith.constant 48 : index
          %get3A_362 = tpu.vector_load %arg12[%get3A_360, %get3A_361] {strides = array<i32>} : memref<48x128xf32, #tpu.memory_space<vmem>>, vector<1x16xf32>,
          %get3A_363 = vector.shape_cast %get3A_362 : vector<1x16xf32> to vector<16xf32>
          %mul3A_364 = arith.mulf %get3A_359, %get3A_363 : vector<16xf32>
          %get3A_365 = arith.index_cast %add3A_314 : i32 to index
          %get3A_366 = arith.constant 48 : index
          %get3A_367 = tpu.vector_load %arg11[%get3A_365, %get3A_366] {strides = array<i32>} : memref<48x128xf32, #tpu.memory_space<vmem>>, vector<1x16xf32>,
          %get3A_368 = vector.shape_cast %get3A_367 : vector<1x16xf32> to vector<16xf32>
          %mul3A_369 = arith.mulf %mul3A_364, %get3A_368 : vector<16xf32>
          %get3A_370 = arith.index_cast %add3A_314 : i32 to index
          %get3A_371 = arith.constant 64 : index
          %get3A_372 = tpu.vector_load %arg10[%get3A_370, %get3A_371] {strides = array<i32>} : memref<48x128xf32, #tpu.memory_space<vmem>>, vector<1x16xf32>,
          %get3A_373 = vector.shape_cast %get3A_372 : vector<1x16xf32> to vector<16xf32>
          %get3A_374 = arith.index_cast %add3A_314 : i32 to index
          %get3A_375 = arith.constant 64 : index
          %get3A_376 = tpu.vector_load %arg12[%get3A_374, %get3A_375] {strides = array<i32>} : memref<48x128xf32, #tpu.memory_space<vmem>>, vector<1x16xf32>,
          %get3A_377 = vector.shape_cast %get3A_376 : vector<1x16xf32> to vector<16xf32>
          %mul3A_378 = arith.mulf %get3A_373, %get3A_377 : vector<16xf32>
          %get3A_379 = arith.index_cast %add3A_314 : i32 to index
          %get3A_380 = arith.constant 64 : index
          %get3A_381 = tpu.vector_load %arg11[%get3A_379, %get3A_380] {strides = array<i32>} : memref<48x128xf32, #tpu.memory_space<vmem>>, vector<1x16xf32>,
          %get3A_382 = vector.shape_cast %get3A_381 : vector<1x16xf32> to vector<16xf32>
          %mul3A_383 = arith.mulf %mul3A_378, %get3A_382 : vector<16xf32>
          %get3A_384 = arith.index_cast %add3A_314 : i32 to index
          %get3A_385 = arith.constant 80 : index
          %get3A_386 = tpu.vector_load %arg10[%get3A_384, %get3A_385] {strides = array<i32>} : memref<48x128xf32, #tpu.memory_space<vmem>>, vector<1x16xf32>,
          %get3A_387 = vector.shape_cast %get3A_386 : vector<1x16xf32> to vector<16xf32>
          %get3A_388 = arith.index_cast %add3A_314 : i32 to index
          %get3A_389 = arith.constant 80 : index
          %get3A_390 = tpu.vector_load %arg12[%get3A_388, %get3A_389] {strides = array<i32>} : memref<48x128xf32, #tpu.memory_space<vmem>>, vector<1x16xf32>,
          %get3A_391 = vector.shape_cast %get3A_390 : vector<1x16xf32> to vector<16xf32>
          %mul3A_392 = arith.mulf %get3A_387, %get3A_391 : vector<16xf32>
          %get3A_393 = arith.index_cast %add3A_314 : i32 to index
          %get3A_394 = arith.constant 80 : index
          %get3A_395 = tpu.vector_load %arg11[%get3A_393, %get3A_394] {strides = array<i32>} : memref<48x128xf32, #tpu.memory_space<vmem>>, vector<1x16xf32>,
          %get3A_396 = vector.shape_cast %get3A_395 : vector<1x16xf32> to vector<16xf32>
          %mul3A_397 = arith.mulf %mul3A_392, %get3A_396 : vector<16xf32>
          %get3A_398 = arith.index_cast %add3A_314 : i32 to index
          %get3A_399 = arith.constant 96 : index
          %get3A_400 = tpu.vector_load %arg10[%get3A_398, %get3A_399] {strides = array<i32>} : memref<48x128xf32, #tpu.memory_space<vmem>>, vector<1x16xf32>,
          %get3A_401 = vector.shape_cast %get3A_400 : vector<1x16xf32> to vector<16xf32>
          %get3A_402 = arith.index_cast %add3A_314 : i32 to index
          %get3A_403 = arith.constant 96 : index
          %get3A_404 = tpu.vector_load %arg12[%get3A_402, %get3A_403] {strides = array<i32>} : memref<48x128xf32, #tpu.memory_space<vmem>>, vector<1x16xf32>,
          %get3A_405 = vector.shape_cast %get3A_404 : vector<1x16xf32> to vector<16xf32>
          %mul3A_406 = arith.mulf %get3A_401, %get3A_405 : vector<16xf32>
          %get3A_407 = arith.index_cast %add3A_314 : i32 to index
          %get3A_408 = arith.constant 96 : index
          %get3A_409 = tpu.vector_load %arg11[%get3A_407, %get3A_408] {strides = array<i32>} : memref<48x128xf32, #tpu.memory_space<vmem>>, vector<1x16xf32>,
          %get3A_410 = vector.shape_cast %get3A_409 : vector<1x16xf32> to vector<16xf32>
          %mul3A_411 = arith.mulf %mul3A_406, %get3A_410 : vector<16xf32>
          %get3A_412 = arith.index_cast %add3A_314 : i32 to index
          %get3A_413 = arith.constant 112 : index
          %get3A_414 = tpu.vector_load %arg10[%get3A_412, %get3A_413] {strides = array<i32>} : memref<48x128xf32, #tpu.memory_space<vmem>>, vector<1x16xf32>,
          %get3A_415 = vector.shape_cast %get3A_414 : vector<1x16xf32> to vector<16xf32>
          %get3A_416 = arith.index_cast %add3A_314 : i32 to index
          %get3A_417 = arith.constant 112 : index
          %get3A_418 = tpu.vector_load %arg12[%get3A_416, %get3A_417] {strides = array<i32>} : memref<48x128xf32, #tpu.memory_space<vmem>>, vector<1x16xf32>,
          %get3A_419 = vector.shape_cast %get3A_418 : vector<1x16xf32> to vector<16xf32>
          %mul3A_420 = arith.mulf %get3A_415, %get3A_419 : vector<16xf32>
          %get3A_421 = arith.index_cast %add3A_314 : i32 to index
          %get3A_422 = arith.constant 112 : index
          %get3A_423 = tpu.vector_load %arg11[%get3A_421, %get3A_422] {strides = array<i32>} : memref<48x128xf32, #tpu.memory_space<vmem>>, vector<1x16xf32>,
          %get3A_424 = vector.shape_cast %get3A_423 : vector<1x16xf32> to vector<16xf32>
          %mul3A_425 = arith.mulf %mul3A_420, %get3A_424 : vector<16xf32>
          %add3A_426 = arith.addf %mul3A_327, %mul3A_341 : vector<16xf32>
          %add3A_427 = arith.addf %mul3A_355, %mul3A_369 : vector<16xf32>
          %add3A_428 = arith.addf %mul3A_383, %mul3A_397 : vector<16xf32>
          %add3A_429 = arith.addf %mul3A_411, %mul3A_425 : vector<16xf32>
          %add3A_430 = arith.addf %add3A_426, %add3A_427 : vector<16xf32>
          %add3A_431 = arith.addf %add3A_428, %add3A_429 : vector<16xf32>
          %add3A_432 = arith.addf %add3A_430, %add3A_431 : vector<16xf32>
          %broadcast_in_dim3A_433 = vector.shape_cast %xor3A_2 : vector<16xi32> to vector<16x1xi32>
          %gather3A = vector.shape_cast %broadcast_in_dim3A_433 : vector<16x1xi32> to vector<16xi32>
          %gather3A_434 = tpu.dynamic_gather %add3A_432[%gather3A] in [0] : vector<16xf32>, vector<16xi32> -> vector<16xf32>
          %add3A_435 = arith.addf %add3A_432, %gather3A_434 : vector<16xf32>
          %broadcast_in_dim3A_436 = vector.shape_cast %xor3A_5 : vector<16xi32> to vector<16x1xi32>
          %gather3A_437 = vector.shape_cast %broadcast_in_dim3A_436 : vector<16x1xi32> to vector<16xi32>
          %gather3A_438 = tpu.dynamic_gather %add3A_435[%gather3A_437] in [0] : vector<16xf32>, vector<16xi32> -> vector<16xf32>
          %add3A_439 = arith.addf %add3A_435, %gather3A_438 : vector<16xf32>
          %broadcast_in_dim3A_440 = vector.shape_cast %xor3A_8 : vector<16xi32> to vector<16x1xi32>
          %gather3A_441 = vector.shape_cast %broadcast_in_dim3A_440 : vector<16x1xi32> to vector<16xi32>
          %gather3A_442 = tpu.dynamic_gather %add3A_439[%gather3A_441] in [0] : vector<16xf32>, vector<16xi32> -> vector<16xf32>
          %add3A_443 = arith.addf %add3A_439, %gather3A_442 : vector<16xf32>
          %broadcast_in_dim3A_444 = vector.shape_cast %xor3A_11 : vector<16xi32> to vector<16x1xi32>
          %gather3A_445 = vector.shape_cast %broadcast_in_dim3A_444 : vector<16x1xi32> to vector<16xi32>
          %gather3A_446 = tpu.dynamic_gather %add3A_443[%gather3A_445] in [0] : vector<16xf32>, vector<16xi32> -> vector<16xf32>
          %add3A_447 = arith.addf %add3A_443, %gather3A_446 : vector<16xf32>
          %eq3A_448 = vector.broadcast %add3A_313 : i32 to vector<16xi32>
          %eq3A_449 = arith.cmpi eq, %iota3A, %eq3A_448 : vector<16xi32>
          %select_n3A = arith.select %eq3A_449, %add3A_447, %scan3A_309 : vector<16xi1>, vector<16xf32>
          %mul3A_450 = arith.constant 4 : i32
          %mul3A_451 = arith.muli %scan3A_308, %mul3A_450 : i32
          %add3A_452 = arith.constant 1 : i32
          %add3A_453 = arith.addi %mul3A_451, %add3A_452 : i32
          %add3A_454 = arith.addi %mul3A_288, %add3A_453 : i32
          %get3A_455 = arith.index_cast %add3A_454 : i32 to index
          %get3A_456 = arith.constant 0 : index
          %get3A_457 = tpu.vector_load %arg10[%get3A_455, %get3A_456] {strides = array<i32>} : memref<48x128xf32, #tpu.memory_space<vmem>>, vector<1x16xf32>,
          %get3A_458 = vector.shape_cast %get3A_457 : vector<1x16xf32> to vector<16xf32>
          %get3A_459 = arith.index_cast %add3A_454 : i32 to index
          %get3A_460 = arith.constant 0 : index
          %get3A_461 = tpu.vector_load %arg12[%get3A_459, %get3A_460] {strides = array<i32>} : memref<48x128xf32, #tpu.memory_space<vmem>>, vector<1x16xf32>,
          %get3A_462 = vector.shape_cast %get3A_461 : vector<1x16xf32> to vector<16xf32>
          %mul3A_463 = arith.mulf %get3A_458, %get3A_462 : vector<16xf32>
          %get3A_464 = arith.index_cast %add3A_454 : i32 to index
          %get3A_465 = arith.constant 0 : index
          %get3A_466 = tpu.vector_load %arg11[%get3A_464, %get3A_465] {strides = array<i32>} : memref<48x128xf32, #tpu.memory_space<vmem>>, vector<1x16xf32>,
          %get3A_467 = vector.shape_cast %get3A_466 : vector<1x16xf32> to vector<16xf32>
          %mul3A_468 = arith.mulf %mul3A_463, %get3A_467 : vector<16xf32>
          %get3A_469 = arith.index_cast %add3A_454 : i32 to index
          %get3A_470 = arith.constant 16 : index
          %get3A_471 = tpu.vector_load %arg10[%get3A_469, %get3A_470] {strides = array<i32>} : memref<48x128xf32, #tpu.memory_space<vmem>>, vector<1x16xf32>,
          %get3A_472 = vector.shape_cast %get3A_471 : vector<1x16xf32> to vector<16xf32>
          %get3A_473 = arith.index_cast %add3A_454 : i32 to index
          %get3A_474 = arith.constant 16 : index
          %get3A_475 = tpu.vector_load %arg12[%get3A_473, %get3A_474] {strides = array<i32>} : memref<48x128xf32, #tpu.memory_space<vmem>>, vector<1x16xf32>,
          %get3A_476 = vector.shape_cast %get3A_475 : vector<1x16xf32> to vector<16xf32>
          %mul3A_477 = arith.mulf %get3A_472, %get3A_476 : vector<16xf32>
          %get3A_478 = arith.index_cast %add3A_454 : i32 to index
          %get3A_479 = arith.constant 16 : index
          %get3A_480 = tpu.vector_load %arg11[%get3A_478, %get3A_479] {strides = array<i32>} : memref<48x128xf32, #tpu.memory_space<vmem>>, vector<1x16xf32>,
          %get3A_481 = vector.shape_cast %get3A_480 : vector<1x16xf32> to vector<16xf32>
          %mul3A_482 = arith.mulf %mul3A_477, %get3A_481 : vector<16xf32>
          %get3A_483 = arith.index_cast %add3A_454 : i32 to index
          %get3A_484 = arith.constant 32 : index
          %get3A_485 = tpu.vector_load %arg10[%get3A_483, %get3A_484] {strides = array<i32>} : memref<48x128xf32, #tpu.memory_space<vmem>>, vector<1x16xf32>,
          %get3A_486 = vector.shape_cast %get3A_485 : vector<1x16xf32> to vector<16xf32>
          %get3A_487 = arith.index_cast %add3A_454 : i32 to index
          %get3A_488 = arith.constant 32 : index
          %get3A_489 = tpu.vector_load %arg12[%get3A_487, %get3A_488] {strides = array<i32>} : memref<48x128xf32, #tpu.memory_space<vmem>>, vector<1x16xf32>,
          %get3A_490 = vector.shape_cast %get3A_489 : vector<1x16xf32> to vector<16xf32>
          %mul3A_491 = arith.mulf %get3A_486, %get3A_490 : vector<16xf32>
          %get3A_492 = arith.index_cast %add3A_454 : i32 to index
          %get3A_493 = arith.constant 32 : index
          %get3A_494 = tpu.vector_load %arg11[%get3A_492, %get3A_493] {strides = array<i32>} : memref<48x128xf32, #tpu.memory_space<vmem>>, vector<1x16xf32>,
          %get3A_495 = vector.shape_cast %get3A_494 : vector<1x16xf32> to vector<16xf32>
          %mul3A_496 = arith.mulf %mul3A_491, %get3A_495 : vector<16xf32>
          %get3A_497 = arith.index_cast %add3A_454 : i32 to index
          %get3A_498 = arith.constant 48 : index
          %get3A_499 = tpu.vector_load %arg10[%get3A_497, %get3A_498] {strides = array<i32>} : memref<48x128xf32, #tpu.memory_space<vmem>>, vector<1x16xf32>,
          %get3A_500 = vector.shape_cast %get3A_499 : vector<1x16xf32> to vector<16xf32>
          %get3A_501 = arith.index_cast %add3A_454 : i32 to index
          %get3A_502 = arith.constant 48 : index
          %get3A_503 = tpu.vector_load %arg12[%get3A_501, %get3A_502] {strides = array<i32>} : memref<48x128xf32, #tpu.memory_space<vmem>>, vector<1x16xf32>,
          %get3A_504 = vector.shape_cast %get3A_503 : vector<1x16xf32> to vector<16xf32>
          %mul3A_505 = arith.mulf %get3A_500, %get3A_504 : vector<16xf32>
          %get3A_506 = arith.index_cast %add3A_454 : i32 to index
          %get3A_507 = arith.constant 48 : index
          %get3A_508 = tpu.vector_load %arg11[%get3A_506, %get3A_507] {strides = array<i32>} : memref<48x128xf32, #tpu.memory_space<vmem>>, vector<1x16xf32>,
          %get3A_509 = vector.shape_cast %get3A_508 : vector<1x16xf32> to vector<16xf32>
          %mul3A_510 = arith.mulf %mul3A_505, %get3A_509 : vector<16xf32>
          %get3A_511 = arith.index_cast %add3A_454 : i32 to index
          %get3A_512 = arith.constant 64 : index
          %get3A_513 = tpu.vector_load %arg10[%get3A_511, %get3A_512] {strides = array<i32>} : memref<48x128xf32, #tpu.memory_space<vmem>>, vector<1x16xf32>,
          %get3A_514 = vector.shape_cast %get3A_513 : vector<1x16xf32> to vector<16xf32>
          %get3A_515 = arith.index_cast %add3A_454 : i32 to index
          %get3A_516 = arith.constant 64 : index
          %get3A_517 = tpu.vector_load %arg12[%get3A_515, %get3A_516] {strides = array<i32>} : memref<48x128xf32, #tpu.memory_space<vmem>>, vector<1x16xf32>,
          %get3A_518 = vector.shape_cast %get3A_517 : vector<1x16xf32> to vector<16xf32>
          %mul3A_519 = arith.mulf %get3A_514, %get3A_518 : vector<16xf32>
          %get3A_520 = arith.index_cast %add3A_454 : i32 to index
          %get3A_521 = arith.constant 64 : index
          %get3A_522 = tpu.vector_load %arg11[%get3A_520, %get3A_521] {strides = array<i32>} : memref<48x128xf32, #tpu.memory_space<vmem>>, vector<1x16xf32>,
          %get3A_523 = vector.shape_cast %get3A_522 : vector<1x16xf32> to vector<16xf32>
          %mul3A_524 = arith.mulf %mul3A_519, %get3A_523 : vector<16xf32>
          %get3A_525 = arith.index_cast %add3A_454 : i32 to index
          %get3A_526 = arith.constant 80 : index
          %get3A_527 = tpu.vector_load %arg10[%get3A_525, %get3A_526] {strides = array<i32>} : memref<48x128xf32, #tpu.memory_space<vmem>>, vector<1x16xf32>,
          %get3A_528 = vector.shape_cast %get3A_527 : vector<1x16xf32> to vector<16xf32>
          %get3A_529 = arith.index_cast %add3A_454 : i32 to index
          %get3A_530 = arith.constant 80 : index
          %get3A_531 = tpu.vector_load %arg12[%get3A_529, %get3A_530] {strides = array<i32>} : memref<48x128xf32, #tpu.memory_space<vmem>>, vector<1x16xf32>,
          %get3A_532 = vector.shape_cast %get3A_531 : vector<1x16xf32> to vector<16xf32>
          %mul3A_533 = arith.mulf %get3A_528, %get3A_532 : vector<16xf32>
          %get3A_534 = arith.index_cast %add3A_454 : i32 to index
          %get3A_535 = arith.constant 80 : index
          %get3A_536 = tpu.vector_load %arg11[%get3A_534, %get3A_535] {strides = array<i32>} : memref<48x128xf32, #tpu.memory_space<vmem>>, vector<1x16xf32>,
          %get3A_537 = vector.shape_cast %get3A_536 : vector<1x16xf32> to vector<16xf32>
          %mul3A_538 = arith.mulf %mul3A_533, %get3A_537 : vector<16xf32>
          %get3A_539 = arith.index_cast %add3A_454 : i32 to index
          %get3A_540 = arith.constant 96 : index
          %get3A_541 = tpu.vector_load %arg10[%get3A_539, %get3A_540] {strides = array<i32>} : memref<48x128xf32, #tpu.memory_space<vmem>>, vector<1x16xf32>,
          %get3A_542 = vector.shape_cast %get3A_541 : vector<1x16xf32> to vector<16xf32>
          %get3A_543 = arith.index_cast %add3A_454 : i32 to index
          %get3A_544 = arith.constant 96 : index
          %get3A_545 = tpu.vector_load %arg12[%get3A_543, %get3A_544] {strides = array<i32>} : memref<48x128xf32, #tpu.memory_space<vmem>>, vector<1x16xf32>,
          %get3A_546 = vector.shape_cast %get3A_545 : vector<1x16xf32> to vector<16xf32>
          %mul3A_547 = arith.mulf %get3A_542, %get3A_546 : vector<16xf32>
          %get3A_548 = arith.index_cast %add3A_454 : i32 to index
          %get3A_549 = arith.constant 96 : index
          %get3A_550 = tpu.vector_load %arg11[%get3A_548, %get3A_549] {strides = array<i32>} : memref<48x128xf32, #tpu.memory_space<vmem>>, vector<1x16xf32>,
          %get3A_551 = vector.shape_cast %get3A_550 : vector<1x16xf32> to vector<16xf32>
          %mul3A_552 = arith.mulf %mul3A_547, %get3A_551 : vector<16xf32>
          %get3A_553 = arith.index_cast %add3A_454 : i32 to index
          %get3A_554 = arith.constant 112 : index
          %get3A_555 = tpu.vector_load %arg10[%get3A_553, %get3A_554] {strides = array<i32>} : memref<48x128xf32, #tpu.memory_space<vmem>>, vector<1x16xf32>,
          %get3A_556 = vector.shape_cast %get3A_555 : vector<1x16xf32> to vector<16xf32>
          %get3A_557 = arith.index_cast %add3A_454 : i32 to index
          %get3A_558 = arith.constant 112 : index
          %get3A_559 = tpu.vector_load %arg12[%get3A_557, %get3A_558] {strides = array<i32>} : memref<48x128xf32, #tpu.memory_space<vmem>>, vector<1x16xf32>,
          %get3A_560 = vector.shape_cast %get3A_559 : vector<1x16xf32> to vector<16xf32>
          %mul3A_561 = arith.mulf %get3A_556, %get3A_560 : vector<16xf32>
          %get3A_562 = arith.index_cast %add3A_454 : i32 to index
          %get3A_563 = arith.constant 112 : index
          %get3A_564 = tpu.vector_load %arg11[%get3A_562, %get3A_563] {strides = array<i32>} : memref<48x128xf32, #tpu.memory_space<vmem>>, vector<1x16xf32>,
          %get3A_565 = vector.shape_cast %get3A_564 : vector<1x16xf32> to vector<16xf32>
          %mul3A_566 = arith.mulf %mul3A_561, %get3A_565 : vector<16xf32>
          %add3A_567 = arith.addf %mul3A_468, %mul3A_482 : vector<16xf32>
          %add3A_568 = arith.addf %mul3A_496, %mul3A_510 : vector<16xf32>
          %add3A_569 = arith.addf %mul3A_524, %mul3A_538 : vector<16xf32>
          %add3A_570 = arith.addf %mul3A_552, %mul3A_566 : vector<16xf32>
          %add3A_571 = arith.addf %add3A_567, %add3A_568 : vector<16xf32>
          %add3A_572 = arith.addf %add3A_569, %add3A_570 : vector<16xf32>
          %add3A_573 = arith.addf %add3A_571, %add3A_572 : vector<16xf32>
          %broadcast_in_dim3A_574 = vector.shape_cast %xor3A_2 : vector<16xi32> to vector<16x1xi32>
          %gather3A_575 = vector.shape_cast %broadcast_in_dim3A_574 : vector<16x1xi32> to vector<16xi32>
          %gather3A_576 = tpu.dynamic_gather %add3A_573[%gather3A_575] in [0] : vector<16xf32>, vector<16xi32> -> vector<16xf32>
          %add3A_577 = arith.addf %add3A_573, %gather3A_576 : vector<16xf32>
          %broadcast_in_dim3A_578 = vector.shape_cast %xor3A_5 : vector<16xi32> to vector<16x1xi32>
          %gather3A_579 = vector.shape_cast %broadcast_in_dim3A_578 : vector<16x1xi32> to vector<16xi32>
          %gather3A_580 = tpu.dynamic_gather %add3A_577[%gather3A_579] in [0] : vector<16xf32>, vector<16xi32> -> vector<16xf32>
          %add3A_581 = arith.addf %add3A_577, %gather3A_580 : vector<16xf32>
          %broadcast_in_dim3A_582 = vector.shape_cast %xor3A_8 : vector<16xi32> to vector<16x1xi32>
          %gather3A_583 = vector.shape_cast %broadcast_in_dim3A_582 : vector<16x1xi32> to vector<16xi32>
          %gather3A_584 = tpu.dynamic_gather %add3A_581[%gather3A_583] in [0] : vector<16xf32>, vector<16xi32> -> vector<16xf32>
          %add3A_585 = arith.addf %add3A_581, %gather3A_584 : vector<16xf32>
          %broadcast_in_dim3A_586 = vector.shape_cast %xor3A_11 : vector<16xi32> to vector<16x1xi32>
          %gather3A_587 = vector.shape_cast %broadcast_in_dim3A_586 : vector<16x1xi32> to vector<16xi32>
          %gather3A_588 = tpu.dynamic_gather %add3A_585[%gather3A_587] in [0] : vector<16xf32>, vector<16xi32> -> vector<16xf32>
          %add3A_589 = arith.addf %add3A_585, %gather3A_588 : vector<16xf32>
          %eq3A_590 = vector.broadcast %add3A_453 : i32 to vector<16xi32>
          %eq3A_591 = arith.cmpi eq, %iota3A, %eq3A_590 : vector<16xi32>
          %select_n3A_592 = arith.select %eq3A_591, %add3A_589, %select_n3A : vector<16xi1>, vector<16xf32>
          %mul3A_593 = arith.constant 4 : i32
          %mul3A_594 = arith.muli %scan3A_308, %mul3A_593 : i32
          %add3A_595 = arith.constant 2 : i32
          %add3A_596 = arith.addi %mul3A_594, %add3A_595 : i32
          %add3A_597 = arith.addi %mul3A_288, %add3A_596 : i32
          %get3A_598 = arith.index_cast %add3A_597 : i32 to index
          %get3A_599 = arith.constant 0 : index
          %get3A_600 = tpu.vector_load %arg10[%get3A_598, %get3A_599] {strides = array<i32>} : memref<48x128xf32, #tpu.memory_space<vmem>>, vector<1x16xf32>,
          %get3A_601 = vector.shape_cast %get3A_600 : vector<1x16xf32> to vector<16xf32>
          %get3A_602 = arith.index_cast %add3A_597 : i32 to index
          %get3A_603 = arith.constant 0 : index
          %get3A_604 = tpu.vector_load %arg12[%get3A_602, %get3A_603] {strides = array<i32>} : memref<48x128xf32, #tpu.memory_space<vmem>>, vector<1x16xf32>,
          %get3A_605 = vector.shape_cast %get3A_604 : vector<1x16xf32> to vector<16xf32>
          %mul3A_606 = arith.mulf %get3A_601, %get3A_605 : vector<16xf32>
          %get3A_607 = arith.index_cast %add3A_597 : i32 to index
          %get3A_608 = arith.constant 0 : index
          %get3A_609 = tpu.vector_load %arg11[%get3A_607, %get3A_608] {strides = array<i32>} : memref<48x128xf32, #tpu.memory_space<vmem>>, vector<1x16xf32>,
          %get3A_610 = vector.shape_cast %get3A_609 : vector<1x16xf32> to vector<16xf32>
          %mul3A_611 = arith.mulf %mul3A_606, %get3A_610 : vector<16xf32>
          %get3A_612 = arith.index_cast %add3A_597 : i32 to index
          %get3A_613 = arith.constant 16 : index
          %get3A_614 = tpu.vector_load %arg10[%get3A_612, %get3A_613] {strides = array<i32>} : memref<48x128xf32, #tpu.memory_space<vmem>>, vector<1x16xf32>,
          %get3A_615 = vector.shape_cast %get3A_614 : vector<1x16xf32> to vector<16xf32>
          %get3A_616 = arith.index_cast %add3A_597 : i32 to index
          %get3A_617 = arith.constant 16 : index
          %get3A_618 = tpu.vector_load %arg12[%get3A_616, %get3A_617] {strides = array<i32>} : memref<48x128xf32, #tpu.memory_space<vmem>>, vector<1x16xf32>,
          %get3A_619 = vector.shape_cast %get3A_618 : vector<1x16xf32> to vector<16xf32>
          %mul3A_620 = arith.mulf %get3A_615, %get3A_619 : vector<16xf32>
          %get3A_621 = arith.index_cast %add3A_597 : i32 to index
          %get3A_622 = arith.constant 16 : index
          %get3A_623 = tpu.vector_load %arg11[%get3A_621, %get3A_622] {strides = array<i32>} : memref<48x128xf32, #tpu.memory_space<vmem>>, vector<1x16xf32>,
          %get3A_624 = vector.shape_cast %get3A_623 : vector<1x16xf32> to vector<16xf32>
          %mul3A_625 = arith.mulf %mul3A_620, %get3A_624 : vector<16xf32>
          %get3A_626 = arith.index_cast %add3A_597 : i32 to index
          %get3A_627 = arith.constant 32 : index
          %get3A_628 = tpu.vector_load %arg10[%get3A_626, %get3A_627] {strides = array<i32>} : memref<48x128xf32, #tpu.memory_space<vmem>>, vector<1x16xf32>,
          %get3A_629 = vector.shape_cast %get3A_628 : vector<1x16xf32> to vector<16xf32>
          %get3A_630 = arith.index_cast %add3A_597 : i32 to index
          %get3A_631 = arith.constant 32 : index
          %get3A_632 = tpu.vector_load %arg12[%get3A_630, %get3A_631] {strides = array<i32>} : memref<48x128xf32, #tpu.memory_space<vmem>>, vector<1x16xf32>,
          %get3A_633 = vector.shape_cast %get3A_632 : vector<1x16xf32> to vector<16xf32>
          %mul3A_634 = arith.mulf %get3A_629, %get3A_633 : vector<16xf32>
          %get3A_635 = arith.index_cast %add3A_597 : i32 to index
          %get3A_636 = arith.constant 32 : index
          %get3A_637 = tpu.vector_load %arg11[%get3A_635, %get3A_636] {strides = array<i32>} : memref<48x128xf32, #tpu.memory_space<vmem>>, vector<1x16xf32>,
          %get3A_638 = vector.shape_cast %get3A_637 : vector<1x16xf32> to vector<16xf32>
          %mul3A_639 = arith.mulf %mul3A_634, %get3A_638 : vector<16xf32>
          %get3A_640 = arith.index_cast %add3A_597 : i32 to index
          %get3A_641 = arith.constant 48 : index
          %get3A_642 = tpu.vector_load %arg10[%get3A_640, %get3A_641] {strides = array<i32>} : memref<48x128xf32, #tpu.memory_space<vmem>>, vector<1x16xf32>,
          %get3A_643 = vector.shape_cast %get3A_642 : vector<1x16xf32> to vector<16xf32>
          %get3A_644 = arith.index_cast %add3A_597 : i32 to index
          %get3A_645 = arith.constant 48 : index
          %get3A_646 = tpu.vector_load %arg12[%get3A_644, %get3A_645] {strides = array<i32>} : memref<48x128xf32, #tpu.memory_space<vmem>>, vector<1x16xf32>,
          %get3A_647 = vector.shape_cast %get3A_646 : vector<1x16xf32> to vector<16xf32>
          %mul3A_648 = arith.mulf %get3A_643, %get3A_647 : vector<16xf32>
          %get3A_649 = arith.index_cast %add3A_597 : i32 to index
          %get3A_650 = arith.constant 48 : index
          %get3A_651 = tpu.vector_load %arg11[%get3A_649, %get3A_650] {strides = array<i32>} : memref<48x128xf32, #tpu.memory_space<vmem>>, vector<1x16xf32>,
          %get3A_652 = vector.shape_cast %get3A_651 : vector<1x16xf32> to vector<16xf32>
          %mul3A_653 = arith.mulf %mul3A_648, %get3A_652 : vector<16xf32>
          %get3A_654 = arith.index_cast %add3A_597 : i32 to index
          %get3A_655 = arith.constant 64 : index
          %get3A_656 = tpu.vector_load %arg10[%get3A_654, %get3A_655] {strides = array<i32>} : memref<48x128xf32, #tpu.memory_space<vmem>>, vector<1x16xf32>,
          %get3A_657 = vector.shape_cast %get3A_656 : vector<1x16xf32> to vector<16xf32>
          %get3A_658 = arith.index_cast %add3A_597 : i32 to index
          %get3A_659 = arith.constant 64 : index
          %get3A_660 = tpu.vector_load %arg12[%get3A_658, %get3A_659] {strides = array<i32>} : memref<48x128xf32, #tpu.memory_space<vmem>>, vector<1x16xf32>,
          %get3A_661 = vector.shape_cast %get3A_660 : vector<1x16xf32> to vector<16xf32>
          %mul3A_662 = arith.mulf %get3A_657, %get3A_661 : vector<16xf32>
          %get3A_663 = arith.index_cast %add3A_597 : i32 to index
          %get3A_664 = arith.constant 64 : index
          %get3A_665 = tpu.vector_load %arg11[%get3A_663, %get3A_664] {strides = array<i32>} : memref<48x128xf32, #tpu.memory_space<vmem>>, vector<1x16xf32>,
          %get3A_666 = vector.shape_cast %get3A_665 : vector<1x16xf32> to vector<16xf32>
          %mul3A_667 = arith.mulf %mul3A_662, %get3A_666 : vector<16xf32>
          %get3A_668 = arith.index_cast %add3A_597 : i32 to index
          %get3A_669 = arith.constant 80 : index
          %get3A_670 = tpu.vector_load %arg10[%get3A_668, %get3A_669] {strides = array<i32>} : memref<48x128xf32, #tpu.memory_space<vmem>>, vector<1x16xf32>,
          %get3A_671 = vector.shape_cast %get3A_670 : vector<1x16xf32> to vector<16xf32>
          %get3A_672 = arith.index_cast %add3A_597 : i32 to index
          %get3A_673 = arith.constant 80 : index
          %get3A_674 = tpu.vector_load %arg12[%get3A_672, %get3A_673] {strides = array<i32>} : memref<48x128xf32, #tpu.memory_space<vmem>>, vector<1x16xf32>,
          %get3A_675 = vector.shape_cast %get3A_674 : vector<1x16xf32> to vector<16xf32>
          %mul3A_676 = arith.mulf %get3A_671, %get3A_675 : vector<16xf32>
          %get3A_677 = arith.index_cast %add3A_597 : i32 to index
          %get3A_678 = arith.constant 80 : index
          %get3A_679 = tpu.vector_load %arg11[%get3A_677, %get3A_678] {strides = array<i32>} : memref<48x128xf32, #tpu.memory_space<vmem>>, vector<1x16xf32>,
          %get3A_680 = vector.shape_cast %get3A_679 : vector<1x16xf32> to vector<16xf32>
          %mul3A_681 = arith.mulf %mul3A_676, %get3A_680 : vector<16xf32>
          %get3A_682 = arith.index_cast %add3A_597 : i32 to index
          %get3A_683 = arith.constant 96 : index
          %get3A_684 = tpu.vector_load %arg10[%get3A_682, %get3A_683] {strides = array<i32>} : memref<48x128xf32, #tpu.memory_space<vmem>>, vector<1x16xf32>,
          %get3A_685 = vector.shape_cast %get3A_684 : vector<1x16xf32> to vector<16xf32>
          %get3A_686 = arith.index_cast %add3A_597 : i32 to index
          %get3A_687 = arith.constant 96 : index
          %get3A_688 = tpu.vector_load %arg12[%get3A_686, %get3A_687] {strides = array<i32>} : memref<48x128xf32, #tpu.memory_space<vmem>>, vector<1x16xf32>,
          %get3A_689 = vector.shape_cast %get3A_688 : vector<1x16xf32> to vector<16xf32>
          %mul3A_690 = arith.mulf %get3A_685, %get3A_689 : vector<16xf32>
          %get3A_691 = arith.index_cast %add3A_597 : i32 to index
          %get3A_692 = arith.constant 96 : index
          %get3A_693 = tpu.vector_load %arg11[%get3A_691, %get3A_692] {strides = array<i32>} : memref<48x128xf32, #tpu.memory_space<vmem>>, vector<1x16xf32>,
          %get3A_694 = vector.shape_cast %get3A_693 : vector<1x16xf32> to vector<16xf32>
          %mul3A_695 = arith.mulf %mul3A_690, %get3A_694 : vector<16xf32>
          %get3A_696 = arith.index_cast %add3A_597 : i32 to index
          %get3A_697 = arith.constant 112 : index
          %get3A_698 = tpu.vector_load %arg10[%get3A_696, %get3A_697] {strides = array<i32>} : memref<48x128xf32, #tpu.memory_space<vmem>>, vector<1x16xf32>,
          %get3A_699 = vector.shape_cast %get3A_698 : vector<1x16xf32> to vector<16xf32>
          %get3A_700 = arith.index_cast %add3A_597 : i32 to index
          %get3A_701 = arith.constant 112 : index
          %get3A_702 = tpu.vector_load %arg12[%get3A_700, %get3A_701] {strides = array<i32>} : memref<48x128xf32, #tpu.memory_space<vmem>>, vector<1x16xf32>,
          %get3A_703 = vector.shape_cast %get3A_702 : vector<1x16xf32> to vector<16xf32>
          %mul3A_704 = arith.mulf %get3A_699, %get3A_703 : vector<16xf32>
          %get3A_705 = arith.index_cast %add3A_597 : i32 to index
          %get3A_706 = arith.constant 112 : index
          %get3A_707 = tpu.vector_load %arg11[%get3A_705, %get3A_706] {strides = array<i32>} : memref<48x128xf32, #tpu.memory_space<vmem>>, vector<1x16xf32>,
          %get3A_708 = vector.shape_cast %get3A_707 : vector<1x16xf32> to vector<16xf32>
          %mul3A_709 = arith.mulf %mul3A_704, %get3A_708 : vector<16xf32>
          %add3A_710 = arith.addf %mul3A_611, %mul3A_625 : vector<16xf32>
          %add3A_711 = arith.addf %mul3A_639, %mul3A_653 : vector<16xf32>
          %add3A_712 = arith.addf %mul3A_667, %mul3A_681 : vector<16xf32>
          %add3A_713 = arith.addf %mul3A_695, %mul3A_709 : vector<16xf32>
          %add3A_714 = arith.addf %add3A_710, %add3A_711 : vector<16xf32>
          %add3A_715 = arith.addf %add3A_712, %add3A_713 : vector<16xf32>
          %add3A_716 = arith.addf %add3A_714, %add3A_715 : vector<16xf32>
          %broadcast_in_dim3A_717 = vector.shape_cast %xor3A_2 : vector<16xi32> to vector<16x1xi32>
          %gather3A_718 = vector.shape_cast %broadcast_in_dim3A_717 : vector<16x1xi32> to vector<16xi32>
          %gather3A_719 = tpu.dynamic_gather %add3A_716[%gather3A_718] in [0] : vector<16xf32>, vector<16xi32> -> vector<16xf32>
          %add3A_720 = arith.addf %add3A_716, %gather3A_719 : vector<16xf32>
          %broadcast_in_dim3A_721 = vector.shape_cast %xor3A_5 : vector<16xi32> to vector<16x1xi32>
          %gather3A_722 = vector.shape_cast %broadcast_in_dim3A_721 : vector<16x1xi32> to vector<16xi32>
          %gather3A_723 = tpu.dynamic_gather %add3A_720[%gather3A_722] in [0] : vector<16xf32>, vector<16xi32> -> vector<16xf32>
          %add3A_724 = arith.addf %add3A_720, %gather3A_723 : vector<16xf32>
          %broadcast_in_dim3A_725 = vector.shape_cast %xor3A_8 : vector<16xi32> to vector<16x1xi32>
          %gather3A_726 = vector.shape_cast %broadcast_in_dim3A_725 : vector<16x1xi32> to vector<16xi32>
          %gather3A_727 = tpu.dynamic_gather %add3A_724[%gather3A_726] in [0] : vector<16xf32>, vector<16xi32> -> vector<16xf32>
          %add3A_728 = arith.addf %add3A_724, %gather3A_727 : vector<16xf32>
          %broadcast_in_dim3A_729 = vector.shape_cast %xor3A_11 : vector<16xi32> to vector<16x1xi32>
          %gather3A_730 = vector.shape_cast %broadcast_in_dim3A_729 : vector<16x1xi32> to vector<16xi32>
          %gather3A_731 = tpu.dynamic_gather %add3A_728[%gather3A_730] in [0] : vector<16xf32>, vector<16xi32> -> vector<16xf32>
          %add3A_732 = arith.addf %add3A_728, %gather3A_731 : vector<16xf32>
          %eq3A_733 = vector.broadcast %add3A_596 : i32 to vector<16xi32>
          %eq3A_734 = arith.cmpi eq, %iota3A, %eq3A_733 : vector<16xi32>
          %select_n3A_735 = arith.select %eq3A_734, %add3A_732, %select_n3A_592 : vector<16xi1>, vector<16xf32>
          %mul3A_736 = arith.constant 4 : i32
          %mul3A_737 = arith.muli %scan3A_308, %mul3A_736 : i32
          %add3A_738 = arith.constant 3 : i32
          %add3A_739 = arith.addi %mul3A_737, %add3A_738 : i32
          %add3A_740 = arith.addi %mul3A_288, %add3A_739 : i32
          %get3A_741 = arith.index_cast %add3A_740 : i32 to index
          %get3A_742 = arith.constant 0 : index
          %get3A_743 = tpu.vector_load %arg10[%get3A_741, %get3A_742] {strides = array<i32>} : memref<48x128xf32, #tpu.memory_space<vmem>>, vector<1x16xf32>,
          %get3A_744 = vector.shape_cast %get3A_743 : vector<1x16xf32> to vector<16xf32>
          %get3A_745 = arith.index_cast %add3A_740 : i32 to index
          %get3A_746 = arith.constant 0 : index
          %get3A_747 = tpu.vector_load %arg12[%get3A_745, %get3A_746] {strides = array<i32>} : memref<48x128xf32, #tpu.memory_space<vmem>>, vector<1x16xf32>,
          %get3A_748 = vector.shape_cast %get3A_747 : vector<1x16xf32> to vector<16xf32>
          %mul3A_749 = arith.mulf %get3A_744, %get3A_748 : vector<16xf32>
          %get3A_750 = arith.index_cast %add3A_740 : i32 to index
          %get3A_751 = arith.constant 0 : index
          %get3A_752 = tpu.vector_load %arg11[%get3A_750, %get3A_751] {strides = array<i32>} : memref<48x128xf32, #tpu.memory_space<vmem>>, vector<1x16xf32>,
          %get3A_753 = vector.shape_cast %get3A_752 : vector<1x16xf32> to vector<16xf32>
          %mul3A_754 = arith.mulf %mul3A_749, %get3A_753 : vector<16xf32>
          %get3A_755 = arith.index_cast %add3A_740 : i32 to index
          %get3A_756 = arith.constant 16 : index
          %get3A_757 = tpu.vector_load %arg10[%get3A_755, %get3A_756] {strides = array<i32>} : memref<48x128xf32, #tpu.memory_space<vmem>>, vector<1x16xf32>,
          %get3A_758 = vector.shape_cast %get3A_757 : vector<1x16xf32> to vector<16xf32>
          %get3A_759 = arith.index_cast %add3A_740 : i32 to index
          %get3A_760 = arith.constant 16 : index
          %get3A_761 = tpu.vector_load %arg12[%get3A_759, %get3A_760] {strides = array<i32>} : memref<48x128xf32, #tpu.memory_space<vmem>>, vector<1x16xf32>,
          %get3A_762 = vector.shape_cast %get3A_761 : vector<1x16xf32> to vector<16xf32>
          %mul3A_763 = arith.mulf %get3A_758, %get3A_762 : vector<16xf32>
          %get3A_764 = arith.index_cast %add3A_740 : i32 to index
          %get3A_765 = arith.constant 16 : index
          %get3A_766 = tpu.vector_load %arg11[%get3A_764, %get3A_765] {strides = array<i32>} : memref<48x128xf32, #tpu.memory_space<vmem>>, vector<1x16xf32>,
          %get3A_767 = vector.shape_cast %get3A_766 : vector<1x16xf32> to vector<16xf32>
          %mul3A_768 = arith.mulf %mul3A_763, %get3A_767 : vector<16xf32>
          %get3A_769 = arith.index_cast %add3A_740 : i32 to index
          %get3A_770 = arith.constant 32 : index
          %get3A_771 = tpu.vector_load %arg10[%get3A_769, %get3A_770] {strides = array<i32>} : memref<48x128xf32, #tpu.memory_space<vmem>>, vector<1x16xf32>,
          %get3A_772 = vector.shape_cast %get3A_771 : vector<1x16xf32> to vector<16xf32>
          %get3A_773 = arith.index_cast %add3A_740 : i32 to index
          %get3A_774 = arith.constant 32 : index
          %get3A_775 = tpu.vector_load %arg12[%get3A_773, %get3A_774] {strides = array<i32>} : memref<48x128xf32, #tpu.memory_space<vmem>>, vector<1x16xf32>,
          %get3A_776 = vector.shape_cast %get3A_775 : vector<1x16xf32> to vector<16xf32>
          %mul3A_777 = arith.mulf %get3A_772, %get3A_776 : vector<16xf32>
          %get3A_778 = arith.index_cast %add3A_740 : i32 to index
          %get3A_779 = arith.constant 32 : index
          %get3A_780 = tpu.vector_load %arg11[%get3A_778, %get3A_779] {strides = array<i32>} : memref<48x128xf32, #tpu.memory_space<vmem>>, vector<1x16xf32>,
          %get3A_781 = vector.shape_cast %get3A_780 : vector<1x16xf32> to vector<16xf32>
          %mul3A_782 = arith.mulf %mul3A_777, %get3A_781 : vector<16xf32>
          %get3A_783 = arith.index_cast %add3A_740 : i32 to index
          %get3A_784 = arith.constant 48 : index
          %get3A_785 = tpu.vector_load %arg10[%get3A_783, %get3A_784] {strides = array<i32>} : memref<48x128xf32, #tpu.memory_space<vmem>>, vector<1x16xf32>,
          %get3A_786 = vector.shape_cast %get3A_785 : vector<1x16xf32> to vector<16xf32>
          %get3A_787 = arith.index_cast %add3A_740 : i32 to index
          %get3A_788 = arith.constant 48 : index
          %get3A_789 = tpu.vector_load %arg12[%get3A_787, %get3A_788] {strides = array<i32>} : memref<48x128xf32, #tpu.memory_space<vmem>>, vector<1x16xf32>,
          %get3A_790 = vector.shape_cast %get3A_789 : vector<1x16xf32> to vector<16xf32>
          %mul3A_791 = arith.mulf %get3A_786, %get3A_790 : vector<16xf32>
          %get3A_792 = arith.index_cast %add3A_740 : i32 to index
          %get3A_793 = arith.constant 48 : index
          %get3A_794 = tpu.vector_load %arg11[%get3A_792, %get3A_793] {strides = array<i32>} : memref<48x128xf32, #tpu.memory_space<vmem>>, vector<1x16xf32>,
          %get3A_795 = vector.shape_cast %get3A_794 : vector<1x16xf32> to vector<16xf32>
          %mul3A_796 = arith.mulf %mul3A_791, %get3A_795 : vector<16xf32>
          %get3A_797 = arith.index_cast %add3A_740 : i32 to index
          %get3A_798 = arith.constant 64 : index
          %get3A_799 = tpu.vector_load %arg10[%get3A_797, %get3A_798] {strides = array<i32>} : memref<48x128xf32, #tpu.memory_space<vmem>>, vector<1x16xf32>,
          %get3A_800 = vector.shape_cast %get3A_799 : vector<1x16xf32> to vector<16xf32>
          %get3A_801 = arith.index_cast %add3A_740 : i32 to index
          %get3A_802 = arith.constant 64 : index
          %get3A_803 = tpu.vector_load %arg12[%get3A_801, %get3A_802] {strides = array<i32>} : memref<48x128xf32, #tpu.memory_space<vmem>>, vector<1x16xf32>,
          %get3A_804 = vector.shape_cast %get3A_803 : vector<1x16xf32> to vector<16xf32>
          %mul3A_805 = arith.mulf %get3A_800, %get3A_804 : vector<16xf32>
          %get3A_806 = arith.index_cast %add3A_740 : i32 to index
          %get3A_807 = arith.constant 64 : index
          %get3A_808 = tpu.vector_load %arg11[%get3A_806, %get3A_807] {strides = array<i32>} : memref<48x128xf32, #tpu.memory_space<vmem>>, vector<1x16xf32>,
          %get3A_809 = vector.shape_cast %get3A_808 : vector<1x16xf32> to vector<16xf32>
          %mul3A_810 = arith.mulf %mul3A_805, %get3A_809 : vector<16xf32>
          %get3A_811 = arith.index_cast %add3A_740 : i32 to index
          %get3A_812 = arith.constant 80 : index
          %get3A_813 = tpu.vector_load %arg10[%get3A_811, %get3A_812] {strides = array<i32>} : memref<48x128xf32, #tpu.memory_space<vmem>>, vector<1x16xf32>,
          %get3A_814 = vector.shape_cast %get3A_813 : vector<1x16xf32> to vector<16xf32>
          %get3A_815 = arith.index_cast %add3A_740 : i32 to index
          %get3A_816 = arith.constant 80 : index
          %get3A_817 = tpu.vector_load %arg12[%get3A_815, %get3A_816] {strides = array<i32>} : memref<48x128xf32, #tpu.memory_space<vmem>>, vector<1x16xf32>,
          %get3A_818 = vector.shape_cast %get3A_817 : vector<1x16xf32> to vector<16xf32>
          %mul3A_819 = arith.mulf %get3A_814, %get3A_818 : vector<16xf32>
          %get3A_820 = arith.index_cast %add3A_740 : i32 to index
          %get3A_821 = arith.constant 80 : index
          %get3A_822 = tpu.vector_load %arg11[%get3A_820, %get3A_821] {strides = array<i32>} : memref<48x128xf32, #tpu.memory_space<vmem>>, vector<1x16xf32>,
          %get3A_823 = vector.shape_cast %get3A_822 : vector<1x16xf32> to vector<16xf32>
          %mul3A_824 = arith.mulf %mul3A_819, %get3A_823 : vector<16xf32>
          %get3A_825 = arith.index_cast %add3A_740 : i32 to index
          %get3A_826 = arith.constant 96 : index
          %get3A_827 = tpu.vector_load %arg10[%get3A_825, %get3A_826] {strides = array<i32>} : memref<48x128xf32, #tpu.memory_space<vmem>>, vector<1x16xf32>,
          %get3A_828 = vector.shape_cast %get3A_827 : vector<1x16xf32> to vector<16xf32>
          %get3A_829 = arith.index_cast %add3A_740 : i32 to index
          %get3A_830 = arith.constant 96 : index
          %get3A_831 = tpu.vector_load %arg12[%get3A_829, %get3A_830] {strides = array<i32>} : memref<48x128xf32, #tpu.memory_space<vmem>>, vector<1x16xf32>,
          %get3A_832 = vector.shape_cast %get3A_831 : vector<1x16xf32> to vector<16xf32>
          %mul3A_833 = arith.mulf %get3A_828, %get3A_832 : vector<16xf32>
          %get3A_834 = arith.index_cast %add3A_740 : i32 to index
          %get3A_835 = arith.constant 96 : index
          %get3A_836 = tpu.vector_load %arg11[%get3A_834, %get3A_835] {strides = array<i32>} : memref<48x128xf32, #tpu.memory_space<vmem>>, vector<1x16xf32>,
          %get3A_837 = vector.shape_cast %get3A_836 : vector<1x16xf32> to vector<16xf32>
          %mul3A_838 = arith.mulf %mul3A_833, %get3A_837 : vector<16xf32>
          %get3A_839 = arith.index_cast %add3A_740 : i32 to index
          %get3A_840 = arith.constant 112 : index
          %get3A_841 = tpu.vector_load %arg10[%get3A_839, %get3A_840] {strides = array<i32>} : memref<48x128xf32, #tpu.memory_space<vmem>>, vector<1x16xf32>,
          %get3A_842 = vector.shape_cast %get3A_841 : vector<1x16xf32> to vector<16xf32>
          %get3A_843 = arith.index_cast %add3A_740 : i32 to index
          %get3A_844 = arith.constant 112 : index
          %get3A_845 = tpu.vector_load %arg12[%get3A_843, %get3A_844] {strides = array<i32>} : memref<48x128xf32, #tpu.memory_space<vmem>>, vector<1x16xf32>,
          %get3A_846 = vector.shape_cast %get3A_845 : vector<1x16xf32> to vector<16xf32>
          %mul3A_847 = arith.mulf %get3A_842, %get3A_846 : vector<16xf32>
          %get3A_848 = arith.index_cast %add3A_740 : i32 to index
          %get3A_849 = arith.constant 112 : index
          %get3A_850 = tpu.vector_load %arg11[%get3A_848, %get3A_849] {strides = array<i32>} : memref<48x128xf32, #tpu.memory_space<vmem>>, vector<1x16xf32>,
          %get3A_851 = vector.shape_cast %get3A_850 : vector<1x16xf32> to vector<16xf32>
          %mul3A_852 = arith.mulf %mul3A_847, %get3A_851 : vector<16xf32>
          %add3A_853 = arith.addf %mul3A_754, %mul3A_768 : vector<16xf32>
          %add3A_854 = arith.addf %mul3A_782, %mul3A_796 : vector<16xf32>
          %add3A_855 = arith.addf %mul3A_810, %mul3A_824 : vector<16xf32>
          %add3A_856 = arith.addf %mul3A_838, %mul3A_852 : vector<16xf32>
          %add3A_857 = arith.addf %add3A_853, %add3A_854 : vector<16xf32>
          %add3A_858 = arith.addf %add3A_855, %add3A_856 : vector<16xf32>
          %add3A_859 = arith.addf %add3A_857, %add3A_858 : vector<16xf32>
          %broadcast_in_dim3A_860 = vector.shape_cast %xor3A_2 : vector<16xi32> to vector<16x1xi32>
          %gather3A_861 = vector.shape_cast %broadcast_in_dim3A_860 : vector<16x1xi32> to vector<16xi32>
          %gather3A_862 = tpu.dynamic_gather %add3A_859[%gather3A_861] in [0] : vector<16xf32>, vector<16xi32> -> vector<16xf32>
          %add3A_863 = arith.addf %add3A_859, %gather3A_862 : vector<16xf32>
          %broadcast_in_dim3A_864 = vector.shape_cast %xor3A_5 : vector<16xi32> to vector<16x1xi32>
          %gather3A_865 = vector.shape_cast %broadcast_in_dim3A_864 : vector<16x1xi32> to vector<16xi32>
          %gather3A_866 = tpu.dynamic_gather %add3A_863[%gather3A_865] in [0] : vector<16xf32>, vector<16xi32> -> vector<16xf32>
          %add3A_867 = arith.addf %add3A_863, %gather3A_866 : vector<16xf32>
          %broadcast_in_dim3A_868 = vector.shape_cast %xor3A_8 : vector<16xi32> to vector<16x1xi32>
          %gather3A_869 = vector.shape_cast %broadcast_in_dim3A_868 : vector<16x1xi32> to vector<16xi32>
          %gather3A_870 = tpu.dynamic_gather %add3A_867[%gather3A_869] in [0] : vector<16xf32>, vector<16xi32> -> vector<16xf32>
          %add3A_871 = arith.addf %add3A_867, %gather3A_870 : vector<16xf32>
          %broadcast_in_dim3A_872 = vector.shape_cast %xor3A_11 : vector<16xi32> to vector<16x1xi32>
          %gather3A_873 = vector.shape_cast %broadcast_in_dim3A_872 : vector<16x1xi32> to vector<16xi32>
          %gather3A_874 = tpu.dynamic_gather %add3A_871[%gather3A_873] in [0] : vector<16xf32>, vector<16xi32> -> vector<16xf32>
          %add3A_875 = arith.addf %add3A_871, %gather3A_874 : vector<16xf32>
          %eq3A_876 = vector.broadcast %add3A_739 : i32 to vector<16xi32>
          %eq3A_877 = arith.cmpi eq, %iota3A, %eq3A_876 : vector<16xi32>
          %select_n3A_878 = arith.select %eq3A_877, %add3A_875, %select_n3A_735 : vector<16xi1>, vector<16xf32>
          scf.yield %select_n3A_878 : vector<16xf32>
        }
        %scan3A_295 = arith.constant 4 : i32
        %mul3A_296 = arith.constant 7.812500e-03 : f32
        %mul3A_297 = vector.broadcast %mul3A_296 : f32 to vector<16xf32>
        %mul3A_298 = arith.mulf %scan3A_294, %mul3A_297 : vector<16xf32>
        %mul3A_299 = arith.constant 48 : i32
        %mul3A_300 = arith.muli %add3A_144, %mul3A_299 : i32
        %mul3A_301 = arith.constant 16 : i32
        %mul3A_302 = arith.muli %scan3A_285, %mul3A_301 : i32
        %add3A_303 = arith.addi %mul3A_300, %mul3A_302 : i32
        %swap3A = arith.index_cast %add3A_303 : i32 to index
        %swap3A_304 = tpu.vector_load %arg16[%swap3A] {strides = array<i32>} : memref<10080xf32, #tpu.memory_space<vmem>>, vector<16xf32>,
        %swap3A_305 = vector.shape_cast %swap3A_304 : vector<16xf32> to vector<16xf32>
        %swap3A_306 = vector.shape_cast %mul3A_298 : vector<16xf32> to vector<16xf32>
        tpu.vector_store %arg16[%swap3A], %swap3A_306 {strides = array<i32>} : memref<10080xf32, #tpu.memory_space<vmem>>, vector<16xf32>,
        %scan3A_307 = arith.constant 0 : i32
        scf.yield %scan3A_307 : i32
      }
      %scan3A_182 = arith.constant 3 : i32
      %dma_wait3A_183 = arith.constant 0 : i32
      %dma_wait3A_184 = arith.constant 0 : i32
      %dma_wait3A_185 = tpu.memref_slice %arg3[%add3A, %min3A, %dma_wait3A_183, %dma_wait3A_184] : memref<32x210x3x48xi32, #tpu.memory_space<hbm>> -> memref<1x1x3x48xi32, #tpu.memory_space<hbm>>
      %dma_wait3A_186 = tpu.memref_squeeze %dma_wait3A_185 : memref<1x1x3x48xi32, #tpu.memory_space<hbm>> -> memref<3x48xi32, #tpu.memory_space<hbm>>
      %dma_wait3A_187 = arith.constant 0 : i32
      %dma_wait3A_188 = arith.constant 0 : i32
      %dma_wait3A_189 = tpu.memref_slice %arg3[%add3A, %min3A, %dma_wait3A_187, %dma_wait3A_188] : memref<32x210x3x48xi32, #tpu.memory_space<hbm>> -> memref<1x1x3x48xi32, #tpu.memory_space<hbm>>
      %dma_wait3A_190 = tpu.memref_squeeze %dma_wait3A_189 : memref<1x1x3x48xi32, #tpu.memory_space<hbm>> -> memref<3x48xi32, #tpu.memory_space<hbm>>
      tpu.wait_dma2 semaphore(%arg17 : memref<!tpu.dma_semaphore, #tpu.memory_space<semaphore_mem>>) src(%dma_wait3A_190 : memref<3x48xi32, #tpu.memory_space<hbm>>) dst(%arg8 : memref<3x48xi32, #tpu.memory_space<vmem>>)
      %dma_start3A_191 = arith.constant 0 : i32
      %dma_start3A_192 = arith.constant 0 : i32
      %dma_start3A_193 = tpu.memref_slice %arg8[%dma_start3A_191, %dma_start3A_192] : memref<3x48xi32, #tpu.memory_space<vmem>> -> memref<1x48xi32, #tpu.memory_space<vmem>>
      %dma_start3A_194 = tpu.memref_squeeze %dma_start3A_193 : memref<1x48xi32, #tpu.memory_space<vmem>> -> memref<48xi32, #tpu.memory_space<vmem>>
      %dma_start3A_195 = arith.constant 0 : i32
      %dma_start3A_196 = arith.constant 0 : i32
      %dma_start3A_197 = tpu.memref_slice %arg6[%dma_start3A_195, %dma_start3A_196] : memref<10000x128xf32, #tpu.memory_space<vmem_shared>> -> memref<10000x128xf32, #tpu.memory_space<vmem_shared>>
      tpu.enqueue_indirect_dma source(%dma_start3A_197 : memref<10000x128xf32, #tpu.memory_space<vmem_shared>>) target(%arg10 : memref<48x128xf32, #tpu.memory_space<vmem>>) offsets(%dma_start3A_194 : memref<48xi32, #tpu.memory_space<vmem>>) semaphore(%arg19 : memref<!tpu.dma_semaphore, #tpu.memory_space<semaphore_mem>>)
      %dma_start3A_198 = arith.constant 1 : i32
      %dma_start3A_199 = arith.constant 0 : i32
      %dma_start3A_200 = tpu.memref_slice %arg8[%dma_start3A_198, %dma_start3A_199] : memref<3x48xi32, #tpu.memory_space<vmem>> -> memref<1x48xi32, #tpu.memory_space<vmem>>
      %dma_start3A_201 = tpu.memref_squeeze %dma_start3A_200 : memref<1x48xi32, #tpu.memory_space<vmem>> -> memref<48xi32, #tpu.memory_space<vmem>>
      %dma_start3A_202 = arith.constant 0 : i32
      %dma_start3A_203 = arith.constant 0 : i32
      %dma_start3A_204 = tpu.memref_slice %arg6[%dma_start3A_202, %dma_start3A_203] : memref<10000x128xf32, #tpu.memory_space<vmem_shared>> -> memref<10000x128xf32, #tpu.memory_space<vmem_shared>>
      tpu.enqueue_indirect_dma source(%dma_start3A_204 : memref<10000x128xf32, #tpu.memory_space<vmem_shared>>) target(%arg11 : memref<48x128xf32, #tpu.memory_space<vmem>>) offsets(%dma_start3A_201 : memref<48xi32, #tpu.memory_space<vmem>>) semaphore(%arg20 : memref<!tpu.dma_semaphore, #tpu.memory_space<semaphore_mem>>)
      %dma_start3A_205 = arith.constant 2 : i32
      %dma_start3A_206 = arith.constant 0 : i32
      %dma_start3A_207 = tpu.memref_slice %arg8[%dma_start3A_205, %dma_start3A_206] : memref<3x48xi32, #tpu.memory_space<vmem>> -> memref<1x48xi32, #tpu.memory_space<vmem>>
      %dma_start3A_208 = tpu.memref_squeeze %dma_start3A_207 : memref<1x48xi32, #tpu.memory_space<vmem>> -> memref<48xi32, #tpu.memory_space<vmem>>
      %dma_start3A_209 = arith.constant 0 : i32
      %dma_start3A_210 = arith.constant 0 : i32
      %dma_start3A_211 = tpu.memref_slice %arg7[%dma_start3A_209, %dma_start3A_210] : memref<16x128xf32, #tpu.memory_space<vmem_shared>> -> memref<16x128xf32, #tpu.memory_space<vmem_shared>>
      tpu.enqueue_indirect_dma source(%dma_start3A_211 : memref<16x128xf32, #tpu.memory_space<vmem_shared>>) target(%arg12 : memref<48x128xf32, #tpu.memory_space<vmem>>) offsets(%dma_start3A_208 : memref<48xi32, #tpu.memory_space<vmem>>) semaphore(%arg21 : memref<!tpu.dma_semaphore, #tpu.memory_space<semaphore_mem>>)
      %mul3A_212 = arith.constant 2 : i32
      %mul3A_213 = arith.muli %scan3A_139, %mul3A_212 : i32
      %add3A_214 = arith.constant 1 : i32
      %add3A_215 = arith.addi %mul3A_213, %add3A_214 : i32
      %add3A_216 = arith.constant 2 : i32
      %add3A_217 = arith.addi %add3A_215, %add3A_216 : i32
      %min3A_218 = arith.minsi %add3A_217, %scan3A : i32
      %dma_wait3A_219 = arith.constant 0 : i32
      %dma_wait3A_220 = arith.constant 0 : i32
      %dma_wait3A_221 = tpu.memref_slice %arg9[%dma_wait3A_219, %dma_wait3A_220] : memref<3x48xi32, #tpu.memory_space<vmem>> -> memref<1x48xi32, #tpu.memory_space<vmem>>
      %dma_wait3A_222 = tpu.memref_squeeze %dma_wait3A_221 : memref<1x48xi32, #tpu.memory_space<vmem>> -> memref<48xi32, #tpu.memory_space<vmem>>
      %dma_wait3A_223 = arith.constant 0 : i32
      %dma_wait3A_224 = arith.constant 0 : i32
      %dma_wait3A_225 = tpu.memref_slice %arg6[%dma_wait3A_223, %dma_wait3A_224] : memref<10000x128xf32, #tpu.memory_space<vmem_shared>> -> memref<10000x128xf32, #tpu.memory_space<vmem_shared>>
      tpu.wait_indirect_dma semaphore(%arg22 : memref<!tpu.dma_semaphore, #tpu.memory_space<semaphore_mem>>) src(%dma_wait3A_225 : memref<10000x128xf32, #tpu.memory_space<vmem_shared>>) dst(%arg13 : memref<48x128xf32, #tpu.memory_space<vmem>>)
      %dma_wait3A_226 = arith.constant 1 : i32
      %dma_wait3A_227 = arith.constant 0 : i32
      %dma_wait3A_228 = tpu.memref_slice %arg9[%dma_wait3A_226, %dma_wait3A_227] : memref<3x48xi32, #tpu.memory_space<vmem>> -> memref<1x48xi32, #tpu.memory_space<vmem>>
      %dma_wait3A_229 = tpu.memref_squeeze %dma_wait3A_228 : memref<1x48xi32, #tpu.memory_space<vmem>> -> memref<48xi32, #tpu.memory_space<vmem>>
      %dma_wait3A_230 = arith.constant 0 : i32
      %dma_wait3A_231 = arith.constant 0 : i32
      %dma_wait3A_232 = tpu.memref_slice %arg6[%dma_wait3A_230, %dma_wait3A_231] : memref<10000x128xf32, #tpu.memory_space<vmem_shared>> -> memref<10000x128xf32, #tpu.memory_space<vmem_shared>>
      tpu.wait_indirect_dma semaphore(%arg23 : memref<!tpu.dma_semaphore, #tpu.memory_space<semaphore_mem>>) src(%dma_wait3A_232 : memref<10000x128xf32, #tpu.memory_space<vmem_shared>>) dst(%arg14 : memref<48x128xf32, #tpu.memory_space<vmem>>)
      %dma_wait3A_233 = arith.constant 2 : i32
      %dma_wait3A_234 = arith.constant 0 : i32
      %dma_wait3A_235 = tpu.memref_slice %arg9[%dma_wait3A_233, %dma_wait3A_234] : memref<3x48xi32, #tpu.memory_space<vmem>> -> memref<1x48xi32, #tpu.memory_space<vmem>>
      %dma_wait3A_236 = tpu.memref_squeeze %dma_wait3A_235 : memref<1x48xi32, #tpu.memory_space<vmem>> -> memref<48xi32, #tpu.memory_space<vmem>>
      %dma_wait3A_237 = arith.constant 0 : i32
      %dma_wait3A_238 = arith.constant 0 : i32
      %dma_wait3A_239 = tpu.memref_slice %arg7[%dma_wait3A_237, %dma_wait3A_238] : memref<16x128xf32, #tpu.memory_space<vmem_shared>> -> memref<16x128xf32, #tpu.memory_space<vmem_shared>>
      tpu.wait_indirect_dma semaphore(%arg24 : memref<!tpu.dma_semaphore, #tpu.memory_space<semaphore_mem>>) src(%dma_wait3A_239 : memref<16x128xf32, #tpu.memory_space<vmem_shared>>) dst(%arg15 : memref<48x128xf32, #tpu.memory_space<vmem>>)
      %dma_start3A_240 = arith.constant 0 : i32
      %dma_start3A_241 = arith.constant 0 : i32
      %dma_start3A_242 = tpu.memref_slice %arg3[%add3A, %min3A_218, %dma_start3A_240, %dma_start3A_241] : memref<32x210x3x48xi32, #tpu.memory_space<hbm>> -> memref<1x1x3x48xi32, #tpu.memory_space<hbm>>
      %dma_start3A_243 = tpu.memref_squeeze %dma_start3A_242 : memref<1x1x3x48xi32, #tpu.memory_space<hbm>> -> memref<3x48xi32, #tpu.memory_space<hbm>>
      %dma_start3A_244 = arith.constant 0 : i32
      %dma_start3A_245 = arith.constant 0 : i32
      %dma_start3A_246 = tpu.memref_slice %arg3[%add3A, %min3A_218, %dma_start3A_244, %dma_start3A_245] : memref<32x210x3x48xi32, #tpu.memory_space<hbm>> -> memref<1x1x3x48xi32, #tpu.memory_space<hbm>>
      %dma_start3A_247 = tpu.memref_squeeze %dma_start3A_246 : memref<1x1x3x48xi32, #tpu.memory_space<hbm>> -> memref<3x48xi32, #tpu.memory_space<hbm>>
      tpu.enqueue_dma source(%dma_start3A_247 : memref<3x48xi32, #tpu.memory_space<hbm>>) target(%arg9 : memref<3x48xi32, #tpu.memory_space<vmem>>) target_semaphore(%arg18 : memref<!tpu.dma_semaphore, #tpu.memory_space<semaphore_mem>>)
      %scan3A_248 = arith.constant 0 : i32
      %scan3A_249 = arith.constant 0 : i32
      %scan3A_250 = arith.constant 3 : i32
      %scan3A_251 = arith.addi %scan3A_249, %scan3A_250 : i32
      %scan3A_252 = arith.constant 1 : i32
      %scan3A_253 = scf.for %scan3A_285 = %scan3A_249 to %scan3A_251 step %scan3A_252 iter_args(%scan3A_286 = %scan3A_248) -> (i32)  : i32 {
        %mul3A_287 = arith.constant 16 : i32
        %mul3A_288 = arith.muli %scan3A_285, %mul3A_287 : i32
        %broadcast_in_dim3A = arith.constant 0.000000e+00 : f32
        %broadcast_in_dim3A_289 = vector.broadcast %broadcast_in_dim3A : f32 to vector<16xf32>
        %scan3A_290 = arith.constant 0 : i32
        %scan3A_291 = arith.constant 4 : i32
        %scan3A_292 = arith.addi %scan3A_290, %scan3A_291 : i32
        %scan3A_293 = arith.constant 1 : i32
        %scan3A_294 = scf.for %scan3A_308 = %scan3A_290 to %scan3A_292 step %scan3A_293 iter_args(%scan3A_309 = %broadcast_in_dim3A_289) -> (vector<16xf32>)  : i32 {
          %mul3A_310 = arith.constant 4 : i32
          %mul3A_311 = arith.muli %scan3A_308, %mul3A_310 : i32
          %add3A_312 = arith.constant 0 : i32
          %add3A_313 = arith.addi %mul3A_311, %add3A_312 : i32
          %add3A_314 = arith.addi %mul3A_288, %add3A_313 : i32
          %get3A = arith.index_cast %add3A_314 : i32 to index
          %get3A_315 = arith.constant 0 : index
          %get3A_316 = tpu.vector_load %arg13[%get3A, %get3A_315] {strides = array<i32>} : memref<48x128xf32, #tpu.memory_space<vmem>>, vector<1x16xf32>,
          %get3A_317 = vector.shape_cast %get3A_316 : vector<1x16xf32> to vector<16xf32>
          %get3A_318 = arith.index_cast %add3A_314 : i32 to index
          %get3A_319 = arith.constant 0 : index
          %get3A_320 = tpu.vector_load %arg15[%get3A_318, %get3A_319] {strides = array<i32>} : memref<48x128xf32, #tpu.memory_space<vmem>>, vector<1x16xf32>,
          %get3A_321 = vector.shape_cast %get3A_320 : vector<1x16xf32> to vector<16xf32>
          %mul3A_322 = arith.mulf %get3A_317, %get3A_321 : vector<16xf32>
          %get3A_323 = arith.index_cast %add3A_314 : i32 to index
          %get3A_324 = arith.constant 0 : index
          %get3A_325 = tpu.vector_load %arg14[%get3A_323, %get3A_324] {strides = array<i32>} : memref<48x128xf32, #tpu.memory_space<vmem>>, vector<1x16xf32>,
          %get3A_326 = vector.shape_cast %get3A_325 : vector<1x16xf32> to vector<16xf32>
          %mul3A_327 = arith.mulf %mul3A_322, %get3A_326 : vector<16xf32>
          %get3A_328 = arith.index_cast %add3A_314 : i32 to index
          %get3A_329 = arith.constant 16 : index
          %get3A_330 = tpu.vector_load %arg13[%get3A_328, %get3A_329] {strides = array<i32>} : memref<48x128xf32, #tpu.memory_space<vmem>>, vector<1x16xf32>,
          %get3A_331 = vector.shape_cast %get3A_330 : vector<1x16xf32> to vector<16xf32>
          %get3A_332 = arith.index_cast %add3A_314 : i32 to index
          %get3A_333 = arith.constant 16 : index
          %get3A_334 = tpu.vector_load %arg15[%get3A_332, %get3A_333] {strides = array<i32>} : memref<48x128xf32, #tpu.memory_space<vmem>>, vector<1x16xf32>,
          %get3A_335 = vector.shape_cast %get3A_334 : vector<1x16xf32> to vector<16xf32>
          %mul3A_336 = arith.mulf %get3A_331, %get3A_335 : vector<16xf32>
          %get3A_337 = arith.index_cast %add3A_314 : i32 to index
          %get3A_338 = arith.constant 16 : index
          %get3A_339 = tpu.vector_load %arg14[%get3A_337, %get3A_338] {strides = array<i32>} : memref<48x128xf32, #tpu.memory_space<vmem>>, vector<1x16xf32>,
          %get3A_340 = vector.shape_cast %get3A_339 : vector<1x16xf32> to vector<16xf32>
          %mul3A_341 = arith.mulf %mul3A_336, %get3A_340 : vector<16xf32>
          %get3A_342 = arith.index_cast %add3A_314 : i32 to index
          %get3A_343 = arith.constant 32 : index
          %get3A_344 = tpu.vector_load %arg13[%get3A_342, %get3A_343] {strides = array<i32>} : memref<48x128xf32, #tpu.memory_space<vmem>>, vector<1x16xf32>,
          %get3A_345 = vector.shape_cast %get3A_344 : vector<1x16xf32> to vector<16xf32>
          %get3A_346 = arith.index_cast %add3A_314 : i32 to index
          %get3A_347 = arith.constant 32 : index
          %get3A_348 = tpu.vector_load %arg15[%get3A_346, %get3A_347] {strides = array<i32>} : memref<48x128xf32, #tpu.memory_space<vmem>>, vector<1x16xf32>,
          %get3A_349 = vector.shape_cast %get3A_348 : vector<1x16xf32> to vector<16xf32>
          %mul3A_350 = arith.mulf %get3A_345, %get3A_349 : vector<16xf32>
          %get3A_351 = arith.index_cast %add3A_314 : i32 to index
          %get3A_352 = arith.constant 32 : index
          %get3A_353 = tpu.vector_load %arg14[%get3A_351, %get3A_352] {strides = array<i32>} : memref<48x128xf32, #tpu.memory_space<vmem>>, vector<1x16xf32>,
          %get3A_354 = vector.shape_cast %get3A_353 : vector<1x16xf32> to vector<16xf32>
          %mul3A_355 = arith.mulf %mul3A_350, %get3A_354 : vector<16xf32>
          %get3A_356 = arith.index_cast %add3A_314 : i32 to index
          %get3A_357 = arith.constant 48 : index
          %get3A_358 = tpu.vector_load %arg13[%get3A_356, %get3A_357] {strides = array<i32>} : memref<48x128xf32, #tpu.memory_space<vmem>>, vector<1x16xf32>,
          %get3A_359 = vector.shape_cast %get3A_358 : vector<1x16xf32> to vector<16xf32>
          %get3A_360 = arith.index_cast %add3A_314 : i32 to index
          %get3A_361 = arith.constant 48 : index
          %get3A_362 = tpu.vector_load %arg15[%get3A_360, %get3A_361] {strides = array<i32>} : memref<48x128xf32, #tpu.memory_space<vmem>>, vector<1x16xf32>,
          %get3A_363 = vector.shape_cast %get3A_362 : vector<1x16xf32> to vector<16xf32>
          %mul3A_364 = arith.mulf %get3A_359, %get3A_363 : vector<16xf32>
          %get3A_365 = arith.index_cast %add3A_314 : i32 to index
          %get3A_366 = arith.constant 48 : index
          %get3A_367 = tpu.vector_load %arg14[%get3A_365, %get3A_366] {strides = array<i32>} : memref<48x128xf32, #tpu.memory_space<vmem>>, vector<1x16xf32>,
          %get3A_368 = vector.shape_cast %get3A_367 : vector<1x16xf32> to vector<16xf32>
          %mul3A_369 = arith.mulf %mul3A_364, %get3A_368 : vector<16xf32>
          %get3A_370 = arith.index_cast %add3A_314 : i32 to index
          %get3A_371 = arith.constant 64 : index
          %get3A_372 = tpu.vector_load %arg13[%get3A_370, %get3A_371] {strides = array<i32>} : memref<48x128xf32, #tpu.memory_space<vmem>>, vector<1x16xf32>,
          %get3A_373 = vector.shape_cast %get3A_372 : vector<1x16xf32> to vector<16xf32>
          %get3A_374 = arith.index_cast %add3A_314 : i32 to index
          %get3A_375 = arith.constant 64 : index
          %get3A_376 = tpu.vector_load %arg15[%get3A_374, %get3A_375] {strides = array<i32>} : memref<48x128xf32, #tpu.memory_space<vmem>>, vector<1x16xf32>,
          %get3A_377 = vector.shape_cast %get3A_376 : vector<1x16xf32> to vector<16xf32>
          %mul3A_378 = arith.mulf %get3A_373, %get3A_377 : vector<16xf32>
          %get3A_379 = arith.index_cast %add3A_314 : i32 to index
          %get3A_380 = arith.constant 64 : index
          %get3A_381 = tpu.vector_load %arg14[%get3A_379, %get3A_380] {strides = array<i32>} : memref<48x128xf32, #tpu.memory_space<vmem>>, vector<1x16xf32>,
          %get3A_382 = vector.shape_cast %get3A_381 : vector<1x16xf32> to vector<16xf32>
          %mul3A_383 = arith.mulf %mul3A_378, %get3A_382 : vector<16xf32>
          %get3A_384 = arith.index_cast %add3A_314 : i32 to index
          %get3A_385 = arith.constant 80 : index
          %get3A_386 = tpu.vector_load %arg13[%get3A_384, %get3A_385] {strides = array<i32>} : memref<48x128xf32, #tpu.memory_space<vmem>>, vector<1x16xf32>,
          %get3A_387 = vector.shape_cast %get3A_386 : vector<1x16xf32> to vector<16xf32>
          %get3A_388 = arith.index_cast %add3A_314 : i32 to index
          %get3A_389 = arith.constant 80 : index
          %get3A_390 = tpu.vector_load %arg15[%get3A_388, %get3A_389] {strides = array<i32>} : memref<48x128xf32, #tpu.memory_space<vmem>>, vector<1x16xf32>,
          %get3A_391 = vector.shape_cast %get3A_390 : vector<1x16xf32> to vector<16xf32>
          %mul3A_392 = arith.mulf %get3A_387, %get3A_391 : vector<16xf32>
          %get3A_393 = arith.index_cast %add3A_314 : i32 to index
          %get3A_394 = arith.constant 80 : index
          %get3A_395 = tpu.vector_load %arg14[%get3A_393, %get3A_394] {strides = array<i32>} : memref<48x128xf32, #tpu.memory_space<vmem>>, vector<1x16xf32>,
          %get3A_396 = vector.shape_cast %get3A_395 : vector<1x16xf32> to vector<16xf32>
          %mul3A_397 = arith.mulf %mul3A_392, %get3A_396 : vector<16xf32>
          %get3A_398 = arith.index_cast %add3A_314 : i32 to index
          %get3A_399 = arith.constant 96 : index
          %get3A_400 = tpu.vector_load %arg13[%get3A_398, %get3A_399] {strides = array<i32>} : memref<48x128xf32, #tpu.memory_space<vmem>>, vector<1x16xf32>,
          %get3A_401 = vector.shape_cast %get3A_400 : vector<1x16xf32> to vector<16xf32>
          %get3A_402 = arith.index_cast %add3A_314 : i32 to index
          %get3A_403 = arith.constant 96 : index
          %get3A_404 = tpu.vector_load %arg15[%get3A_402, %get3A_403] {strides = array<i32>} : memref<48x128xf32, #tpu.memory_space<vmem>>, vector<1x16xf32>,
          %get3A_405 = vector.shape_cast %get3A_404 : vector<1x16xf32> to vector<16xf32>
          %mul3A_406 = arith.mulf %get3A_401, %get3A_405 : vector<16xf32>
          %get3A_407 = arith.index_cast %add3A_314 : i32 to index
          %get3A_408 = arith.constant 96 : index
          %get3A_409 = tpu.vector_load %arg14[%get3A_407, %get3A_408] {strides = array<i32>} : memref<48x128xf32, #tpu.memory_space<vmem>>, vector<1x16xf32>,
          %get3A_410 = vector.shape_cast %get3A_409 : vector<1x16xf32> to vector<16xf32>
          %mul3A_411 = arith.mulf %mul3A_406, %get3A_410 : vector<16xf32>
          %get3A_412 = arith.index_cast %add3A_314 : i32 to index
          %get3A_413 = arith.constant 112 : index
          %get3A_414 = tpu.vector_load %arg13[%get3A_412, %get3A_413] {strides = array<i32>} : memref<48x128xf32, #tpu.memory_space<vmem>>, vector<1x16xf32>,
          %get3A_415 = vector.shape_cast %get3A_414 : vector<1x16xf32> to vector<16xf32>
          %get3A_416 = arith.index_cast %add3A_314 : i32 to index
          %get3A_417 = arith.constant 112 : index
          %get3A_418 = tpu.vector_load %arg15[%get3A_416, %get3A_417] {strides = array<i32>} : memref<48x128xf32, #tpu.memory_space<vmem>>, vector<1x16xf32>,
          %get3A_419 = vector.shape_cast %get3A_418 : vector<1x16xf32> to vector<16xf32>
          %mul3A_420 = arith.mulf %get3A_415, %get3A_419 : vector<16xf32>
          %get3A_421 = arith.index_cast %add3A_314 : i32 to index
          %get3A_422 = arith.constant 112 : index
          %get3A_423 = tpu.vector_load %arg14[%get3A_421, %get3A_422] {strides = array<i32>} : memref<48x128xf32, #tpu.memory_space<vmem>>, vector<1x16xf32>,
          %get3A_424 = vector.shape_cast %get3A_423 : vector<1x16xf32> to vector<16xf32>
          %mul3A_425 = arith.mulf %mul3A_420, %get3A_424 : vector<16xf32>
          %add3A_426 = arith.addf %mul3A_327, %mul3A_341 : vector<16xf32>
          %add3A_427 = arith.addf %mul3A_355, %mul3A_369 : vector<16xf32>
          %add3A_428 = arith.addf %mul3A_383, %mul3A_397 : vector<16xf32>
          %add3A_429 = arith.addf %mul3A_411, %mul3A_425 : vector<16xf32>
          %add3A_430 = arith.addf %add3A_426, %add3A_427 : vector<16xf32>
          %add3A_431 = arith.addf %add3A_428, %add3A_429 : vector<16xf32>
          %add3A_432 = arith.addf %add3A_430, %add3A_431 : vector<16xf32>
          %broadcast_in_dim3A_433 = vector.shape_cast %xor3A_2 : vector<16xi32> to vector<16x1xi32>
          %gather3A = vector.shape_cast %broadcast_in_dim3A_433 : vector<16x1xi32> to vector<16xi32>
          %gather3A_434 = tpu.dynamic_gather %add3A_432[%gather3A] in [0] : vector<16xf32>, vector<16xi32> -> vector<16xf32>
          %add3A_435 = arith.addf %add3A_432, %gather3A_434 : vector<16xf32>
          %broadcast_in_dim3A_436 = vector.shape_cast %xor3A_5 : vector<16xi32> to vector<16x1xi32>
          %gather3A_437 = vector.shape_cast %broadcast_in_dim3A_436 : vector<16x1xi32> to vector<16xi32>
          %gather3A_438 = tpu.dynamic_gather %add3A_435[%gather3A_437] in [0] : vector<16xf32>, vector<16xi32> -> vector<16xf32>
          %add3A_439 = arith.addf %add3A_435, %gather3A_438 : vector<16xf32>
          %broadcast_in_dim3A_440 = vector.shape_cast %xor3A_8 : vector<16xi32> to vector<16x1xi32>
          %gather3A_441 = vector.shape_cast %broadcast_in_dim3A_440 : vector<16x1xi32> to vector<16xi32>
          %gather3A_442 = tpu.dynamic_gather %add3A_439[%gather3A_441] in [0] : vector<16xf32>, vector<16xi32> -> vector<16xf32>
          %add3A_443 = arith.addf %add3A_439, %gather3A_442 : vector<16xf32>
          %broadcast_in_dim3A_444 = vector.shape_cast %xor3A_11 : vector<16xi32> to vector<16x1xi32>
          %gather3A_445 = vector.shape_cast %broadcast_in_dim3A_444 : vector<16x1xi32> to vector<16xi32>
          %gather3A_446 = tpu.dynamic_gather %add3A_443[%gather3A_445] in [0] : vector<16xf32>, vector<16xi32> -> vector<16xf32>
          %add3A_447 = arith.addf %add3A_443, %gather3A_446 : vector<16xf32>
          %eq3A_448 = vector.broadcast %add3A_313 : i32 to vector<16xi32>
          %eq3A_449 = arith.cmpi eq, %iota3A, %eq3A_448 : vector<16xi32>
          %select_n3A = arith.select %eq3A_449, %add3A_447, %scan3A_309 : vector<16xi1>, vector<16xf32>
          %mul3A_450 = arith.constant 4 : i32
          %mul3A_451 = arith.muli %scan3A_308, %mul3A_450 : i32
          %add3A_452 = arith.constant 1 : i32
          %add3A_453 = arith.addi %mul3A_451, %add3A_452 : i32
          %add3A_454 = arith.addi %mul3A_288, %add3A_453 : i32
          %get3A_455 = arith.index_cast %add3A_454 : i32 to index
          %get3A_456 = arith.constant 0 : index
          %get3A_457 = tpu.vector_load %arg13[%get3A_455, %get3A_456] {strides = array<i32>} : memref<48x128xf32, #tpu.memory_space<vmem>>, vector<1x16xf32>,
          %get3A_458 = vector.shape_cast %get3A_457 : vector<1x16xf32> to vector<16xf32>
          %get3A_459 = arith.index_cast %add3A_454 : i32 to index
          %get3A_460 = arith.constant 0 : index
          %get3A_461 = tpu.vector_load %arg15[%get3A_459, %get3A_460] {strides = array<i32>} : memref<48x128xf32, #tpu.memory_space<vmem>>, vector<1x16xf32>,
          %get3A_462 = vector.shape_cast %get3A_461 : vector<1x16xf32> to vector<16xf32>
          %mul3A_463 = arith.mulf %get3A_458, %get3A_462 : vector<16xf32>
          %get3A_464 = arith.index_cast %add3A_454 : i32 to index
          %get3A_465 = arith.constant 0 : index
          %get3A_466 = tpu.vector_load %arg14[%get3A_464, %get3A_465] {strides = array<i32>} : memref<48x128xf32, #tpu.memory_space<vmem>>, vector<1x16xf32>,
          %get3A_467 = vector.shape_cast %get3A_466 : vector<1x16xf32> to vector<16xf32>
          %mul3A_468 = arith.mulf %mul3A_463, %get3A_467 : vector<16xf32>
          %get3A_469 = arith.index_cast %add3A_454 : i32 to index
          %get3A_470 = arith.constant 16 : index
          %get3A_471 = tpu.vector_load %arg13[%get3A_469, %get3A_470] {strides = array<i32>} : memref<48x128xf32, #tpu.memory_space<vmem>>, vector<1x16xf32>,
          %get3A_472 = vector.shape_cast %get3A_471 : vector<1x16xf32> to vector<16xf32>
          %get3A_473 = arith.index_cast %add3A_454 : i32 to index
          %get3A_474 = arith.constant 16 : index
          %get3A_475 = tpu.vector_load %arg15[%get3A_473, %get3A_474] {strides = array<i32>} : memref<48x128xf32, #tpu.memory_space<vmem>>, vector<1x16xf32>,
          %get3A_476 = vector.shape_cast %get3A_475 : vector<1x16xf32> to vector<16xf32>
          %mul3A_477 = arith.mulf %get3A_472, %get3A_476 : vector<16xf32>
          %get3A_478 = arith.index_cast %add3A_454 : i32 to index
          %get3A_479 = arith.constant 16 : index
          %get3A_480 = tpu.vector_load %arg14[%get3A_478, %get3A_479] {strides = array<i32>} : memref<48x128xf32, #tpu.memory_space<vmem>>, vector<1x16xf32>,
          %get3A_481 = vector.shape_cast %get3A_480 : vector<1x16xf32> to vector<16xf32>
          %mul3A_482 = arith.mulf %mul3A_477, %get3A_481 : vector<16xf32>
          %get3A_483 = arith.index_cast %add3A_454 : i32 to index
          %get3A_484 = arith.constant 32 : index
          %get3A_485 = tpu.vector_load %arg13[%get3A_483, %get3A_484] {strides = array<i32>} : memref<48x128xf32, #tpu.memory_space<vmem>>, vector<1x16xf32>,
          %get3A_486 = vector.shape_cast %get3A_485 : vector<1x16xf32> to vector<16xf32>
          %get3A_487 = arith.index_cast %add3A_454 : i32 to index
          %get3A_488 = arith.constant 32 : index
          %get3A_489 = tpu.vector_load %arg15[%get3A_487, %get3A_488] {strides = array<i32>} : memref<48x128xf32, #tpu.memory_space<vmem>>, vector<1x16xf32>,
          %get3A_490 = vector.shape_cast %get3A_489 : vector<1x16xf32> to vector<16xf32>
          %mul3A_491 = arith.mulf %get3A_486, %get3A_490 : vector<16xf32>
          %get3A_492 = arith.index_cast %add3A_454 : i32 to index
          %get3A_493 = arith.constant 32 : index
          %get3A_494 = tpu.vector_load %arg14[%get3A_492, %get3A_493] {strides = array<i32>} : memref<48x128xf32, #tpu.memory_space<vmem>>, vector<1x16xf32>,
          %get3A_495 = vector.shape_cast %get3A_494 : vector<1x16xf32> to vector<16xf32>
          %mul3A_496 = arith.mulf %mul3A_491, %get3A_495 : vector<16xf32>
          %get3A_497 = arith.index_cast %add3A_454 : i32 to index
          %get3A_498 = arith.constant 48 : index
          %get3A_499 = tpu.vector_load %arg13[%get3A_497, %get3A_498] {strides = array<i32>} : memref<48x128xf32, #tpu.memory_space<vmem>>, vector<1x16xf32>,
          %get3A_500 = vector.shape_cast %get3A_499 : vector<1x16xf32> to vector<16xf32>
          %get3A_501 = arith.index_cast %add3A_454 : i32 to index
          %get3A_502 = arith.constant 48 : index
          %get3A_503 = tpu.vector_load %arg15[%get3A_501, %get3A_502] {strides = array<i32>} : memref<48x128xf32, #tpu.memory_space<vmem>>, vector<1x16xf32>,
          %get3A_504 = vector.shape_cast %get3A_503 : vector<1x16xf32> to vector<16xf32>
          %mul3A_505 = arith.mulf %get3A_500, %get3A_504 : vector<16xf32>
          %get3A_506 = arith.index_cast %add3A_454 : i32 to index
          %get3A_507 = arith.constant 48 : index
          %get3A_508 = tpu.vector_load %arg14[%get3A_506, %get3A_507] {strides = array<i32>} : memref<48x128xf32, #tpu.memory_space<vmem>>, vector<1x16xf32>,
          %get3A_509 = vector.shape_cast %get3A_508 : vector<1x16xf32> to vector<16xf32>
          %mul3A_510 = arith.mulf %mul3A_505, %get3A_509 : vector<16xf32>
          %get3A_511 = arith.index_cast %add3A_454 : i32 to index
          %get3A_512 = arith.constant 64 : index
          %get3A_513 = tpu.vector_load %arg13[%get3A_511, %get3A_512] {strides = array<i32>} : memref<48x128xf32, #tpu.memory_space<vmem>>, vector<1x16xf32>,
          %get3A_514 = vector.shape_cast %get3A_513 : vector<1x16xf32> to vector<16xf32>
          %get3A_515 = arith.index_cast %add3A_454 : i32 to index
          %get3A_516 = arith.constant 64 : index
          %get3A_517 = tpu.vector_load %arg15[%get3A_515, %get3A_516] {strides = array<i32>} : memref<48x128xf32, #tpu.memory_space<vmem>>, vector<1x16xf32>,
          %get3A_518 = vector.shape_cast %get3A_517 : vector<1x16xf32> to vector<16xf32>
          %mul3A_519 = arith.mulf %get3A_514, %get3A_518 : vector<16xf32>
          %get3A_520 = arith.index_cast %add3A_454 : i32 to index
          %get3A_521 = arith.constant 64 : index
          %get3A_522 = tpu.vector_load %arg14[%get3A_520, %get3A_521] {strides = array<i32>} : memref<48x128xf32, #tpu.memory_space<vmem>>, vector<1x16xf32>,
          %get3A_523 = vector.shape_cast %get3A_522 : vector<1x16xf32> to vector<16xf32>
          %mul3A_524 = arith.mulf %mul3A_519, %get3A_523 : vector<16xf32>
          %get3A_525 = arith.index_cast %add3A_454 : i32 to index
          %get3A_526 = arith.constant 80 : index
          %get3A_527 = tpu.vector_load %arg13[%get3A_525, %get3A_526] {strides = array<i32>} : memref<48x128xf32, #tpu.memory_space<vmem>>, vector<1x16xf32>,
          %get3A_528 = vector.shape_cast %get3A_527 : vector<1x16xf32> to vector<16xf32>
          %get3A_529 = arith.index_cast %add3A_454 : i32 to index
          %get3A_530 = arith.constant 80 : index
          %get3A_531 = tpu.vector_load %arg15[%get3A_529, %get3A_530] {strides = array<i32>} : memref<48x128xf32, #tpu.memory_space<vmem>>, vector<1x16xf32>,
          %get3A_532 = vector.shape_cast %get3A_531 : vector<1x16xf32> to vector<16xf32>
          %mul3A_533 = arith.mulf %get3A_528, %get3A_532 : vector<16xf32>
          %get3A_534 = arith.index_cast %add3A_454 : i32 to index
          %get3A_535 = arith.constant 80 : index
          %get3A_536 = tpu.vector_load %arg14[%get3A_534, %get3A_535] {strides = array<i32>} : memref<48x128xf32, #tpu.memory_space<vmem>>, vector<1x16xf32>,
          %get3A_537 = vector.shape_cast %get3A_536 : vector<1x16xf32> to vector<16xf32>
          %mul3A_538 = arith.mulf %mul3A_533, %get3A_537 : vector<16xf32>
          %get3A_539 = arith.index_cast %add3A_454 : i32 to index
          %get3A_540 = arith.constant 96 : index
          %get3A_541 = tpu.vector_load %arg13[%get3A_539, %get3A_540] {strides = array<i32>} : memref<48x128xf32, #tpu.memory_space<vmem>>, vector<1x16xf32>,
          %get3A_542 = vector.shape_cast %get3A_541 : vector<1x16xf32> to vector<16xf32>
          %get3A_543 = arith.index_cast %add3A_454 : i32 to index
          %get3A_544 = arith.constant 96 : index
          %get3A_545 = tpu.vector_load %arg15[%get3A_543, %get3A_544] {strides = array<i32>} : memref<48x128xf32, #tpu.memory_space<vmem>>, vector<1x16xf32>,
          %get3A_546 = vector.shape_cast %get3A_545 : vector<1x16xf32> to vector<16xf32>
          %mul3A_547 = arith.mulf %get3A_542, %get3A_546 : vector<16xf32>
          %get3A_548 = arith.index_cast %add3A_454 : i32 to index
          %get3A_549 = arith.constant 96 : index
          %get3A_550 = tpu.vector_load %arg14[%get3A_548, %get3A_549] {strides = array<i32>} : memref<48x128xf32, #tpu.memory_space<vmem>>, vector<1x16xf32>,
          %get3A_551 = vector.shape_cast %get3A_550 : vector<1x16xf32> to vector<16xf32>
          %mul3A_552 = arith.mulf %mul3A_547, %get3A_551 : vector<16xf32>
          %get3A_553 = arith.index_cast %add3A_454 : i32 to index
          %get3A_554 = arith.constant 112 : index
          %get3A_555 = tpu.vector_load %arg13[%get3A_553, %get3A_554] {strides = array<i32>} : memref<48x128xf32, #tpu.memory_space<vmem>>, vector<1x16xf32>,
          %get3A_556 = vector.shape_cast %get3A_555 : vector<1x16xf32> to vector<16xf32>
          %get3A_557 = arith.index_cast %add3A_454 : i32 to index
          %get3A_558 = arith.constant 112 : index
          %get3A_559 = tpu.vector_load %arg15[%get3A_557, %get3A_558] {strides = array<i32>} : memref<48x128xf32, #tpu.memory_space<vmem>>, vector<1x16xf32>,
          %get3A_560 = vector.shape_cast %get3A_559 : vector<1x16xf32> to vector<16xf32>
          %mul3A_561 = arith.mulf %get3A_556, %get3A_560 : vector<16xf32>
          %get3A_562 = arith.index_cast %add3A_454 : i32 to index
          %get3A_563 = arith.constant 112 : index
          %get3A_564 = tpu.vector_load %arg14[%get3A_562, %get3A_563] {strides = array<i32>} : memref<48x128xf32, #tpu.memory_space<vmem>>, vector<1x16xf32>,
          %get3A_565 = vector.shape_cast %get3A_564 : vector<1x16xf32> to vector<16xf32>
          %mul3A_566 = arith.mulf %mul3A_561, %get3A_565 : vector<16xf32>
          %add3A_567 = arith.addf %mul3A_468, %mul3A_482 : vector<16xf32>
          %add3A_568 = arith.addf %mul3A_496, %mul3A_510 : vector<16xf32>
          %add3A_569 = arith.addf %mul3A_524, %mul3A_538 : vector<16xf32>
          %add3A_570 = arith.addf %mul3A_552, %mul3A_566 : vector<16xf32>
          %add3A_571 = arith.addf %add3A_567, %add3A_568 : vector<16xf32>
          %add3A_572 = arith.addf %add3A_569, %add3A_570 : vector<16xf32>
          %add3A_573 = arith.addf %add3A_571, %add3A_572 : vector<16xf32>
          %broadcast_in_dim3A_574 = vector.shape_cast %xor3A_2 : vector<16xi32> to vector<16x1xi32>
          %gather3A_575 = vector.shape_cast %broadcast_in_dim3A_574 : vector<16x1xi32> to vector<16xi32>
          %gather3A_576 = tpu.dynamic_gather %add3A_573[%gather3A_575] in [0] : vector<16xf32>, vector<16xi32> -> vector<16xf32>
          %add3A_577 = arith.addf %add3A_573, %gather3A_576 : vector<16xf32>
          %broadcast_in_dim3A_578 = vector.shape_cast %xor3A_5 : vector<16xi32> to vector<16x1xi32>
          %gather3A_579 = vector.shape_cast %broadcast_in_dim3A_578 : vector<16x1xi32> to vector<16xi32>
          %gather3A_580 = tpu.dynamic_gather %add3A_577[%gather3A_579] in [0] : vector<16xf32>, vector<16xi32> -> vector<16xf32>
          %add3A_581 = arith.addf %add3A_577, %gather3A_580 : vector<16xf32>
          %broadcast_in_dim3A_582 = vector.shape_cast %xor3A_8 : vector<16xi32> to vector<16x1xi32>
          %gather3A_583 = vector.shape_cast %broadcast_in_dim3A_582 : vector<16x1xi32> to vector<16xi32>
          %gather3A_584 = tpu.dynamic_gather %add3A_581[%gather3A_583] in [0] : vector<16xf32>, vector<16xi32> -> vector<16xf32>
          %add3A_585 = arith.addf %add3A_581, %gather3A_584 : vector<16xf32>
          %broadcast_in_dim3A_586 = vector.shape_cast %xor3A_11 : vector<16xi32> to vector<16x1xi32>
          %gather3A_587 = vector.shape_cast %broadcast_in_dim3A_586 : vector<16x1xi32> to vector<16xi32>
          %gather3A_588 = tpu.dynamic_gather %add3A_585[%gather3A_587] in [0] : vector<16xf32>, vector<16xi32> -> vector<16xf32>
          %add3A_589 = arith.addf %add3A_585, %gather3A_588 : vector<16xf32>
          %eq3A_590 = vector.broadcast %add3A_453 : i32 to vector<16xi32>
          %eq3A_591 = arith.cmpi eq, %iota3A, %eq3A_590 : vector<16xi32>
          %select_n3A_592 = arith.select %eq3A_591, %add3A_589, %select_n3A : vector<16xi1>, vector<16xf32>
          %mul3A_593 = arith.constant 4 : i32
          %mul3A_594 = arith.muli %scan3A_308, %mul3A_593 : i32
          %add3A_595 = arith.constant 2 : i32
          %add3A_596 = arith.addi %mul3A_594, %add3A_595 : i32
          %add3A_597 = arith.addi %mul3A_288, %add3A_596 : i32
          %get3A_598 = arith.index_cast %add3A_597 : i32 to index
          %get3A_599 = arith.constant 0 : index
          %get3A_600 = tpu.vector_load %arg13[%get3A_598, %get3A_599] {strides = array<i32>} : memref<48x128xf32, #tpu.memory_space<vmem>>, vector<1x16xf32>,
          %get3A_601 = vector.shape_cast %get3A_600 : vector<1x16xf32> to vector<16xf32>
          %get3A_602 = arith.index_cast %add3A_597 : i32 to index
          %get3A_603 = arith.constant 0 : index
          %get3A_604 = tpu.vector_load %arg15[%get3A_602, %get3A_603] {strides = array<i32>} : memref<48x128xf32, #tpu.memory_space<vmem>>, vector<1x16xf32>,
          %get3A_605 = vector.shape_cast %get3A_604 : vector<1x16xf32> to vector<16xf32>
          %mul3A_606 = arith.mulf %get3A_601, %get3A_605 : vector<16xf32>
          %get3A_607 = arith.index_cast %add3A_597 : i32 to index
          %get3A_608 = arith.constant 0 : index
          %get3A_609 = tpu.vector_load %arg14[%get3A_607, %get3A_608] {strides = array<i32>} : memref<48x128xf32, #tpu.memory_space<vmem>>, vector<1x16xf32>,
          %get3A_610 = vector.shape_cast %get3A_609 : vector<1x16xf32> to vector<16xf32>
          %mul3A_611 = arith.mulf %mul3A_606, %get3A_610 : vector<16xf32>
          %get3A_612 = arith.index_cast %add3A_597 : i32 to index
          %get3A_613 = arith.constant 16 : index
          %get3A_614 = tpu.vector_load %arg13[%get3A_612, %get3A_613] {strides = array<i32>} : memref<48x128xf32, #tpu.memory_space<vmem>>, vector<1x16xf32>,
          %get3A_615 = vector.shape_cast %get3A_614 : vector<1x16xf32> to vector<16xf32>
          %get3A_616 = arith.index_cast %add3A_597 : i32 to index
          %get3A_617 = arith.constant 16 : index
          %get3A_618 = tpu.vector_load %arg15[%get3A_616, %get3A_617] {strides = array<i32>} : memref<48x128xf32, #tpu.memory_space<vmem>>, vector<1x16xf32>,
          %get3A_619 = vector.shape_cast %get3A_618 : vector<1x16xf32> to vector<16xf32>
          %mul3A_620 = arith.mulf %get3A_615, %get3A_619 : vector<16xf32>
          %get3A_621 = arith.index_cast %add3A_597 : i32 to index
          %get3A_622 = arith.constant 16 : index
          %get3A_623 = tpu.vector_load %arg14[%get3A_621, %get3A_622] {strides = array<i32>} : memref<48x128xf32, #tpu.memory_space<vmem>>, vector<1x16xf32>,
          %get3A_624 = vector.shape_cast %get3A_623 : vector<1x16xf32> to vector<16xf32>
          %mul3A_625 = arith.mulf %mul3A_620, %get3A_624 : vector<16xf32>
          %get3A_626 = arith.index_cast %add3A_597 : i32 to index
          %get3A_627 = arith.constant 32 : index
          %get3A_628 = tpu.vector_load %arg13[%get3A_626, %get3A_627] {strides = array<i32>} : memref<48x128xf32, #tpu.memory_space<vmem>>, vector<1x16xf32>,
          %get3A_629 = vector.shape_cast %get3A_628 : vector<1x16xf32> to vector<16xf32>
          %get3A_630 = arith.index_cast %add3A_597 : i32 to index
          %get3A_631 = arith.constant 32 : index
          %get3A_632 = tpu.vector_load %arg15[%get3A_630, %get3A_631] {strides = array<i32>} : memref<48x128xf32, #tpu.memory_space<vmem>>, vector<1x16xf32>,
          %get3A_633 = vector.shape_cast %get3A_632 : vector<1x16xf32> to vector<16xf32>
          %mul3A_634 = arith.mulf %get3A_629, %get3A_633 : vector<16xf32>
          %get3A_635 = arith.index_cast %add3A_597 : i32 to index
          %get3A_636 = arith.constant 32 : index
          %get3A_637 = tpu.vector_load %arg14[%get3A_635, %get3A_636] {strides = array<i32>} : memref<48x128xf32, #tpu.memory_space<vmem>>, vector<1x16xf32>,
          %get3A_638 = vector.shape_cast %get3A_637 : vector<1x16xf32> to vector<16xf32>
          %mul3A_639 = arith.mulf %mul3A_634, %get3A_638 : vector<16xf32>
          %get3A_640 = arith.index_cast %add3A_597 : i32 to index
          %get3A_641 = arith.constant 48 : index
          %get3A_642 = tpu.vector_load %arg13[%get3A_640, %get3A_641] {strides = array<i32>} : memref<48x128xf32, #tpu.memory_space<vmem>>, vector<1x16xf32>,
          %get3A_643 = vector.shape_cast %get3A_642 : vector<1x16xf32> to vector<16xf32>
          %get3A_644 = arith.index_cast %add3A_597 : i32 to index
          %get3A_645 = arith.constant 48 : index
          %get3A_646 = tpu.vector_load %arg15[%get3A_644, %get3A_645] {strides = array<i32>} : memref<48x128xf32, #tpu.memory_space<vmem>>, vector<1x16xf32>,
          %get3A_647 = vector.shape_cast %get3A_646 : vector<1x16xf32> to vector<16xf32>
          %mul3A_648 = arith.mulf %get3A_643, %get3A_647 : vector<16xf32>
          %get3A_649 = arith.index_cast %add3A_597 : i32 to index
          %get3A_650 = arith.constant 48 : index
          %get3A_651 = tpu.vector_load %arg14[%get3A_649, %get3A_650] {strides = array<i32>} : memref<48x128xf32, #tpu.memory_space<vmem>>, vector<1x16xf32>,
          %get3A_652 = vector.shape_cast %get3A_651 : vector<1x16xf32> to vector<16xf32>
          %mul3A_653 = arith.mulf %mul3A_648, %get3A_652 : vector<16xf32>
          %get3A_654 = arith.index_cast %add3A_597 : i32 to index
          %get3A_655 = arith.constant 64 : index
          %get3A_656 = tpu.vector_load %arg13[%get3A_654, %get3A_655] {strides = array<i32>} : memref<48x128xf32, #tpu.memory_space<vmem>>, vector<1x16xf32>,
          %get3A_657 = vector.shape_cast %get3A_656 : vector<1x16xf32> to vector<16xf32>
          %get3A_658 = arith.index_cast %add3A_597 : i32 to index
          %get3A_659 = arith.constant 64 : index
          %get3A_660 = tpu.vector_load %arg15[%get3A_658, %get3A_659] {strides = array<i32>} : memref<48x128xf32, #tpu.memory_space<vmem>>, vector<1x16xf32>,
          %get3A_661 = vector.shape_cast %get3A_660 : vector<1x16xf32> to vector<16xf32>
          %mul3A_662 = arith.mulf %get3A_657, %get3A_661 : vector<16xf32>
          %get3A_663 = arith.index_cast %add3A_597 : i32 to index
          %get3A_664 = arith.constant 64 : index
          %get3A_665 = tpu.vector_load %arg14[%get3A_663, %get3A_664] {strides = array<i32>} : memref<48x128xf32, #tpu.memory_space<vmem>>, vector<1x16xf32>,
          %get3A_666 = vector.shape_cast %get3A_665 : vector<1x16xf32> to vector<16xf32>
          %mul3A_667 = arith.mulf %mul3A_662, %get3A_666 : vector<16xf32>
          %get3A_668 = arith.index_cast %add3A_597 : i32 to index
          %get3A_669 = arith.constant 80 : index
          %get3A_670 = tpu.vector_load %arg13[%get3A_668, %get3A_669] {strides = array<i32>} : memref<48x128xf32, #tpu.memory_space<vmem>>, vector<1x16xf32>,
          %get3A_671 = vector.shape_cast %get3A_670 : vector<1x16xf32> to vector<16xf32>
          %get3A_672 = arith.index_cast %add3A_597 : i32 to index
          %get3A_673 = arith.constant 80 : index
          %get3A_674 = tpu.vector_load %arg15[%get3A_672, %get3A_673] {strides = array<i32>} : memref<48x128xf32, #tpu.memory_space<vmem>>, vector<1x16xf32>,
          %get3A_675 = vector.shape_cast %get3A_674 : vector<1x16xf32> to vector<16xf32>
          %mul3A_676 = arith.mulf %get3A_671, %get3A_675 : vector<16xf32>
          %get3A_677 = arith.index_cast %add3A_597 : i32 to index
          %get3A_678 = arith.constant 80 : index
          %get3A_679 = tpu.vector_load %arg14[%get3A_677, %get3A_678] {strides = array<i32>} : memref<48x128xf32, #tpu.memory_space<vmem>>, vector<1x16xf32>,
          %get3A_680 = vector.shape_cast %get3A_679 : vector<1x16xf32> to vector<16xf32>
          %mul3A_681 = arith.mulf %mul3A_676, %get3A_680 : vector<16xf32>
          %get3A_682 = arith.index_cast %add3A_597 : i32 to index
          %get3A_683 = arith.constant 96 : index
          %get3A_684 = tpu.vector_load %arg13[%get3A_682, %get3A_683] {strides = array<i32>} : memref<48x128xf32, #tpu.memory_space<vmem>>, vector<1x16xf32>,
          %get3A_685 = vector.shape_cast %get3A_684 : vector<1x16xf32> to vector<16xf32>
          %get3A_686 = arith.index_cast %add3A_597 : i32 to index
          %get3A_687 = arith.constant 96 : index
          %get3A_688 = tpu.vector_load %arg15[%get3A_686, %get3A_687] {strides = array<i32>} : memref<48x128xf32, #tpu.memory_space<vmem>>, vector<1x16xf32>,
          %get3A_689 = vector.shape_cast %get3A_688 : vector<1x16xf32> to vector<16xf32>
          %mul3A_690 = arith.mulf %get3A_685, %get3A_689 : vector<16xf32>
          %get3A_691 = arith.index_cast %add3A_597 : i32 to index
          %get3A_692 = arith.constant 96 : index
          %get3A_693 = tpu.vector_load %arg14[%get3A_691, %get3A_692] {strides = array<i32>} : memref<48x128xf32, #tpu.memory_space<vmem>>, vector<1x16xf32>,
          %get3A_694 = vector.shape_cast %get3A_693 : vector<1x16xf32> to vector<16xf32>
          %mul3A_695 = arith.mulf %mul3A_690, %get3A_694 : vector<16xf32>
          %get3A_696 = arith.index_cast %add3A_597 : i32 to index
          %get3A_697 = arith.constant 112 : index
          %get3A_698 = tpu.vector_load %arg13[%get3A_696, %get3A_697] {strides = array<i32>} : memref<48x128xf32, #tpu.memory_space<vmem>>, vector<1x16xf32>,
          %get3A_699 = vector.shape_cast %get3A_698 : vector<1x16xf32> to vector<16xf32>
          %get3A_700 = arith.index_cast %add3A_597 : i32 to index
          %get3A_701 = arith.constant 112 : index
          %get3A_702 = tpu.vector_load %arg15[%get3A_700, %get3A_701] {strides = array<i32>} : memref<48x128xf32, #tpu.memory_space<vmem>>, vector<1x16xf32>,
          %get3A_703 = vector.shape_cast %get3A_702 : vector<1x16xf32> to vector<16xf32>
          %mul3A_704 = arith.mulf %get3A_699, %get3A_703 : vector<16xf32>
          %get3A_705 = arith.index_cast %add3A_597 : i32 to index
          %get3A_706 = arith.constant 112 : index
          %get3A_707 = tpu.vector_load %arg14[%get3A_705, %get3A_706] {strides = array<i32>} : memref<48x128xf32, #tpu.memory_space<vmem>>, vector<1x16xf32>,
          %get3A_708 = vector.shape_cast %get3A_707 : vector<1x16xf32> to vector<16xf32>
          %mul3A_709 = arith.mulf %mul3A_704, %get3A_708 : vector<16xf32>
          %add3A_710 = arith.addf %mul3A_611, %mul3A_625 : vector<16xf32>
          %add3A_711 = arith.addf %mul3A_639, %mul3A_653 : vector<16xf32>
          %add3A_712 = arith.addf %mul3A_667, %mul3A_681 : vector<16xf32>
          %add3A_713 = arith.addf %mul3A_695, %mul3A_709 : vector<16xf32>
          %add3A_714 = arith.addf %add3A_710, %add3A_711 : vector<16xf32>
          %add3A_715 = arith.addf %add3A_712, %add3A_713 : vector<16xf32>
          %add3A_716 = arith.addf %add3A_714, %add3A_715 : vector<16xf32>
          %broadcast_in_dim3A_717 = vector.shape_cast %xor3A_2 : vector<16xi32> to vector<16x1xi32>
          %gather3A_718 = vector.shape_cast %broadcast_in_dim3A_717 : vector<16x1xi32> to vector<16xi32>
          %gather3A_719 = tpu.dynamic_gather %add3A_716[%gather3A_718] in [0] : vector<16xf32>, vector<16xi32> -> vector<16xf32>
          %add3A_720 = arith.addf %add3A_716, %gather3A_719 : vector<16xf32>
          %broadcast_in_dim3A_721 = vector.shape_cast %xor3A_5 : vector<16xi32> to vector<16x1xi32>
          %gather3A_722 = vector.shape_cast %broadcast_in_dim3A_721 : vector<16x1xi32> to vector<16xi32>
          %gather3A_723 = tpu.dynamic_gather %add3A_720[%gather3A_722] in [0] : vector<16xf32>, vector<16xi32> -> vector<16xf32>
          %add3A_724 = arith.addf %add3A_720, %gather3A_723 : vector<16xf32>
          %broadcast_in_dim3A_725 = vector.shape_cast %xor3A_8 : vector<16xi32> to vector<16x1xi32>
          %gather3A_726 = vector.shape_cast %broadcast_in_dim3A_725 : vector<16x1xi32> to vector<16xi32>
          %gather3A_727 = tpu.dynamic_gather %add3A_724[%gather3A_726] in [0] : vector<16xf32>, vector<16xi32> -> vector<16xf32>
          %add3A_728 = arith.addf %add3A_724, %gather3A_727 : vector<16xf32>
          %broadcast_in_dim3A_729 = vector.shape_cast %xor3A_11 : vector<16xi32> to vector<16x1xi32>
          %gather3A_730 = vector.shape_cast %broadcast_in_dim3A_729 : vector<16x1xi32> to vector<16xi32>
          %gather3A_731 = tpu.dynamic_gather %add3A_728[%gather3A_730] in [0] : vector<16xf32>, vector<16xi32> -> vector<16xf32>
          %add3A_732 = arith.addf %add3A_728, %gather3A_731 : vector<16xf32>
          %eq3A_733 = vector.broadcast %add3A_596 : i32 to vector<16xi32>
          %eq3A_734 = arith.cmpi eq, %iota3A, %eq3A_733 : vector<16xi32>
          %select_n3A_735 = arith.select %eq3A_734, %add3A_732, %select_n3A_592 : vector<16xi1>, vector<16xf32>
          %mul3A_736 = arith.constant 4 : i32
          %mul3A_737 = arith.muli %scan3A_308, %mul3A_736 : i32
          %add3A_738 = arith.constant 3 : i32
          %add3A_739 = arith.addi %mul3A_737, %add3A_738 : i32
          %add3A_740 = arith.addi %mul3A_288, %add3A_739 : i32
          %get3A_741 = arith.index_cast %add3A_740 : i32 to index
          %get3A_742 = arith.constant 0 : index
          %get3A_743 = tpu.vector_load %arg13[%get3A_741, %get3A_742] {strides = array<i32>} : memref<48x128xf32, #tpu.memory_space<vmem>>, vector<1x16xf32>,
          %get3A_744 = vector.shape_cast %get3A_743 : vector<1x16xf32> to vector<16xf32>
          %get3A_745 = arith.index_cast %add3A_740 : i32 to index
          %get3A_746 = arith.constant 0 : index
          %get3A_747 = tpu.vector_load %arg15[%get3A_745, %get3A_746] {strides = array<i32>} : memref<48x128xf32, #tpu.memory_space<vmem>>, vector<1x16xf32>,
          %get3A_748 = vector.shape_cast %get3A_747 : vector<1x16xf32> to vector<16xf32>
          %mul3A_749 = arith.mulf %get3A_744, %get3A_748 : vector<16xf32>
          %get3A_750 = arith.index_cast %add3A_740 : i32 to index
          %get3A_751 = arith.constant 0 : index
          %get3A_752 = tpu.vector_load %arg14[%get3A_750, %get3A_751] {strides = array<i32>} : memref<48x128xf32, #tpu.memory_space<vmem>>, vector<1x16xf32>,
          %get3A_753 = vector.shape_cast %get3A_752 : vector<1x16xf32> to vector<16xf32>
          %mul3A_754 = arith.mulf %mul3A_749, %get3A_753 : vector<16xf32>
          %get3A_755 = arith.index_cast %add3A_740 : i32 to index
          %get3A_756 = arith.constant 16 : index
          %get3A_757 = tpu.vector_load %arg13[%get3A_755, %get3A_756] {strides = array<i32>} : memref<48x128xf32, #tpu.memory_space<vmem>>, vector<1x16xf32>,
          %get3A_758 = vector.shape_cast %get3A_757 : vector<1x16xf32> to vector<16xf32>
          %get3A_759 = arith.index_cast %add3A_740 : i32 to index
          %get3A_760 = arith.constant 16 : index
          %get3A_761 = tpu.vector_load %arg15[%get3A_759, %get3A_760] {strides = array<i32>} : memref<48x128xf32, #tpu.memory_space<vmem>>, vector<1x16xf32>,
          %get3A_762 = vector.shape_cast %get3A_761 : vector<1x16xf32> to vector<16xf32>
          %mul3A_763 = arith.mulf %get3A_758, %get3A_762 : vector<16xf32>
          %get3A_764 = arith.index_cast %add3A_740 : i32 to index
          %get3A_765 = arith.constant 16 : index
          %get3A_766 = tpu.vector_load %arg14[%get3A_764, %get3A_765] {strides = array<i32>} : memref<48x128xf32, #tpu.memory_space<vmem>>, vector<1x16xf32>,
          %get3A_767 = vector.shape_cast %get3A_766 : vector<1x16xf32> to vector<16xf32>
          %mul3A_768 = arith.mulf %mul3A_763, %get3A_767 : vector<16xf32>
          %get3A_769 = arith.index_cast %add3A_740 : i32 to index
          %get3A_770 = arith.constant 32 : index
          %get3A_771 = tpu.vector_load %arg13[%get3A_769, %get3A_770] {strides = array<i32>} : memref<48x128xf32, #tpu.memory_space<vmem>>, vector<1x16xf32>,
          %get3A_772 = vector.shape_cast %get3A_771 : vector<1x16xf32> to vector<16xf32>
          %get3A_773 = arith.index_cast %add3A_740 : i32 to index
          %get3A_774 = arith.constant 32 : index
          %get3A_775 = tpu.vector_load %arg15[%get3A_773, %get3A_774] {strides = array<i32>} : memref<48x128xf32, #tpu.memory_space<vmem>>, vector<1x16xf32>,
          %get3A_776 = vector.shape_cast %get3A_775 : vector<1x16xf32> to vector<16xf32>
          %mul3A_777 = arith.mulf %get3A_772, %get3A_776 : vector<16xf32>
          %get3A_778 = arith.index_cast %add3A_740 : i32 to index
          %get3A_779 = arith.constant 32 : index
          %get3A_780 = tpu.vector_load %arg14[%get3A_778, %get3A_779] {strides = array<i32>} : memref<48x128xf32, #tpu.memory_space<vmem>>, vector<1x16xf32>,
          %get3A_781 = vector.shape_cast %get3A_780 : vector<1x16xf32> to vector<16xf32>
          %mul3A_782 = arith.mulf %mul3A_777, %get3A_781 : vector<16xf32>
          %get3A_783 = arith.index_cast %add3A_740 : i32 to index
          %get3A_784 = arith.constant 48 : index
          %get3A_785 = tpu.vector_load %arg13[%get3A_783, %get3A_784] {strides = array<i32>} : memref<48x128xf32, #tpu.memory_space<vmem>>, vector<1x16xf32>,
          %get3A_786 = vector.shape_cast %get3A_785 : vector<1x16xf32> to vector<16xf32>
          %get3A_787 = arith.index_cast %add3A_740 : i32 to index
          %get3A_788 = arith.constant 48 : index
          %get3A_789 = tpu.vector_load %arg15[%get3A_787, %get3A_788] {strides = array<i32>} : memref<48x128xf32, #tpu.memory_space<vmem>>, vector<1x16xf32>,
          %get3A_790 = vector.shape_cast %get3A_789 : vector<1x16xf32> to vector<16xf32>
          %mul3A_791 = arith.mulf %get3A_786, %get3A_790 : vector<16xf32>
          %get3A_792 = arith.index_cast %add3A_740 : i32 to index
          %get3A_793 = arith.constant 48 : index
          %get3A_794 = tpu.vector_load %arg14[%get3A_792, %get3A_793] {strides = array<i32>} : memref<48x128xf32, #tpu.memory_space<vmem>>, vector<1x16xf32>,
          %get3A_795 = vector.shape_cast %get3A_794 : vector<1x16xf32> to vector<16xf32>
          %mul3A_796 = arith.mulf %mul3A_791, %get3A_795 : vector<16xf32>
          %get3A_797 = arith.index_cast %add3A_740 : i32 to index
          %get3A_798 = arith.constant 64 : index
          %get3A_799 = tpu.vector_load %arg13[%get3A_797, %get3A_798] {strides = array<i32>} : memref<48x128xf32, #tpu.memory_space<vmem>>, vector<1x16xf32>,
          %get3A_800 = vector.shape_cast %get3A_799 : vector<1x16xf32> to vector<16xf32>
          %get3A_801 = arith.index_cast %add3A_740 : i32 to index
          %get3A_802 = arith.constant 64 : index
          %get3A_803 = tpu.vector_load %arg15[%get3A_801, %get3A_802] {strides = array<i32>} : memref<48x128xf32, #tpu.memory_space<vmem>>, vector<1x16xf32>,
          %get3A_804 = vector.shape_cast %get3A_803 : vector<1x16xf32> to vector<16xf32>
          %mul3A_805 = arith.mulf %get3A_800, %get3A_804 : vector<16xf32>
          %get3A_806 = arith.index_cast %add3A_740 : i32 to index
          %get3A_807 = arith.constant 64 : index
          %get3A_808 = tpu.vector_load %arg14[%get3A_806, %get3A_807] {strides = array<i32>} : memref<48x128xf32, #tpu.memory_space<vmem>>, vector<1x16xf32>,
          %get3A_809 = vector.shape_cast %get3A_808 : vector<1x16xf32> to vector<16xf32>
          %mul3A_810 = arith.mulf %mul3A_805, %get3A_809 : vector<16xf32>
          %get3A_811 = arith.index_cast %add3A_740 : i32 to index
          %get3A_812 = arith.constant 80 : index
          %get3A_813 = tpu.vector_load %arg13[%get3A_811, %get3A_812] {strides = array<i32>} : memref<48x128xf32, #tpu.memory_space<vmem>>, vector<1x16xf32>,
          %get3A_814 = vector.shape_cast %get3A_813 : vector<1x16xf32> to vector<16xf32>
          %get3A_815 = arith.index_cast %add3A_740 : i32 to index
          %get3A_816 = arith.constant 80 : index
          %get3A_817 = tpu.vector_load %arg15[%get3A_815, %get3A_816] {strides = array<i32>} : memref<48x128xf32, #tpu.memory_space<vmem>>, vector<1x16xf32>,
          %get3A_818 = vector.shape_cast %get3A_817 : vector<1x16xf32> to vector<16xf32>
          %mul3A_819 = arith.mulf %get3A_814, %get3A_818 : vector<16xf32>
          %get3A_820 = arith.index_cast %add3A_740 : i32 to index
          %get3A_821 = arith.constant 80 : index
          %get3A_822 = tpu.vector_load %arg14[%get3A_820, %get3A_821] {strides = array<i32>} : memref<48x128xf32, #tpu.memory_space<vmem>>, vector<1x16xf32>,
          %get3A_823 = vector.shape_cast %get3A_822 : vector<1x16xf32> to vector<16xf32>
          %mul3A_824 = arith.mulf %mul3A_819, %get3A_823 : vector<16xf32>
          %get3A_825 = arith.index_cast %add3A_740 : i32 to index
          %get3A_826 = arith.constant 96 : index
          %get3A_827 = tpu.vector_load %arg13[%get3A_825, %get3A_826] {strides = array<i32>} : memref<48x128xf32, #tpu.memory_space<vmem>>, vector<1x16xf32>,
          %get3A_828 = vector.shape_cast %get3A_827 : vector<1x16xf32> to vector<16xf32>
          %get3A_829 = arith.index_cast %add3A_740 : i32 to index
          %get3A_830 = arith.constant 96 : index
          %get3A_831 = tpu.vector_load %arg15[%get3A_829, %get3A_830] {strides = array<i32>} : memref<48x128xf32, #tpu.memory_space<vmem>>, vector<1x16xf32>,
          %get3A_832 = vector.shape_cast %get3A_831 : vector<1x16xf32> to vector<16xf32>
          %mul3A_833 = arith.mulf %get3A_828, %get3A_832 : vector<16xf32>
          %get3A_834 = arith.index_cast %add3A_740 : i32 to index
          %get3A_835 = arith.constant 96 : index
          %get3A_836 = tpu.vector_load %arg14[%get3A_834, %get3A_835] {strides = array<i32>} : memref<48x128xf32, #tpu.memory_space<vmem>>, vector<1x16xf32>,
          %get3A_837 = vector.shape_cast %get3A_836 : vector<1x16xf32> to vector<16xf32>
          %mul3A_838 = arith.mulf %mul3A_833, %get3A_837 : vector<16xf32>
          %get3A_839 = arith.index_cast %add3A_740 : i32 to index
          %get3A_840 = arith.constant 112 : index
          %get3A_841 = tpu.vector_load %arg13[%get3A_839, %get3A_840] {strides = array<i32>} : memref<48x128xf32, #tpu.memory_space<vmem>>, vector<1x16xf32>,
          %get3A_842 = vector.shape_cast %get3A_841 : vector<1x16xf32> to vector<16xf32>
          %get3A_843 = arith.index_cast %add3A_740 : i32 to index
          %get3A_844 = arith.constant 112 : index
          %get3A_845 = tpu.vector_load %arg15[%get3A_843, %get3A_844] {strides = array<i32>} : memref<48x128xf32, #tpu.memory_space<vmem>>, vector<1x16xf32>,
          %get3A_846 = vector.shape_cast %get3A_845 : vector<1x16xf32> to vector<16xf32>
          %mul3A_847 = arith.mulf %get3A_842, %get3A_846 : vector<16xf32>
          %get3A_848 = arith.index_cast %add3A_740 : i32 to index
          %get3A_849 = arith.constant 112 : index
          %get3A_850 = tpu.vector_load %arg14[%get3A_848, %get3A_849] {strides = array<i32>} : memref<48x128xf32, #tpu.memory_space<vmem>>, vector<1x16xf32>,
          %get3A_851 = vector.shape_cast %get3A_850 : vector<1x16xf32> to vector<16xf32>
          %mul3A_852 = arith.mulf %mul3A_847, %get3A_851 : vector<16xf32>
          %add3A_853 = arith.addf %mul3A_754, %mul3A_768 : vector<16xf32>
          %add3A_854 = arith.addf %mul3A_782, %mul3A_796 : vector<16xf32>
          %add3A_855 = arith.addf %mul3A_810, %mul3A_824 : vector<16xf32>
          %add3A_856 = arith.addf %mul3A_838, %mul3A_852 : vector<16xf32>
          %add3A_857 = arith.addf %add3A_853, %add3A_854 : vector<16xf32>
          %add3A_858 = arith.addf %add3A_855, %add3A_856 : vector<16xf32>
          %add3A_859 = arith.addf %add3A_857, %add3A_858 : vector<16xf32>
          %broadcast_in_dim3A_860 = vector.shape_cast %xor3A_2 : vector<16xi32> to vector<16x1xi32>
          %gather3A_861 = vector.shape_cast %broadcast_in_dim3A_860 : vector<16x1xi32> to vector<16xi32>
          %gather3A_862 = tpu.dynamic_gather %add3A_859[%gather3A_861] in [0] : vector<16xf32>, vector<16xi32> -> vector<16xf32>
          %add3A_863 = arith.addf %add3A_859, %gather3A_862 : vector<16xf32>
          %broadcast_in_dim3A_864 = vector.shape_cast %xor3A_5 : vector<16xi32> to vector<16x1xi32>
          %gather3A_865 = vector.shape_cast %broadcast_in_dim3A_864 : vector<16x1xi32> to vector<16xi32>
          %gather3A_866 = tpu.dynamic_gather %add3A_863[%gather3A_865] in [0] : vector<16xf32>, vector<16xi32> -> vector<16xf32>
          %add3A_867 = arith.addf %add3A_863, %gather3A_866 : vector<16xf32>
          %broadcast_in_dim3A_868 = vector.shape_cast %xor3A_8 : vector<16xi32> to vector<16x1xi32>
          %gather3A_869 = vector.shape_cast %broadcast_in_dim3A_868 : vector<16x1xi32> to vector<16xi32>
          %gather3A_870 = tpu.dynamic_gather %add3A_867[%gather3A_869] in [0] : vector<16xf32>, vector<16xi32> -> vector<16xf32>
          %add3A_871 = arith.addf %add3A_867, %gather3A_870 : vector<16xf32>
          %broadcast_in_dim3A_872 = vector.shape_cast %xor3A_11 : vector<16xi32> to vector<16x1xi32>
          %gather3A_873 = vector.shape_cast %broadcast_in_dim3A_872 : vector<16x1xi32> to vector<16xi32>
          %gather3A_874 = tpu.dynamic_gather %add3A_871[%gather3A_873] in [0] : vector<16xf32>, vector<16xi32> -> vector<16xf32>
          %add3A_875 = arith.addf %add3A_871, %gather3A_874 : vector<16xf32>
          %eq3A_876 = vector.broadcast %add3A_739 : i32 to vector<16xi32>
          %eq3A_877 = arith.cmpi eq, %iota3A, %eq3A_876 : vector<16xi32>
          %select_n3A_878 = arith.select %eq3A_877, %add3A_875, %select_n3A_735 : vector<16xi1>, vector<16xf32>
          scf.yield %select_n3A_878 : vector<16xf32>
        }
        %scan3A_295 = arith.constant 4 : i32
        %mul3A_296 = arith.constant 7.812500e-03 : f32
        %mul3A_297 = vector.broadcast %mul3A_296 : f32 to vector<16xf32>
        %mul3A_298 = arith.mulf %scan3A_294, %mul3A_297 : vector<16xf32>
        %mul3A_299 = arith.constant 48 : i32
        %mul3A_300 = arith.muli %add3A_215, %mul3A_299 : i32
        %mul3A_301 = arith.constant 16 : i32
        %mul3A_302 = arith.muli %scan3A_285, %mul3A_301 : i32
        %add3A_303 = arith.addi %mul3A_300, %mul3A_302 : i32
        %swap3A = arith.index_cast %add3A_303 : i32 to index
        %swap3A_304 = tpu.vector_load %arg16[%swap3A] {strides = array<i32>} : memref<10080xf32, #tpu.memory_space<vmem>>, vector<16xf32>,
        %swap3A_305 = vector.shape_cast %swap3A_304 : vector<16xf32> to vector<16xf32>
        %swap3A_306 = vector.shape_cast %mul3A_298 : vector<16xf32> to vector<16xf32>
        tpu.vector_store %arg16[%swap3A], %swap3A_306 {strides = array<i32>} : memref<10080xf32, #tpu.memory_space<vmem>>, vector<16xf32>,
        %scan3A_307 = arith.constant 0 : i32
        scf.yield %scan3A_307 : i32
      }
      %scan3A_254 = arith.constant 3 : i32
      %dma_wait3A_255 = arith.constant 0 : i32
      %dma_wait3A_256 = arith.constant 0 : i32
      %dma_wait3A_257 = tpu.memref_slice %arg3[%add3A, %min3A_218, %dma_wait3A_255, %dma_wait3A_256] : memref<32x210x3x48xi32, #tpu.memory_space<hbm>> -> memref<1x1x3x48xi32, #tpu.memory_space<hbm>>
      %dma_wait3A_258 = tpu.memref_squeeze %dma_wait3A_257 : memref<1x1x3x48xi32, #tpu.memory_space<hbm>> -> memref<3x48xi32, #tpu.memory_space<hbm>>
      %dma_wait3A_259 = arith.constant 0 : i32
      %dma_wait3A_260 = arith.constant 0 : i32
      %dma_wait3A_261 = tpu.memref_slice %arg3[%add3A, %min3A_218, %dma_wait3A_259, %dma_wait3A_260] : memref<32x210x3x48xi32, #tpu.memory_space<hbm>> -> memref<1x1x3x48xi32, #tpu.memory_space<hbm>>
      %dma_wait3A_262 = tpu.memref_squeeze %dma_wait3A_261 : memref<1x1x3x48xi32, #tpu.memory_space<hbm>> -> memref<3x48xi32, #tpu.memory_space<hbm>>
      tpu.wait_dma2 semaphore(%arg18 : memref<!tpu.dma_semaphore, #tpu.memory_space<semaphore_mem>>) src(%dma_wait3A_262 : memref<3x48xi32, #tpu.memory_space<hbm>>) dst(%arg9 : memref<3x48xi32, #tpu.memory_space<vmem>>)
      %dma_start3A_263 = arith.constant 0 : i32
      %dma_start3A_264 = arith.constant 0 : i32
      %dma_start3A_265 = tpu.memref_slice %arg9[%dma_start3A_263, %dma_start3A_264] : memref<3x48xi32, #tpu.memory_space<vmem>> -> memref<1x48xi32, #tpu.memory_space<vmem>>
      %dma_start3A_266 = tpu.memref_squeeze %dma_start3A_265 : memref<1x48xi32, #tpu.memory_space<vmem>> -> memref<48xi32, #tpu.memory_space<vmem>>
      %dma_start3A_267 = arith.constant 0 : i32
      %dma_start3A_268 = arith.constant 0 : i32
      %dma_start3A_269 = tpu.memref_slice %arg6[%dma_start3A_267, %dma_start3A_268] : memref<10000x128xf32, #tpu.memory_space<vmem_shared>> -> memref<10000x128xf32, #tpu.memory_space<vmem_shared>>
      tpu.enqueue_indirect_dma source(%dma_start3A_269 : memref<10000x128xf32, #tpu.memory_space<vmem_shared>>) target(%arg13 : memref<48x128xf32, #tpu.memory_space<vmem>>) offsets(%dma_start3A_266 : memref<48xi32, #tpu.memory_space<vmem>>) semaphore(%arg22 : memref<!tpu.dma_semaphore, #tpu.memory_space<semaphore_mem>>)
      %dma_start3A_270 = arith.constant 1 : i32
      %dma_start3A_271 = arith.constant 0 : i32
      %dma_start3A_272 = tpu.memref_slice %arg9[%dma_start3A_270, %dma_start3A_271] : memref<3x48xi32, #tpu.memory_space<vmem>> -> memref<1x48xi32, #tpu.memory_space<vmem>>
      %dma_start3A_273 = tpu.memref_squeeze %dma_start3A_272 : memref<1x48xi32, #tpu.memory_space<vmem>> -> memref<48xi32, #tpu.memory_space<vmem>>
      %dma_start3A_274 = arith.constant 0 : i32
      %dma_start3A_275 = arith.constant 0 : i32
      %dma_start3A_276 = tpu.memref_slice %arg6[%dma_start3A_274, %dma_start3A_275] : memref<10000x128xf32, #tpu.memory_space<vmem_shared>> -> memref<10000x128xf32, #tpu.memory_space<vmem_shared>>
      tpu.enqueue_indirect_dma source(%dma_start3A_276 : memref<10000x128xf32, #tpu.memory_space<vmem_shared>>) target(%arg14 : memref<48x128xf32, #tpu.memory_space<vmem>>) offsets(%dma_start3A_273 : memref<48xi32, #tpu.memory_space<vmem>>) semaphore(%arg23 : memref<!tpu.dma_semaphore, #tpu.memory_space<semaphore_mem>>)
      %dma_start3A_277 = arith.constant 2 : i32
      %dma_start3A_278 = arith.constant 0 : i32
      %dma_start3A_279 = tpu.memref_slice %arg9[%dma_start3A_277, %dma_start3A_278] : memref<3x48xi32, #tpu.memory_space<vmem>> -> memref<1x48xi32, #tpu.memory_space<vmem>>
      %dma_start3A_280 = tpu.memref_squeeze %dma_start3A_279 : memref<1x48xi32, #tpu.memory_space<vmem>> -> memref<48xi32, #tpu.memory_space<vmem>>
      %dma_start3A_281 = arith.constant 0 : i32
      %dma_start3A_282 = arith.constant 0 : i32
      %dma_start3A_283 = tpu.memref_slice %arg7[%dma_start3A_281, %dma_start3A_282] : memref<16x128xf32, #tpu.memory_space<vmem_shared>> -> memref<16x128xf32, #tpu.memory_space<vmem_shared>>
      tpu.enqueue_indirect_dma source(%dma_start3A_283 : memref<16x128xf32, #tpu.memory_space<vmem_shared>>) target(%arg15 : memref<48x128xf32, #tpu.memory_space<vmem>>) offsets(%dma_start3A_280 : memref<48xi32, #tpu.memory_space<vmem>>) semaphore(%arg24 : memref<!tpu.dma_semaphore, #tpu.memory_space<semaphore_mem>>)
      %scan3A_284 = arith.constant 0 : i32
      scf.yield %scan3A_284 : i32
    }
    %scan3A_96 = arith.constant 105 : i32
    %dma_wait3A_97 = arith.constant 0 : i32
    %dma_wait3A_98 = arith.constant 0 : i32
    %dma_wait3A_99 = tpu.memref_slice %arg8[%dma_wait3A_97, %dma_wait3A_98] : memref<3x48xi32, #tpu.memory_space<vmem>> -> memref<1x48xi32, #tpu.memory_space<vmem>>
    %dma_wait3A_100 = tpu.memref_squeeze %dma_wait3A_99 : memref<1x48xi32, #tpu.memory_space<vmem>> -> memref<48xi32, #tpu.memory_space<vmem>>
    %dma_wait3A_101 = arith.constant 0 : i32
    %dma_wait3A_102 = arith.constant 0 : i32
    %dma_wait3A_103 = tpu.memref_slice %arg6[%dma_wait3A_101, %dma_wait3A_102] : memref<10000x128xf32, #tpu.memory_space<vmem_shared>> -> memref<10000x128xf32, #tpu.memory_space<vmem_shared>>
    tpu.wait_indirect_dma semaphore(%arg19 : memref<!tpu.dma_semaphore, #tpu.memory_space<semaphore_mem>>) src(%dma_wait3A_103 : memref<10000x128xf32, #tpu.memory_space<vmem_shared>>) dst(%arg10 : memref<48x128xf32, #tpu.memory_space<vmem>>)
    %dma_wait3A_104 = arith.constant 1 : i32
    %dma_wait3A_105 = arith.constant 0 : i32
    %dma_wait3A_106 = tpu.memref_slice %arg8[%dma_wait3A_104, %dma_wait3A_105] : memref<3x48xi32, #tpu.memory_space<vmem>> -> memref<1x48xi32, #tpu.memory_space<vmem>>
    %dma_wait3A_107 = tpu.memref_squeeze %dma_wait3A_106 : memref<1x48xi32, #tpu.memory_space<vmem>> -> memref<48xi32, #tpu.memory_space<vmem>>
    %dma_wait3A_108 = arith.constant 0 : i32
    %dma_wait3A_109 = arith.constant 0 : i32
    %dma_wait3A_110 = tpu.memref_slice %arg6[%dma_wait3A_108, %dma_wait3A_109] : memref<10000x128xf32, #tpu.memory_space<vmem_shared>> -> memref<10000x128xf32, #tpu.memory_space<vmem_shared>>
    tpu.wait_indirect_dma semaphore(%arg20 : memref<!tpu.dma_semaphore, #tpu.memory_space<semaphore_mem>>) src(%dma_wait3A_110 : memref<10000x128xf32, #tpu.memory_space<vmem_shared>>) dst(%arg11 : memref<48x128xf32, #tpu.memory_space<vmem>>)
    %dma_wait3A_111 = arith.constant 2 : i32
    %dma_wait3A_112 = arith.constant 0 : i32
    %dma_wait3A_113 = tpu.memref_slice %arg8[%dma_wait3A_111, %dma_wait3A_112] : memref<3x48xi32, #tpu.memory_space<vmem>> -> memref<1x48xi32, #tpu.memory_space<vmem>>
    %dma_wait3A_114 = tpu.memref_squeeze %dma_wait3A_113 : memref<1x48xi32, #tpu.memory_space<vmem>> -> memref<48xi32, #tpu.memory_space<vmem>>
    %dma_wait3A_115 = arith.constant 0 : i32
    %dma_wait3A_116 = arith.constant 0 : i32
    %dma_wait3A_117 = tpu.memref_slice %arg7[%dma_wait3A_115, %dma_wait3A_116] : memref<16x128xf32, #tpu.memory_space<vmem_shared>> -> memref<16x128xf32, #tpu.memory_space<vmem_shared>>
    tpu.wait_indirect_dma semaphore(%arg21 : memref<!tpu.dma_semaphore, #tpu.memory_space<semaphore_mem>>) src(%dma_wait3A_117 : memref<16x128xf32, #tpu.memory_space<vmem_shared>>) dst(%arg12 : memref<48x128xf32, #tpu.memory_space<vmem>>)
    %dma_wait3A_118 = arith.constant 0 : i32
    %dma_wait3A_119 = arith.constant 0 : i32
    %dma_wait3A_120 = tpu.memref_slice %arg9[%dma_wait3A_118, %dma_wait3A_119] : memref<3x48xi32, #tpu.memory_space<vmem>> -> memref<1x48xi32, #tpu.memory_space<vmem>>
    %dma_wait3A_121 = tpu.memref_squeeze %dma_wait3A_120 : memref<1x48xi32, #tpu.memory_space<vmem>> -> memref<48xi32, #tpu.memory_space<vmem>>
    %dma_wait3A_122 = arith.constant 0 : i32
    %dma_wait3A_123 = arith.constant 0 : i32
    %dma_wait3A_124 = tpu.memref_slice %arg6[%dma_wait3A_122, %dma_wait3A_123] : memref<10000x128xf32, #tpu.memory_space<vmem_shared>> -> memref<10000x128xf32, #tpu.memory_space<vmem_shared>>
    tpu.wait_indirect_dma semaphore(%arg22 : memref<!tpu.dma_semaphore, #tpu.memory_space<semaphore_mem>>) src(%dma_wait3A_124 : memref<10000x128xf32, #tpu.memory_space<vmem_shared>>) dst(%arg13 : memref<48x128xf32, #tpu.memory_space<vmem>>)
    %dma_wait3A_125 = arith.constant 1 : i32
    %dma_wait3A_126 = arith.constant 0 : i32
    %dma_wait3A_127 = tpu.memref_slice %arg9[%dma_wait3A_125, %dma_wait3A_126] : memref<3x48xi32, #tpu.memory_space<vmem>> -> memref<1x48xi32, #tpu.memory_space<vmem>>
    %dma_wait3A_128 = tpu.memref_squeeze %dma_wait3A_127 : memref<1x48xi32, #tpu.memory_space<vmem>> -> memref<48xi32, #tpu.memory_space<vmem>>
    %dma_wait3A_129 = arith.constant 0 : i32
    %dma_wait3A_130 = arith.constant 0 : i32
    %dma_wait3A_131 = tpu.memref_slice %arg6[%dma_wait3A_129, %dma_wait3A_130] : memref<10000x128xf32, #tpu.memory_space<vmem_shared>> -> memref<10000x128xf32, #tpu.memory_space<vmem_shared>>
    tpu.wait_indirect_dma semaphore(%arg23 : memref<!tpu.dma_semaphore, #tpu.memory_space<semaphore_mem>>) src(%dma_wait3A_131 : memref<10000x128xf32, #tpu.memory_space<vmem_shared>>) dst(%arg14 : memref<48x128xf32, #tpu.memory_space<vmem>>)
    %dma_wait3A_132 = arith.constant 2 : i32
    %dma_wait3A_133 = arith.constant 0 : i32
    %dma_wait3A_134 = tpu.memref_slice %arg9[%dma_wait3A_132, %dma_wait3A_133] : memref<3x48xi32, #tpu.memory_space<vmem>> -> memref<1x48xi32, #tpu.memory_space<vmem>>
    %dma_wait3A_135 = tpu.memref_squeeze %dma_wait3A_134 : memref<1x48xi32, #tpu.memory_space<vmem>> -> memref<48xi32, #tpu.memory_space<vmem>>
    %dma_wait3A_136 = arith.constant 0 : i32
    %dma_wait3A_137 = arith.constant 0 : i32
    %dma_wait3A_138 = tpu.memref_slice %arg7[%dma_wait3A_136, %dma_wait3A_137] : memref<16x128xf32, #tpu.memory_space<vmem_shared>> -> memref<16x128xf32, #tpu.memory_space<vmem_shared>>
    tpu.wait_indirect_dma semaphore(%arg24 : memref<!tpu.dma_semaphore, #tpu.memory_space<semaphore_mem>>) src(%dma_wait3A_138 : memref<16x128xf32, #tpu.memory_space<vmem_shared>>) dst(%arg15 : memref<48x128xf32, #tpu.memory_space<vmem>>)
    "tpu.region"() ({
      %run_scoped3A = tpu.sem_alloc : memref<!tpu.dma_semaphore, #tpu.memory_space<semaphore_mem>>
      %dma_start3A_139 = arith.constant 0 : i32
      %dma_start3A_140 = tpu.memref_slice %arg5[%add3A, %dma_start3A_139] : memref<32x10080xf32, #tpu.memory_space<hbm>> -> memref<1x10080xf32, #tpu.memory_space<hbm>>
      %dma_start3A_141 = tpu.memref_squeeze %dma_start3A_140 : memref<1x10080xf32, #tpu.memory_space<hbm>> -> memref<10080xf32, #tpu.memory_space<hbm>>
      %dma_start3A_142 = arith.constant 0 : i32
      %dma_start3A_143 = tpu.memref_slice %arg5[%add3A, %dma_start3A_142] : memref<32x10080xf32, #tpu.memory_space<hbm>> -> memref<1x10080xf32, #tpu.memory_space<hbm>>
      %dma_start3A_144 = tpu.memref_squeeze %dma_start3A_143 : memref<1x10080xf32, #tpu.memory_space<hbm>> -> memref<10080xf32, #tpu.memory_space<hbm>>
      tpu.enqueue_dma source(%arg16 : memref<10080xf32, #tpu.memory_space<vmem>>) target(%dma_start3A_144 : memref<10080xf32, #tpu.memory_space<hbm>>) target_semaphore(%run_scoped3A : memref<!tpu.dma_semaphore, #tpu.memory_space<semaphore_mem>>)
      %dma_wait3A_145 = arith.constant 0 : i32
      %dma_wait3A_146 = tpu.memref_slice %arg5[%add3A, %dma_wait3A_145] : memref<32x10080xf32, #tpu.memory_space<hbm>> -> memref<1x10080xf32, #tpu.memory_space<hbm>>
      %dma_wait3A_147 = tpu.memref_squeeze %dma_wait3A_146 : memref<1x10080xf32, #tpu.memory_space<hbm>> -> memref<10080xf32, #tpu.memory_space<hbm>>
      %dma_wait3A_148 = arith.constant 0 : i32
      %dma_wait3A_149 = tpu.memref_slice %arg5[%add3A, %dma_wait3A_148] : memref<32x10080xf32, #tpu.memory_space<hbm>> -> memref<1x10080xf32, #tpu.memory_space<hbm>>
      %dma_wait3A_150 = tpu.memref_squeeze %dma_wait3A_149 : memref<1x10080xf32, #tpu.memory_space<hbm>> -> memref<10080xf32, #tpu.memory_space<hbm>>
      tpu.wait_dma2 semaphore(%run_scoped3A : memref<!tpu.dma_semaphore, #tpu.memory_space<semaphore_mem>>) src(%arg16 : memref<10080xf32, #tpu.memory_space<vmem>>) dst(%dma_wait3A_150 : memref<10080xf32, #tpu.memory_space<hbm>>)
      tpu.yield
    }) : () -> ()
    return
  }
}

</mosaic_0001>

<sc_bundles>
// kernel: _sc_score.3.cloned.1.call-start
scs
__scs_entry_jumppad:
0x0: {  	(pc) =	sbr.rel $0x88, $3  }
0x1: {  	(tag) =	ssettag $0x0;
	lr =	simm.s32 $0x1  }
0x2: {  	[smem:$0x3F9E] =	sst lr;
	_ =	strace $0xD0000000  }
0x3: {  	_ = 	snop  }
0x4: {  	_ = 	snop  }
0x5: {  	_ = 	snop  }
0x6: {  	_ = 	snop  }
0x7: {  	_ = 	snop  }
__scs_overlays_trampoline_lowered:
0x8: {  	[smem:$0x3FAD] =	sst s0  }
0x9: {  	[smem:$0x3FAE] =	sst s1  }
0xa: {  	[smem:$0x3FAF] =	sst s2  }
0xb: {  	[smem:$0x3FB0] =	sst s3  }
0xc: {  	[smem:$0x3FB1] =	sst s4  }
0xd: {  	[smem:$0x3FB2] =	sst s5  }
0xe: {  	[smem:$0x3FB3] =	sst s6  }
0xf: {  	[smem:$0x3FB4] =	sst s7  }
0x10: {  	[smem:$0x3FB5] =	sst s8  }
0x11: {  	[smem:$0x3FB6] =	sst s9;
	s0 =	simm.s32 @!p0 $0x0  }
0x12: {  	s1 =	sld [smem:$0x3F9C];
	s0 =	simm.s32 @p0 $0x1  }
0x13: {  	[smem:$0x3FB7] =	sst s0;
	s0 =	simm.s32 @!p1 $0x0  }
0x14: {  	s2 =	sld [smem:$0x3F9B];
	s0 =	simm.s32 @p1 $0x1  }
0x15: {  	[smem:$0x3FB8] =	sst s0;
	s0 =	simm.s32 @!p2 $0x0  }
0x16: {  	s3 =	sld [smem:$0x3FDB];
	s0 =	simm.s32 @p2 $0x1  }
0x17: {  	s4 =	simm.s32 $0x1BF5;
	[smem:$0x3FBA] =	sst s0  }
0x18: {  	s0 =	sld [smem:$0x3F9D];
	_ =	swait.ge [sflag:s4], $0x0  }
0x19: {  	s7 =	sld [smem:$0x3F9E]  }
0x1a: {  	s8 =	sadd.s32 $0xFFFFE003, lr  }
0x1b: {  	s9 =	sadd.s32 $0xFFFFFEF7, lr;
	s5 =	simm.s32 $0xFFFFFFFF;
	p2 =	slt.u32 s8, $0xFFFFF086  }
0x1c: {  	p1 =	slt.u32 s9, $0xF7A;
	s5 =	simm.s32 @!p2 $0x0  }
0x1d: {  	s5 =	simm.s32 @p1 $0x1;
	p0 =	seq.s32 s7, s2  }
0x1e: {  	s7 =	smul.u32 @!p0 $0xF7A, s2;
	p2 =	seq.s32 @!p0 s5, $0x0  }
0x1f: {  	s9 =	smul.u32 $0xF7A, s1;
	s8 =	simm.s32 @!p0 $0x1BF5;
	p2 =	por !p2, p0  }
0x20: {  	[sflag:s8] =	ssyncset.s32 @!p0 $0xFFFFF086;
	s6 =	sadd.s32 @!p0 s3, s7;
	s7 =	simm.s32 @!p0 $0x108  }
0x21: {  	s3 =	sadd.s32 s3, s9;
	s6 =	sadd.s32 @!p0 $0x88, s6;
	s7 =	simm.s32 @p2 $0x1082  }
0x22: {  	[simem:s7], [sflag:s8] =	dma.local @!p0 [hbm:s6], $0xF7A  }
0x23: {  	s9 =	sor.u32 $0xD0000000, s2;
	s6 =	simm.s32 $0x108;
	_ =	swait.ge @!p0 [sflag:s8], $0x0  }
0x24: {  	s3 =	sadd.s32 $0x88, s3;
	s6 =	simm.s32 @!p1 $0x1082;
	[sflag:s4] =	ssyncset.s32 $0xFFFFF086  }
0x25: {  	[simem:s6], [sflag:s4] =	dma.local [hbm:s3], $0xF7A  }
0x26: {  	[smem:$0x3F9E] =	sst s1;
	(tag) =	ssettag s2;
	_ =	strace s9  }
0x27: {  	s1 =	sld [smem:$0x3FAE]  }
0x28: {  	s2 =	sld [smem:$0x3FAF]  }
0x29: {  	s4 =	sld [smem:$0x3FB1]  }
0x2a: {  	p0 =	seq.s32 s5, $0x0;
	s5 =	sld [smem:$0x3FB2]  }
0x2b: {  	s6 =	sld [smem:$0x3FB3]  }
0x2c: {  	s7 =	sld [smem:$0x3FB4]  }
0x2d: {  	s3 =	simm.s32 $0x108;
	s8 =	sld [smem:$0x3FB5]  }
0x2e: {  	s3 =	simm.s32 @!p0 $0x1082;
	s9 =	sld [smem:$0x3FB6]  }
0x2f: {  	lr =	sadd.s32 s0, s3;
	s0 =	sld [smem:$0x3FAD]  }
0x30: {  	s3 =	sld [smem:$0x3FB0]  }
0x31: {  	[smem:$0x3FB9] =	sst s10  }
0x32: {  	s10 =	sld [smem:$0x3FB7];
	_ =	sdelay $0x3  }
0x33: {  	p0 =	seq.s32 s10, $0x1;
	s10 =	sld [smem:$0x3FB9];
	_ =	sdelay $0x3  }
0x34: {  	[smem:$0x3FB9] =	sst s10  }
0x35: {  	s10 =	sld [smem:$0x3FB8];
	_ =	sdelay $0x3  }
0x36: {  	p1 =	seq.s32 s10, $0x1;
	s10 =	sld [smem:$0x3FB9];
	_ =	sdelay $0x3  }
0x37: {  	[smem:$0x3FB9] =	sst s10  }
0x38: {  	s10 =	sld [smem:$0x3FBA]  }
0x39: {  	_ = 	snop;
	(pc) =	sbr.ind lr, $3  }
0x3a: {  	_ = 	snop  }
0x3b: {  	_ = 	snop  }
0x3c: {  	p2 =	seq.s32 s10, $0x1;
	s10 =	sld [smem:$0x3FB9]  }
0x3d: {  	_ =	shalt  }
0x3e: {  	_ =	shalt  }
0x3f: {  	_ =	shalt  }
0x40: {  	_ =	shalt  }
0x41: {  	_ =	shalt  }
0x42: {  	_ =	shalt  }
0x43: {  	_ =	shalt  }
0x44: {  	_ =	shalt  }
0x45: {  	_ =	shalt  }
0x46: {  	_ =	shalt  }
0x47: {  	_ =	shalt  }
0x48: {  	_ =	shalt  }
0x49: {  	_ =	shalt  }
0x4a: {  	_ =	shalt  }
0x4b: {  	_ =	shalt  }
0x4c: {  	_ =	shalt  }
0x4d: {  	_ =	shalt  }
0x4e: {  	_ =	shalt  }
0x4f: {  	_ =	shalt  }
0x50: {  	_ =	shalt  }
0x51: {  	_ =	shalt  }
0x52: {  	_ =	shalt  }
0x53: {  	_ =	shalt  }
0x54: {  	_ =	shalt  }
0x55: {  	_ =	shalt  }
0x56: {  	_ =	shalt  }
0x57: {  	_ =	shalt  }
0x58: {  	_ =	shalt  }
0x59: {  	_ =	shalt  }
0x5a: {  	_ =	shalt  }
0x5b: {  	_ =	shalt  }
0x5c: {  	_ =	shalt  }
0x5d: {  	_ =	shalt  }
0x5e: {  	_ =	shalt  }
0x5f: {  	_ =	shalt  }
0x60: {  	_ =	shalt  }
0x61: {  	_ =	shalt  }
0x62: {  	_ =	shalt  }
0x63: {  	_ =	shalt  }
0x64: {  	_ =	shalt  }
0x65: {  	_ =	shalt  }
0x66: {  	_ =	shalt  }
0x67: {  	_ =	shalt  }
0x68: {  	_ =	shalt  }
0x69: {  	_ =	shalt  }
0x6a: {  	_ =	shalt  }
0x6b: {  	_ =	shalt  }
0x6c: {  	_ =	shalt  }
0x6d: {  	_ =	shalt  }
0x6e: {  	_ =	shalt  }
0x6f: {  	_ =	shalt  }
0x70: {  	_ =	shalt  }
0x71: {  	_ =	shalt  }
0x72: {  	_ =	shalt  }
0x73: {  	_ =	shalt  }
0x74: {  	_ =	shalt  }
0x75: {  	_ =	shalt  }
0x76: {  	_ =	shalt  }
0x77: {  	_ =	shalt  }
0x78: {  	_ =	shalt  }
0x79: {  	_ =	shalt  }
0x7a: {  	_ =	shalt  }
0x7b: {  	_ =	shalt  }
0x7c: {  	_ =	shalt  }
0x7d: {  	_ =	shalt  }
0x7e: {  	_ =	shalt  }
0x7f: {  	_ =	shalt  }
0x80: {  	_ =	shalt  }
0x81: {  	_ =	shalt  }
0x82: {  	_ =	shalt  }
0x83: {  	_ =	shalt  }
0x84: {  	_ =	shalt  }
0x85: {  	_ =	shalt  }
0x86: {  	_ =	shalt  }
0x87: {  	_ =	shalt  }
.Lfunc_end0:
.L_simem_size_0:
called_computation_lowered:
.L_overlay_start_0:
0x88: {  	s2 =	sld [smem:$0x3FD9]  }
0x89: {  	s3 =	sld [smem:$0x3FFE];
	_ =	sdelay $0x1  }
0x8a: {  	s1 =	srdreg.scid  }
0x8b: {  	s0 =	sand.u32 $0x1, s1  }
0x8c: {  	s17 =	sshll.u32 s0, $0xA;
	s2 =	sadd.s32 s3, s2  }
0x8d: {  	s2 =	sadd.s32 s2, s17  }
0x8e: {  	[smem:$0x3FC5] =	sst s2  }
0x8f: {  	_ = 	snop  }
0x90: {  	s2 =	sld [smem:$0x3FC9]  }
0x91: {  	s18 =	sld [smem:$0x3FC7]  }
0x92: {  	s4 =	sld [smem:$0x3FD0];
	(tm) =	ssettm $0x1  }
0x93: {  	s5 =	sld [smem:$0x3FFB];
	_ =	sdelay $0x3  }
0x94: {  	_ =	strace s5  }
0x95: {  	s5 =	sld [smem:$0x3FFC];
	_ =	sdelay $0x3  }
0x96: {  	_ =	strace s5  }
0x97: {  	s5 =	sld [smem:$0x3FFD];
	_ =	sdelay $0x3  }
0x98: {  	_ =	strace s5  }
0x99: {  	_ =	strace $0x8FFFFFFF  }
0x9a: {  	s19 =	sld [smem:$0x3FDB];
	_ =	sdelay $0x1  }
0x9b: {  	s6 =	simm.s32 $_scs_section_size  }
0x9c: {  	s7 =	simm.s32 $_size__tile_overlayer_lowered;
	s8 =	simm.s32 $_tile_overlayer_lowered  }
0x9d: {  	s22 =	simm.s32 $0x1BFF;
	s21 =	sshll.u32 s8, $0x1;
	s5 =	sadd.s32 s6, s19  }
0x9e: {  	s9 =	simm.s32 $0x0;
	s20 =	sshll.u32 s7, $0x1;
	s7 =	sadd.s32 s21, s5  }
0x9f: {  	[timem:s9], [sflag:s22] =	dma.local [hbm:s7], s20  }
0xa0: {  	_ =	swait.ge [sflag:s22], s20  }
0xa1: {  	s6 =	ssub.s32 $0x0, s20;
	[sflag:s22] =	ssyncset.done $0x0  }
0xa2: {  	[sflag:s22] =	ssyncadd.s32 s6;
	_ =	sdelay $0x1  }
0xa3: {  	s23 =	simm.s32 $0x1B8B  }
0xa4: {  	_ =	swait.ge [sflag:s23], $0x1  }
0xa5: {  	[sflag:s23] =	ssyncset.done $0x0  }
0xa6: {  	s25 =	simm.s32 $0x1B8E;
	s24 =	sld [smem:$0x3FFE];
	[sflag:s23] =	ssyncadd.s32 $0xFFFFFFFF  }
0xa7: {  	s26 =	simm.s32 $execute0_lowered;
	[smem:$0x3FD2] =	sst s25  }
0xa8: {  	s7 =	sshll.u32 s26, $0x1;
	_ =	strace $0x80000046;
	[dreg:$0x1] =	wrdreg $0xFFFFFFFF  }
0xa9: {  	s28 =	simm.s32 $_size_execute0_lowered;
	s5 =	sadd.s32 s5, s7;
	[dreg:$0x0] =	wrdreg $0x0  }
0xaa: {  	s7 =	sshll.u32 s28, $0x1;
	[dreg:$0x2] =	wrdreg s5  }
0xab: {  	[dreg:$0x3] =	wrdreg s7  }
0xac: {  	[dreg:$0x4] =	wrdreg $0xC0  }
0xad: {  	_ =	task [dreg:s9], $0x5FFFF  }
0xae: {  	[dreg:$0x1] =	wrdreg $0xFFFFFFFF  }
0xaf: {  	[dreg:$0x0] =	wrdreg $0x60  }
0xb0: {  	[dreg:$0x2] =	wrdreg s2  }
0xb1: {  	[dreg:$0x3] =	wrdreg s24  }
0xb2: {  	[dreg:$0x4] =	wrdreg s18  }
0xb3: {  	[dreg:$0x5] =	wrdreg s4  }
0xb4: {  	[dreg:$0x6] =	wrdreg $0x0  }
0xb5: {  	[dreg:$0x7] =	wrdreg $0x138800  }
0xb6: {  	[dreg:$0x8] =	wrdreg $0x9  }
0xb7: {  	_ =	task.clear_ibuf [dreg:s9], $0x9FFFF;
	_ =	strace $0x90000046  }
0xb8: {  	s29 =	simm.s32 $0x9;
	_ =	strace $0x80000048  }
0xb9: {  	_ =	swait.ge [sflag:s29], $0x1  }
0xba: {  	[sflag:s29] =	ssyncadd.s32 $0xFFFFFFFF  }
0xbb: {  	_ =	strace $0x90000048  }
0xbc: {  	_ =	sfence  }
0xbd: {  	s30 =	sld [smem:$0x0];
	_ =	sdelay $0x2  }
0xbe: {  	s31 =	sshll.u32 s1, $0xD;
	s1 =	sshrl.u32 s1, $0x2  }
0xbf: {  	s3 =	sand.u32 $0x4000, s31;
	s1 =	sadd.s32 s1, s30  }
0xc0: {  	s0 =	sor.u32 s3, s0;
	s1 =	sshll.u32 s1, $0x11  }
0xc1: {  	s0 =	sor.u32 s1, s0  }
0xc2: {  	s0 =	sadd.s32 $0x8F2B, s0  }
0xc3: {  	[sflag:s0] =	ssyncadd.remote.s32 $0x1  }
0xc4: {  	_ =	sfence.sel $0xFFFF  }
0xc5: {  	[dreg:$0x0] =	wrdreg $0xFFFFFFFF;
	(pc) =	sbr.abs _section_cstart, $3  }
0xc6: {  	[dreg:$0x1] =	wrdreg $0xFFFFFFFF  }
0xc7: {  	_ =	task.clear_ibuf [dreg:s9], $0x2FFFF;
	_ =	strace $0x9FFFFFFF  }
0xc8: {  	(tm) =	ssettm $0x7FFFFFFF  }
0xc9: {  	_ =	shalt  }
tec
execute0_lowered:
.L_overlay_start_1:
0x0: {  	(tag) =	ssettag $0x1  }
0x1: {  	s0 =	rddreg [dreg:$0x1]  }
0x2: {  	s1 =	rddreg [dreg:$0x3]  }
0x3: {  	s3 =	rddreg [dreg:$0x4]  }
0x4: {  	s4 =	rddreg [dreg:$0x5]  }
0x5: {  	s2 =	srdreg.scid;
	s5 =	stileid.u32  }
0x6: {  	s7 =	simm.s32 $0x0;
	s15 =	simm.s32 $0x13900;
	s16 =	simm.s32 $0x13B00  }
0x7: {  	v0 =	vimm.s32 $0xEFCDAB89;
	v1 =	vimm.s32 $0x67452301;
	v2 =	vimm.s32 $0xDCFE98BA;
	s17 =	simm.s32 $0x1;
	s18 =	simm.s32 $0x30;
	s24 =	simm.s32 $0x2  }
0x8: {  	v3 =	vimm.s32 $0x54761032;
	v4 =	vimm.s32 $0xBA98FEDC;
	v5 =	vimm.s32 $0x32107654;
	s31 =	simm.s32 $0x3;
	s12 =	simm.s32 $0x0;
	s2 =	sand.u32 $0x1, s2  }
0x9: {  	v6 =	vimm.s32 $0xFEDCBA98;
	v7 =	vimm.s32 $0x76543210;
	s6 =	sshll.u32 s5, $0x1;
	[smem:$0x7FF] =	sst s7;
	s9 =	sshrl.u32 s5, $0x2  }
0xa: {  	v0 =	vunpack.c.l.s4.s8 v0;
	p0 =	sne.s32 s5, $0x0;
	v1 =	vunpack.c.l.s4.s8 v1;
	v2 =	vunpack.c.l.s4.s8 v2;
	s5 =	simm.s32 $0x7;
	s25 =	sor.u32 s2, s6  }
0xb: {  	v3 =	vunpack.c.l.s4.s8 v3;
	v4 =	vunpack.c.l.s4.s8 v4;
	v5 =	vunpack.c.l.s4.s8 v5;
	_ =	strace $0x80000047;
	s2 =	ssub.s32 $0x2, s2;
	s6 =	sadd.s32 $0x400, s0  }
0xc: {  	v6 =	vunpack.c.l.s4.s8 v6;
	s8 =	smul.u32 $0x1A400, s25;
	s26 =	sshrl.u32 s2, $0x1;
	s7 =	sshll.u32 s25, $0x7;
	v0 =	vunpack.c.0.s8.s32 v0;
	v1 =	vunpack.c.0.s8.s32 v1  }
0xd: {  	v7 =	vunpack.c.l.s4.s8 v7;
	s11 =	smul.u32 $0x13C00, s9;
	v2 =	vunpack.c.0.s8.s32 v2;
	v3 =	vunpack.c.0.s8.s32 v3;
	s0 =	ssub.s32 s2, s26;
	s29 =	sand.u32 $0x380, s7  }
0xe: {  	v4 =	vunpack.c.0.s8.s32 v4;
	v5 =	vunpack.c.0.s8.s32 v5;
	s10 =	sshrl.u32 s8, $0x3;
	s9 =	sadd.s32 $0x400, s8;
	s0 =	smax.u32 s0, $0x1;
	v0 =	vcombine.low v1, v0  }
0xf: {  	v58 =	vunpack.c.0.s8.s32 v6;
	s2 =	sor.u32 s11, s29;
	v57 =	vcombine.low v3, v2;
	s28 =	sadd.s32 s6, s10;
	[dreg:$0xa] =	wrdreg s0  }
0x10: {  	v60 =	vunpack.c.0.s8.s32 v7;
	v59 =	vcombine.low v5, v4;
	s10 =	sadd.s32 $0x600, s8;
	s0 =	sshrl.u32 @!p0 s3, $0x3;
	[dreg:$0x7] =	wrdreg s28;
	v0 =	vand.u32 $0xF, v0  }
0x11: {  	v61 =	vand.u32 $0xF, v58;
	s2 =	sshrl.u32 s2, $0x3;
	s30 =	sadd.s32 $0x40, s28;
	[dreg:$0xb] =	wrdreg s0;
	v1 =	vand.u32 $0xF, v57;
	[tilespmem:$0x1FFC0] =	vst v0  }
0x12: {  	s8 =	simm.s32 $0x8;
	v63 =	vcombine.low v61, v60;
	s1 =	sadd.s32 s1, s2;
	v62 =	vand.u32 $0xF, v59;
	[dreg:$0x8] =	wrdreg s30;
	[tilespmem:$0x1FFD0] =	vst v1  }
0x13: {  	s0 =	sshrl.u32 @!p0 s4, $0x3;
	s2 =	simm.s32 $0x6;
	[dreg:$0x9] =	wrdreg s1;
	[tilespmem:$0x1FFE0] =	vst v62  }
0x14: {  	[dreg:$0xc] =	wrdreg s0;
	s1 =	simm.s32 $0x4;
	s0 =	simm.s32 $0x5;
	[tilespmem:$0x1FFF0] =	vst v63  }
.LBB2_1:
0x15: {  	[dreg:$0xd] =	wrdreg s12  }
0x16: {  	s11 =	rddreg [dreg:$0x0]  }
0x17: {  	s7 =	simm.s32 @!p0 $0x1C09;
	s12 =	rddreg [dreg:$0xb]  }
0x18: {  	[spmem:s12], [sflag:s7] =	dma.local @!p0 [hbm:s11], $0x27100  }
0x19: {  	s11 =	simm.s32 @!p0 $0x9  }
0x1a: {  	_ =	swait.ge @!p0 [sflag:s11], $0x27100  }
0x1b: {  	[sflag:s11] =	ssyncset.done @!p0 $0x0  }
0x1c: {  	s13 =	rddreg [dreg:$0xc];
	[sflag:s11] =	ssyncadd.s32 @!p0 $0xFFFD8F00  }
0x1d: {  	s12 =	rddreg [dreg:$0x2]  }
0x1e: {  	[spmem:s13], [sflag:s7] =	dma.local @!p0 [hbm:s12], $0x100  }
0x1f: {  	_ =	swait.ge @!p0 [sflag:s11], $0x100  }
0x20: {  	[sflag:s11] =	ssyncset.done @!p0 $0x0  }
0x21: {  	[sflag:s11] =	ssyncadd.s32 @!p0 $0xFFFFFF00  }
0x22: {  	[bflag:$0x0] =	sbarrier.arrive $0xFFFF  }
0x23: {  	s12 =	simm.s32 $0x0;
	s13 =	rddreg [dreg:$0x7]  }
0x24: {  	[tilespmem:s15], [sflag:$0x1] =	stream.linear.gather [hbm4b:s13+s12], $0x180, $0x38;
	[tilespmem:$0x1F480] =	vst v63  }
0x25: {  	s14 =	rddreg [dreg:$0x8]  }
0x26: {  	[tilespmem:s16], [sflag:$0x2] =	stream.linear.gather [hbm4b:s14+s12], $0x180, $0x38;
	[tilespmem:$0x1F480] =	vst v63  }
0x27: {  	_ =	swait.ge [sflag:s17], $0x180  }
0x28: {  	[sflag:s17] =	ssyncset.done $0x0  }
0x29: {  	s19 =	simm.s32 $0x13D00;
	[sflag:s17] =	ssyncadd.s32 $0xFFFFFE80  }
0x2a: {  	[tilespmem:s19], [sflag:$0x3] =	stream.indirect.gather [spmem:s3], $0x80, s15, s18, $0xb8;
	[tilespmem:$0x1F480] =	vst v63  }
0x2b: {  	s20 =	simm.s32 $0x13980;
	s21 =	simm.s32 $0x15500  }
0x2c: {  	[tilespmem:s21], [sflag:$0x4] =	stream.indirect.gather [spmem:s3], $0x80, s20, s18, $0xb8;
	[tilespmem:$0x1F480] =	vst v63  }
0x2d: {  	s22 =	simm.s32 $0x13A00;
	s23 =	simm.s32 $0x16D00  }
0x2e: {  	[tilespmem:s23], [sflag:$0x5] =	stream.indirect.gather [spmem:s4], $0x80, s22, s18, $0xb8;
	[tilespmem:$0x1F480] =	vst v63  }
0x2f: {  	_ =	swait.ge [sflag:s24], $0x180  }
0x30: {  	[sflag:s24] =	ssyncset.done $0x0  }
0x31: {  	s25 =	simm.s32 $0x18500;
	[sflag:s24] =	ssyncadd.s32 $0xFFFFFE80  }
0x32: {  	[tilespmem:s25], [sflag:$0x6] =	stream.indirect.gather [spmem:s3], $0x80, s16, s18, $0xb8;
	[tilespmem:$0x1F480] =	vst v63  }
0x33: {  	s26 =	simm.s32 $0x13B80;
	s28 =	simm.s32 $0x19D00  }
0x34: {  	[tilespmem:s28], [sflag:$0x7] =	stream.indirect.gather [spmem:s3], $0x80, s26, s18, $0xb8;
	[tilespmem:$0x1F480] =	vst v63  }
0x35: {  	s29 =	simm.s32 $0x13C00;
	s30 =	simm.s32 $0x1B500;
	s13 =	simm.s32 $0x0  }
0x36: {  	[tilespmem:s30], [sflag:$0x8] =	stream.indirect.gather [spmem:s4], $0x80, s29, s18, $0xb8;
	[tilespmem:$0x1F480] =	vst v63  }
.LBB2_2:
0x37: {  	_ =	swait.ge [sflag:s31], $0x1800  }
0x38: {  	[sflag:s31] =	ssyncset.done $0x0  }
0x39: {  	[sflag:s31] =	ssyncadd.s32 $0xFFFFE800  }
0x3a: {  	s14 =	sshll.u32 s13, $0x1;
	_ =	swait.ge [sflag:s1], $0x1800  }
0x3b: {  	s7 =	smin.u32 s14, $0xCF;
	[sflag:s1] =	ssyncset.done $0x0  }
0x3c: {  	s7 =	sshll.u32 s7, $0x9;
	[sflag:s1] =	ssyncadd.s32 $0xFFFFE800  }
0x3d: {  	s7 =	sadd.s32 s7, s9;
	_ =	swait.ge [sflag:s0], $0x1800  }
0x3e: {  	s11 =	simm.s32 $0x0;
	s7 =	sshrl.u32 s7, $0x3;
	[sflag:s0] =	ssyncset.done $0x0  }
0x3f: {  	s12 =	smul.u32 $0x180, s13;
	s7 =	sadd.s32 s6, s7;
	[sflag:s0] =	ssyncadd.s32 $0xFFFFE800  }
0x40: {  	[tilespmem:s15], [sflag:$0x1] =	stream.linear.gather [hbm4b:s7+s11], $0x180, $0x38;
	[tilespmem:$0x1F480] =	vst v63  }
0x41: {  	s7 =	sshra.s32 s12, $0x2  }
0x42: {  	s12 =	sadd.s32 $0x1CD00, s7  }
0x43: {  	v4 =	vmov s12  }
0x44: {  	s23 =	simm.s32 $0x15600;
	s28 =	simm.s32 $0x16E00;
	s26 =	simm.s32 $0x13E00;
	[tilespmem:$0x1FFB0] =	vst v4  }
.LBB2_3:
0x45: {  	v19 =	vld [tilespmem:s23+$0x80]  }
0x46: {  	v18 =	vld [tilespmem:s23+$0x90]  }
0x47: {  	v0 =	vld [tilespmem:s23+$0xA0]  }
0x48: {  	v53 =	vld [tilespmem:s23+$0xB0]  }
0x49: {  	v54 =	vld [tilespmem:s23+$0xC0]  }
0x4a: {  	v55 =	vld [tilespmem:s23+$0xD0]  }
0x4b: {  	v56 =	vld [tilespmem:s23+$0xE0]  }
0x4c: {  	v57 =	vld [tilespmem:s23+$0xF0]  }
0x4d: {  	v3 =	vld [tilespmem:s23+$0x0]  }
0x4e: {  	v4 =	vld [tilespmem:s23+$0x10]  }
0x4f: {  	v1 =	vld [tilespmem:s23+$0x20]  }
0x50: {  	v2 =	vld [tilespmem:s23+$0x30]  }
0x51: {  	v13 =	vld [tilespmem:s26+$0x80]  }
0x52: {  	v20 =	vld [tilespmem:s28+$0x80]  }
0x53: {  	v21 =	vld [tilespmem:s26+$0x90]  }
0x54: {  	v22 =	vld [tilespmem:s28+$0x90]  }
0x55: {  	v23 =	vld [tilespmem:s26+$0xA0]  }
0x56: {  	v24 =	vld [tilespmem:s28+$0xA0]  }
0x57: {  	v25 =	vld [tilespmem:s26+$0xB0]  }
0x58: {  	v26 =	vld [tilespmem:s28+$0xB0]  }
0x59: {  	v27 =	vld [tilespmem:s26+$0xC0]  }
0x5a: {  	v28 =	vld [tilespmem:s28+$0xC0]  }
0x5b: {  	v29 =	vld [tilespmem:s26+$0xD0]  }
0x5c: {  	v30 =	vld [tilespmem:s28+$0xD0]  }
0x5d: {  	v31 =	vld [tilespmem:s26+$0xE0]  }
0x5e: {  	v32 =	vld [tilespmem:s28+$0xE0]  }
0x5f: {  	v33 =	vld [tilespmem:s26+$0xF0]  }
0x60: {  	v34 =	vld [tilespmem:s28+$0xF0]  }
0x61: {  	v35 =	vld [tilespmem:s26+$0x0]  }
0x62: {  	v36 =	vld [tilespmem:s28+$0x0]  }
0x63: {  	v37 =	vld [tilespmem:s26+$0x10]  }
0x64: {  	v38 =	vld [tilespmem:s28+$0x10]  }
0x65: {  	v39 =	vld [tilespmem:s26+$0x20]  }
0x66: {  	v40 =	vld [tilespmem:s28+$0x20]  }
0x67: {  	v41 =	vld [tilespmem:s26+$0x30]  }
0x68: {  	v42 =	vld [tilespmem:s28+$0x30]  }
0x69: {  	v43 =	vld [tilespmem:s26+$0x40]  }
0x6a: {  	v44 =	vld [tilespmem:s28+$0x40]  }
0x6b: {  	v45 =	vld [tilespmem:s26+$0x50]  }
0x6c: {  	v46 =	vld [tilespmem:s28+$0x50]  }
0x6d: {  	v47 =	vld [tilespmem:s26+$0x60]  }
0x6e: {  	v48 =	vld [tilespmem:s28+$0x60]  }
0x6f: {  	v49 =	vld [tilespmem:s26+$0x70]  }
0x70: {  	v50 =	vld [tilespmem:s28+$0x70]  }
0x71: {  	v51 =	vld [tilespmem:s26+$0xFFFFFF80]  }
0x72: {  	v52 =	vld [tilespmem:s28+$0xFFFFFF80]  }
0x73: {  	v58 =	vld [tilespmem:s28+$0xFFFFFFB0]  }
0x74: {  	v59 =	vld [tilespmem:s26+$0xFFFFFFC0]  }
0x75: {  	v60 =	vld [tilespmem:s28+$0xFFFFFFC0]  }
0x76: {  	v61 =	vld [tilespmem:s26+$0xFFFFFFD0]  }
0x77: {  	v62 =	vld [tilespmem:s28+$0xFFFFFFD0]  }
0x78: {  	v63 =	vld [tilespmem:s26+$0xFFFFFFE0]  }
0x79: {  	v10 =	vld [tilespmem:s28+$0xFFFFFFE0]  }
0x7a: {  	v12 =	vld [tilespmem:s26+$0xFFFFFFF0]  }
0x7b: {  	v8 =	vld [tilespmem:s28+$0xFFFFFFF0]  }
0x7c: {  	v11 =	vld [tilespmem:s26+$0xFFFFFF00]  }
0x7d: {  	v6 =	vld [tilespmem:s28+$0xFFFFFF00]  }
0x7e: {  	v7 =	vld [tilespmem:s26+$0xFFFFFF10]  }
0x7f: {  	v5 =	vld [tilespmem:s28+$0xFFFFFF10]  }
0x80: {  	v9 =	vld [tilespmem:s26+$0xFFFFFF20]  }
0x81: {  	[tilespmem:$0x1FF50] =	vst v0;
	v0 =	vld [tilespmem:s23+$0x40]  }
0x82: {  	[tilespmem:$0x1FF60] =	vst v53;
	v53 =	vld [tilespmem:s26+$0xFFFFFF90]  }
0x83: {  	[tilespmem:$0x1FF70] =	vst v54;
	v54 =	vld [tilespmem:s28+$0xFFFFFF90]  }
0x84: {  	[tilespmem:$0x1FF80] =	vst v55;
	v55 =	vld [tilespmem:s26+$0xFFFFFFA0]  }
0x85: {  	[tilespmem:$0x1FF90] =	vst v56;
	v56 =	vld [tilespmem:s28+$0xFFFFFFA0]  }
0x86: {  	[tilespmem:$0x1FFA0] =	vst v57;
	v57 =	vld [tilespmem:s26+$0xFFFFFFB0]  }
0x87: {  	v13 =	vmul.f32 v20, v13;
	v20 =	vld [tilespmem:s28+$0xFFFFFF20]  }
0x88: {  	v14 =	vmul.f32 v22, v21;
	v21 =	vld [tilespmem:s26+$0xFFFFFF30]  }
0x89: {  	v22 =	vld [tilespmem:s28+$0xFFFFFF30]  }
0x8a: {  	v15 =	vmul.f32 v24, v23;
	v23 =	vld [tilespmem:s26+$0xFFFFFF40]  }
0x8b: {  	v17 =	vmul.f32 v28, v27;
	v29 =	vmul.f32 v30, v29;
	v28 =	vld [tilespmem:s28+$0xFFFFFF40]  }
0x8c: {  	v30 =	vmul.f32 v32, v31;
	v32 =	vmul.f32 v36, v35;
	v36 =	vld [tilespmem:s26+$0xFFFFFF50]  }
0x8d: {  	v31 =	vmul.f32 v34, v33;
	v34 =	vmul.f32 v40, v39;
	v39 =	vld [tilespmem:s28+$0xFFFFFF50]  }
0x8e: {  	v35 =	vmul.f32 v42, v41;
	v42 =	vld [tilespmem:s26+$0xFFFFFF60]  }
0x8f: {  	v33 =	vmul.f32 v38, v37;
	v37 =	vmul.f32 v44, v43;
	v43 =	vld [tilespmem:s28+$0xFFFFFF60]  }
0x90: {  	v41 =	vmul.f32 v50, v49;
	v49 =	vmul.f32 v60, v59;
	v59 =	vld [tilespmem:s28+$0xFFFFFF70]  }
0x91: {  	v16 =	vmul.f32 v26, v25;
	v26 =	vmul.f32 v5, v7;
	v5 =	vld [tilespmem:s23+$0x60]  }
0x92: {  	v25 =	vmul.f32 v6, v11;
	v6 =	vld [tilespmem:s23+$0x70]  }
0x93: {  	v40 =	vmul.f32 v48, v47;
	v48 =	vld [tilespmem:s23+$0xFFFFFFA0]  }
0x94: {  	v44 =	vmul.f32 v52, v51;
	v51 =	vld [tilespmem:s23+$0xFFFFFFB0]  }
0x95: {  	v60 =	vld [tilespmem:s23+$0xFFFFFFC0]  }
0x96: {  	v50 =	vmul.f32 v62, v61;
	v61 =	vld [tilespmem:s23+$0xFFFFFFD0]  }
0x97: {  	v38 =	vmul.f32 v46, v45;
	v52 =	vmul.f32 v10, v63;
	v62 =	vld [tilespmem:s23+$0xFFFFFFE0]  }
0x98: {  	v10 =	vld [tilespmem:$0x1FF60];
	v7 =	vmul.f32 v19, v13;
	v45 =	vmul.f32 v54, v53  }
0x99: {  	v11 =	vld [tilespmem:$0x1FF80];
	v46 =	vmul.f32 v56, v55;
	v47 =	vmul.f32 v58, v57  }
0x9a: {  	v13 =	vld [tilespmem:$0x1FFA0];
	v53 =	vmul.f32 v8, v12;
	v27 =	vmul.f32 v20, v9  }
0x9b: {  	v58 =	vld [tilespmem:s26+$0xFFFFFF70];
	v24 =	vmul.f32 v22, v21;
	v23 =	vmul.f32 v28, v23  }
0x9c: {  	v54 =	vld [tilespmem:s23+$0x50];
	v22 =	vmul.f32 v39, v36;
	v21 =	vmul.f32 v43, v42  }
0x9d: {  	v8 =	vmul.f32 v18, v14;
	v9 =	vld [tilespmem:$0x1FF50];
	v18 =	vmul.f32 v2, v35  }
0x9e: {  	v12 =	vld [tilespmem:$0x1FF90];
	v28 =	vmul.f32 v10, v16;
	v11 =	vmul.f32 v11, v29  }
0x9f: {  	v36 =	vld [tilespmem:s23+$0xFFFFFF80];
	v16 =	vmul.f32 v1, v34;
	v29 =	vmul.f32 v5, v40  }
0xa0: {  	v42 =	vld [tilespmem:s23+$0xFFFFFF90];
	v34 =	vmul.f32 v60, v49;
	v14 =	vmul.f32 v13, v31  }
0xa1: {  	v63 =	vld [tilespmem:s23+$0xFFFFFFF0];
	v13 =	vmul.f32 v3, v32;
	v31 =	vmul.f32 v6, v41  }
0xa2: {  	v10 =	vld [tilespmem:$0x1FF70];
	v35 =	vmul.f32 v51, v47;
	v20 =	vmul.f32 v59, v58  }
0xa3: {  	v39 =	vld [tilespmem:s23+$0xFFFFFF00];
	v9 =	vmul.f32 v9, v15;
	v12 =	vmul.f32 v12, v30  }
0xa4: {  	v43 =	vld [tilespmem:s23+$0xFFFFFF10];
	v15 =	vmul.f32 v4, v33;
	v19 =	vmul.f32 v54, v38  }
0xa5: {  	v40 =	vld [tilespmem:s23+$0xFFFFFF40];
	v30 =	vmul.f32 v36, v44;
	v32 =	vmul.f32 v42, v45  }
0xa6: {  	v41 =	vld [tilespmem:s23+$0xFFFFFF30];
	v33 =	vmul.f32 v48, v46;
	v36 =	vmul.f32 v61, v50  }
0xa7: {  	s21 =	sshll.u32 s11, $0x4;
	s22 =	simm.s32 $0x3;
	s25 =	simm.s32 $0x7;
	v44 =	vld [tilespmem:s23+$0xFFFFFF20];
	v38 =	vmul.f32 v63, v53;
	v10 =	vmul.f32 v10, v17  }
0xa8: {  	s12 =	smov.u32 s23;
	s20 =	smov.u32 s26;
	s19 =	smov.u32 s28;
	v45 =	vimm.f32 $0.0e+00;
	v42 =	vld [tilespmem:s23+$0xFFFFFF50];
	v17 =	vmul.f32 v0, v37;
	v37 =	vmul.f32 v62, v52  }
.LBB2_4:
0xa9: {  	v57 =	vld [tilespmem:s12+$0xFFFFFF70]  }
0xaa: {  	s19 =	sadd.s32 $0x200, s19;
	v47 =	vld [tilespmem:$0x1FFF0]  }
0xab: {  	v46 =	vmov s22;
	v1 =	vlaneseq.u32;
	v15 =	vadd.f32 v15, v13;
	v13 =	vld [tilespmem:s19+$0x10]  }
0xac: {  	vm15 =	veq.s32 v46, v1;
	v46 =	vld [tilespmem:s19+$0x50]  }
0xad: {  	v56 =	vld [tilespmem:s19+$0xFFFFFFA0]  }
0xae: {  	v58 =	vadd.f32 v8, v7;
	s20 =	sadd.s32 $0x200, s20;
	v8 =	vld [tilespmem:s19+$0xFFFFFFE0]  }
0xaf: {  	v7 =	vld [tilespmem:s20+$0xFFFFFFF0]  }
0xb0: {  	v4 =	vld [tilespmem:s19+$0xFFFFFFF0]  }
0xb1: {  	s29 =	sadd.s32 $0xFFFFFFFF, s22;
	v3 =	vld [tilespmem:s19+$0xFFFFFF00]  }
0xb2: {  	s30 =	sadd.s32 $0xFFFFFFFE, s22;
	v49 =	vmov s29;
	v2 =	vld [tilespmem:s20+$0xFFFFFF20]  }
0xb3: {  	s29 =	sadd.s32 $0xFFFFFFFD, s22;
	v51 =	vmov s30;
	vm14 =	veq.s32 v49, v1;
	v49 =	vld [tilespmem:s20+$0x70]  }
0xb4: {  	v52 =	vmov s29;
	vm13 =	veq.s32 v51, v1;
	v51 =	vld [tilespmem:s20+$0xFFFFFF80]  }
0xb5: {  	vm0 =	veq.s32 v52, v1;
	v52 =	vld [tilespmem:s19+$0xFFFFFF80]  }
0xb6: {  	v1 =	vld [tilespmem:s19+$0xFFFFFF10]  }
0xb7: {  	v16 =	vadd.f32 v18, v16;
	v5 =	vmul.f32 v39, v25;
	v25 =	vmul.f32 v43, v26;
	v26 =	vld [tilespmem:s12+$0xFFFFFF60]  }
0xb8: {  	v18 =	vmul.f32 v42, v22;
	v22 =	vadd.f32 v31, v29;
	v29 =	vadd.f32 v38, v37;
	v37 =	vld [tilespmem:$0x1FFC0]  }
0xb9: {  	v38 =	vld [tilespmem:$0x1FFD0]  }
0xba: {  	v60 =	vadd.f32 v14, v12;
	s12 =	sadd.s32 $0x200, s12;
	v14 =	vmul.f32 v40, v23;
	v40 =	vld [tilespmem:$0x1FFE0]  }
0xbb: {  	v0 =	vld [tilespmem:s12+$0x80]  }
0xbc: {  	v61 =	vld [tilespmem:s12+$0x90]  }
0xbd: {  	v62 =	vld [tilespmem:s12+$0xA0]  }
0xbe: {  	v63 =	vld [tilespmem:s12+$0xB0]  }
0xbf: {  	v23 =	vadd.f32 v35, v33;
	v33 =	vld [tilespmem:s12+$0xC0]  }
0xc0: {  	v35 =	vld [tilespmem:s12+$0xD0]  }
0xc1: {  	v19 =	vadd.f32 v19, v17;
	v20 =	vmul.f32 v57, v20;
	v57 =	vld [tilespmem:s20+$0xFFFFFFB0]  }
0xc2: {  	v28 =	vadd.f32 v28, v9;
	v18 =	vadd.f32 v18, v14;
	v14 =	vld [tilespmem:s12+$0xF0]  }
0xc3: {  	v22 =	vadd.f32 v22, v19;
	v19 =	vld [tilespmem:s12+$0x40]  }
0xc4: {  	v5 =	vadd.f32 v25, v5;
	v25 =	vadd.f32 v28, v58;
	v58 =	vld [tilespmem:s19+$0xFFFFFFB0]  }
0xc5: {  	v17 =	vmul.f32 v26, v21;
	v26 =	vadd.f32 v36, v34;
	v36 =	vld [tilespmem:s12+$0xE0]  }
0xc6: {  	v21 =	vadd.f32 v32, v30;
	v32 =	vld [tilespmem:s19+$0xC0]  }
0xc7: {  	v34 =	vld [tilespmem:s19+$0xE0]  }
0xc8: {  	[tilespmem:$0x1FF20] =	vst v35;
	v35 =	vld [tilespmem:s20+$0xD0]  }
0xc9: {  	[tilespmem:$0x1FF10] =	vst v33;
	v33 =	vld [tilespmem:s20+$0x10]  }
0xca: {  	[tilespmem:$0x1FEE0] =	vst v61;
	v61 =	vld [tilespmem:s20+$0xFFFFFFD0]  }
0xcb: {  	[tilespmem:$0x1FEF0] =	vst v62;
	v62 =	vld [tilespmem:s19+$0xFFFFFFD0]  }
0xcc: {  	[tilespmem:$0x1FF00] =	vst v63;
	v63 =	vld [tilespmem:s20+$0xFFFFFFE0]  }
0xcd: {  	[tilespmem:$0x1FED0] =	vst v0;
	v0 =	vld [tilespmem:s19+$0xFFFFFF20]  }
0xce: {  	v17 =	vadd.f32 v20, v17;
	v20 =	vadd.f32 v16, v15;
	v15 =	vld [tilespmem:s12+$0x0]  }
0xcf: {  	v59 =	vadd.f32 v11, v10;
	v27 =	vmul.f32 v44, v27;
	v16 =	vld [tilespmem:s12+$0x10]  }
0xd0: {  	v24 =	vmul.f32 v41, v24;
	v21 =	vadd.f32 v23, v21;
	v18 =	vadd.f32 v17, v18;
	v17 =	vld [tilespmem:s12+$0x20]  }
0xd1: {  	v23 =	vadd.f32 v29, v26;
	v26 =	vadd.f32 v22, v20;
	v20 =	vld [tilespmem:s20+$0x80]  }
0xd2: {  	v24 =	vadd.f32 v24, v27;
	v22 =	vld [tilespmem:s20+$0x90]  }
0xd3: {  	v23 =	vadd.f32 v23, v21;
	v21 =	vadd.f32 v60, v59;
	v59 =	vld [tilespmem:s20+$0xFFFFFFC0]  }
0xd4: {  	v5 =	vadd.f32 v24, v5;
	v60 =	vld [tilespmem:s19+$0xFFFFFFC0]  }
0xd5: {  	[tilespmem:$0x1FF30] =	vst v36;
	v36 =	vld [tilespmem:s19+$0x20];
	v25 =	vadd.f32 v21, v25  }
0xd6: {  	v5 =	vadd.f32 v18, v5;
	v27 =	vperm.xlane v23, v37;
	v21 =	vld [tilespmem:s19+$0x80]  }
0xd7: {  	v18 =	vld [tilespmem:s12+$0x30];
	v28 =	vperm.xlane v25, v37  }
0xd8: {  	v24 =	vperm.xlane v5, v37;
	v27 =	vadd.f32 v23, v27;
	v23 =	vld [tilespmem:s19+$0x90]  }
0xd9: {  	v39 =	vadd.f32 v25, v28;
	v25 =	vld [tilespmem:s19+$0xA0]  }
0xda: {  	v5 =	vadd.f32 v5, v24;
	v24 =	vperm.xlane v26, v37;
	v37 =	vld [tilespmem:s19+$0xD0]  }
0xdb: {  	v9 =	vmul.f32 v21, v20;
	v20 =	vld [tilespmem:s20+$0xFFFFFF30]  }
0xdc: {  	v21 =	vld [tilespmem:s19+$0xFFFFFF30]  }
0xdd: {  	v30 =	vadd.f32 v26, v24;
	v24 =	vld [tilespmem:s20+$0xA0]  }
0xde: {  	v29 =	vperm.xlane v5, v38;
	v26 =	vld [tilespmem:s20+$0xB0]  }
0xdf: {  	v31 =	vperm.xlane v27, v38;
	v10 =	vmul.f32 v23, v22;
	v22 =	vld [tilespmem:s20+$0xFFFFFF40]  }
0xe0: {  	v23 =	vld [tilespmem:s19+$0xFFFFFF40];
	v5 =	vadd.f32 v5, v29  }
0xe1: {  	v28 =	vperm.xlane v30, v38;
	v29 =	vadd.f32 v27, v31;
	v31 =	vperm.xlane v39, v38;
	v27 =	vld [tilespmem:s19+$0xB0]  }
0xe2: {  	v38 =	vld [tilespmem:s20+$0x30]  }
0xe3: {  	v30 =	vadd.f32 v30, v28;
	v28 =	vld [tilespmem:s20+$0xC0];
	v31 =	vadd.f32 v39, v31  }
0xe4: {  	v41 =	vperm.xlane v5, v40;
	v42 =	vperm.xlane v29, v40;
	v39 =	vld [tilespmem:s20+$0xE0]  }
0xe5: {  	v43 =	vperm.xlane v30, v40;
	v44 =	vperm.xlane v31, v40;
	v40 =	vld [tilespmem:s19+$0xF0]  }
0xe6: {  	v5 =	vadd.f32 v5, v41;
	v41 =	vld [tilespmem:s19+$0x30]  }
0xe7: {  	v29 =	vadd.f32 v29, v42;
	v42 =	vld [tilespmem:s20+$0x40]  }
0xe8: {  	v30 =	vadd.f32 v30, v43;
	v43 =	vld [tilespmem:s20+$0xF0]  }
0xe9: {  	v31 =	vadd.f32 v31, v44;
	v44 =	vld [tilespmem:s19+$0x40]  }
0xea: {  	v48 =	vperm.xlane v5, v47;
	v32 =	vmul.f32 v32, v28;
	v28 =	vld [tilespmem:s19+$0xFFFFFF50]  }
0xeb: {  	v50 =	vperm.xlane v29, v47;
	v34 =	vmul.f32 v34, v39;
	v39 =	vld [tilespmem:s20+$0xFFFFFF60]  }
0xec: {  	v53 =	vperm.xlane v30, v47;
	v54 =	vperm.xlane v31, v47;
	v47 =	vld [tilespmem:s20+$0x60]  }
0xed: {  	v5 =	vadd.f32 v5, v48;
	v48 =	vld [tilespmem:s19+$0x60]  }
0xee: {  	v29 =	vadd.f32 v29, v50;
	v50 =	vld [tilespmem:s19+$0x70]  }
0xef: {  	v6 =	vadd.f32 v30, v53;
	v30 =	vld [tilespmem:s20+$0x0]  }
0xf0: {  	v5 =	vsel vm0, v5, v45;
	v45 =	vld [tilespmem:s20+$0x50]  }
0xf1: {  	v53 =	vld [tilespmem:s20+$0xFFFFFF90]  }
0xf2: {  	v5 =	vsel vm13, v29, v5;
	v29 =	vadd.f32 v31, v54;
	v31 =	vld [tilespmem:s19+$0x0]  }
0xf3: {  	v54 =	vld [tilespmem:s19+$0xFFFFFF90]  }
0xf4: {  	v35 =	vmul.f32 v37, v35;
	v37 =	vmul.f32 v40, v43;
	v43 =	vld [tilespmem:s20+$0xFFFFFF70]  }
0xf5: {  	v5 =	vsel vm14, v6, v5;
	v6 =	vld [tilespmem:s20+$0xFFFFFF10]  }
0xf6: {  	v55 =	vsel vm15, v29, v5;
	v29 =	vld [tilespmem:s20+$0x20]  }
0xf7: {  	v5 =	vld [tilespmem:s20+$0xFFFFFF00]  }
0xf8: {  	v40 =	vmul.f32 v48, v47;
	v48 =	vmul.f32 v58, v57;
	v57 =	vld [tilespmem:s12+$0x70]  }
0xf9: {  	v58 =	vld [tilespmem:s12+$0xFFFFFF80]  }
0xfa: {  	[tilespmem:$0x1FF40] =	vst v55;
	v55 =	vld [tilespmem:s20+$0xFFFFFFA0];
	v30 =	vmul.f32 v31, v30  }
0xfb: {  	v31 =	vmul.f32 v13, v33;
	v13 =	vld [tilespmem:s20+$0xFFFFFF50];
	v33 =	vmul.f32 v41, v38  }
0xfc: {  	v38 =	vmul.f32 v46, v45;
	v45 =	vmul.f32 v52, v51;
	v52 =	vld [tilespmem:s12+$0x50]  }
0xfd: {  	v41 =	vmul.f32 v50, v49;
	v49 =	vmul.f32 v60, v59;
	v59 =	vld [tilespmem:s12+$0xFFFFFF90]  }
0xfe: {  	v12 =	vmul.f32 v27, v26;
	v26 =	vmul.f32 v1, v6;
	v6 =	vld [tilespmem:$0x1FED0]  }
0xff: {  	v60 =	vld [tilespmem:s12+$0xFFFFFFC0]  }
0x100: {  	v50 =	vmul.f32 v62, v61;
	v61 =	vld [tilespmem:s12+$0xFFFFFFD0]  }
0x101: {  	v62 =	vld [tilespmem:s12+$0xFFFFFFE0]  }
0x102: {  	v4 =	vmul.f32 v4, v7;
	v51 =	vmul.f32 v8, v63;
	v63 =	vld [tilespmem:s12+$0xFFFFFFF0]  }
0x103: {  	v11 =	vmul.f32 v25, v24;
	v7 =	vmul.f32 v6, v9;
	v6 =	vld [tilespmem:$0x1FEE0]  }
0x104: {  	v24 =	vmul.f32 v21, v20;
	v23 =	vmul.f32 v23, v22;
	v1 =	vld [tilespmem:s12+$0x60]  }
0x105: {  	v29 =	vmul.f32 v36, v29;
	v36 =	vmul.f32 v44, v42;
	v42 =	vld [tilespmem:s19+$0xFFFFFF60]  }
0x106: {  	v27 =	vmul.f32 v0, v2;
	v25 =	vmul.f32 v3, v5;
	v5 =	vld [tilespmem:s12+$0xFFFFFFA0]  }
0x107: {  	v14 =	vmul.f32 v14, v37;
	v46 =	vmul.f32 v54, v53;
	v9 =	vld [tilespmem:$0x1FEF0]  }
0x108: {  	v18 =	vmul.f32 v18, v33;
	v8 =	vmul.f32 v6, v10;
	v10 =	vld [tilespmem:$0x1FF00]  }
0x109: {  	v44 =	vld [tilespmem:s12+$0xFFFFFF20];
	v47 =	vmul.f32 v56, v55;
	v22 =	vmul.f32 v28, v13  }
0x10a: {  	v56 =	vld [tilespmem:s19+$0xFFFFFF70];
	v13 =	vmul.f32 v15, v30;
	v15 =	vmul.f32 v16, v31  }
0x10b: {  	v16 =	vmul.f32 v17, v29;
	v17 =	vmul.f32 v19, v36;
	v6 =	vld [tilespmem:s12+$0xFFFFFFB0]  }
0x10c: {  	v19 =	vmul.f32 v52, v38;
	v9 =	vmul.f32 v9, v11;
	v11 =	vld [tilespmem:$0x1FF20]  }
0x10d: {  	v31 =	vmul.f32 v57, v41;
	v28 =	vmul.f32 v10, v12;
	v10 =	vld [tilespmem:$0x1FF10]  }
0x10e: {  	v30 =	vmul.f32 v58, v45;
	v36 =	vmul.f32 v61, v50;
	v12 =	vld [tilespmem:$0x1FF30]  }
0x10f: {  	p1 =	sne.s32 s25, $0xF;
	v45 =	vld [tilespmem:$0x1FF40];
	v37 =	vmul.f32 v62, v51;
	v38 =	vmul.f32 v63, v4  }
.Ltmp0:
0x110: {  	v41 =	vld [tilespmem:s12+$0xFFFFFF30];
	v29 =	vmul.f32 v1, v40;
	v21 =	vmul.f32 v42, v39;
	(pc) =	sbr.rel @p1 .LBB2_4-.Ltmp0, $4  }
0x111: {  	v40 =	vld [tilespmem:s12+$0xFFFFFF40];
	v33 =	vmul.f32 v5, v47;
	v20 =	vmul.f32 v56, v43  }
0x112: {  	v39 =	vld [tilespmem:s12+$0xFFFFFF00];
	v11 =	vmul.f32 v11, v35;
	v35 =	vmul.f32 v6, v48  }
0x113: {  	v42 =	vld [tilespmem:s12+$0xFFFFFF50];
	v10 =	vmul.f32 v10, v32;
	v12 =	vmul.f32 v12, v34  }
0x114: {  	s22 =	smov.u32 s25;
	s25 =	sadd.s32 $0x4, s25;
	v43 =	vld [tilespmem:s12+$0xFFFFFF10];
	v32 =	vmul.f32 v59, v46;
	v34 =	vmul.f32 v60, v49  }
0x115: {  	v2 =	vld [tilespmem:s12+$0xFFFFFF60];
	v5 =	vadd.f32 v8, v7;
	v6 =	vadd.f32 v28, v9  }
0x116: {  	v3 =	vmul.f32 v44, v27;
	v4 =	vld [tilespmem:s12+$0xFFFFFF70];
	v59 =	vadd.f32 v11, v10;
	v60 =	vadd.f32 v14, v12  }
0x117: {  	v58 =	vmul.f32 v41, v24;
	v62 =	vadd.f32 v15, v13;
	v63 =	vadd.f32 v18, v16  }
0x118: {  	v24 =	vadd.f32 v19, v17;
	v27 =	vadd.f32 v35, v33;
	v61 =	vmul.f32 v40, v23  }
0x119: {  	v28 =	vadd.f32 v36, v34;
	v0 =	vmul.f32 v39, v25;
	v25 =	vadd.f32 v31, v29  }
0x11a: {  	v29 =	vadd.f32 v38, v37;
	v23 =	vmul.f32 v42, v22;
	v1 =	vmul.f32 v43, v26  }
0x11b: {  	v26 =	vadd.f32 v32, v30;
	v2 =	vmul.f32 v2, v21;
	v4 =	vmul.f32 v4, v20  }
0x11c: {  	v30 =	vadd.f32 v58, v3;
	v31 =	vadd.f32 v23, v61  }
0x11d: {  	v0 =	vadd.f32 v1, v0;
	v2 =	vadd.f32 v4, v2  }
0x11e: {  	v5 =	vadd.f32 v6, v5;
	v38 =	vld [tilespmem:$0x1FFC0];
	v32 =	vadd.f32 v63, v62  }
0x11f: {  	v0 =	vadd.f32 v30, v0;
	v33 =	vadd.f32 v2, v31  }
0x120: {  	v35 =	vadd.f32 v29, v28;
	v34 =	vadd.f32 v27, v26  }
0x121: {  	v36 =	vadd.f32 v25, v24;
	v0 =	vadd.f32 v33, v0  }
0x122: {  	v37 =	vadd.f32 v60, v59;
	v43 =	vld [tilespmem:$0x1FFD0];
	v2 =	vadd.f32 v35, v34  }
0x123: {  	v1 =	vadd.f32 v36, v32;
	v39 =	vperm.xlane v0, v38  }
0x124: {  	v3 =	vadd.f32 v37, v5;
	v40 =	vperm.xlane v2, v38  }
0x125: {  	v41 =	vperm.xlane v1, v38;
	v0 =	vadd.f32 v0, v39  }
0x126: {  	v48 =	vld [tilespmem:$0x1FFE0];
	v42 =	vperm.xlane v3, v38;
	v2 =	vadd.f32 v2, v40  }
0x127: {  	v1 =	vadd.f32 v1, v41;
	v6 =	vperm.xlane v0, v43  }
0x128: {  	v3 =	vadd.f32 v3, v42;
	v44 =	vperm.xlane v2, v43  }
0x129: {  	v46 =	vperm.xlane v1, v43;
	v0 =	vadd.f32 v0, v6  }
0x12a: {  	v53 =	vld [tilespmem:$0x1FFF0];
	v47 =	vperm.xlane v3, v43;
	v2 =	vadd.f32 v2, v44  }
0x12b: {  	v1 =	vadd.f32 v1, v46;
	v6 =	vperm.xlane v0, v48  }
0x12c: {  	v3 =	vadd.f32 v3, v47;
	v49 =	vperm.xlane v2, v48  }
0x12d: {  	s29 =	sadd.s32 $0xFFFFFFFF, s22;
	v52 =	vmov s22;
	v50 =	vperm.xlane v1, v48;
	v0 =	vadd.f32 v0, v6  }
0x12e: {  	s19 =	sadd.s32 $0xFFFFFFFE, s22;
	v55 =	vmov s29;
	v51 =	vperm.xlane v3, v48;
	v2 =	vadd.f32 v2, v49  }
0x12f: {  	v57 =	vmov s19;
	v1 =	vadd.f32 v1, v50;
	v54 =	vperm.xlane v0, v53  }
0x130: {  	s30 =	sadd.s32 $0xFFFFFFFD, s22;
	v60 =	vlaneseq.u32;
	v3 =	vadd.f32 v3, v51;
	v56 =	vperm.xlane v2, v53  }
0x131: {  	v58 =	vmov s30;
	v63 =	vld [tilespmem:$0x1FFB0];
	v59 =	vperm.xlane v1, v53;
	v0 =	vadd.f32 v0, v54  }
0x132: {  	vm0 =	veq.s32 v58, v60;
	v61 =	vperm.xlane v3, v53;
	v2 =	vadd.f32 v2, v56  }
0x133: {  	s11 =	sadd.s32 $0x1, s11;
	vm13 =	veq.s32 v57, v60;
	v1 =	vadd.f32 v1, v59;
	v0 =	vsel vm0, v0, v45  }
0x134: {  	p1 =	sne.s32 s11, $0x3;
	vm14 =	veq.s32 v55, v60;
	v62 =	vadd.f32 v3, v61;
	v0 =	vsel vm13, v2, v0  }
.Ltmp1:
0x135: {  	vm15 =	veq.s32 v52, v60;
	v0 =	vsel vm14, v1, v0;
	(pc) =	sbr.rel @p1 .LBB2_3-.Ltmp1, $3  }
0x136: {  	v0 =	vsel vm15, v62, v0  }
0x137: {  	v0 =	vmul.f32 $7.812500000e-03, v0;
	_ =	sdelay $0x1  }
0x138: {  	s23 =	sadd.s32 $0x800, s23;
	s28 =	sadd.s32 $0x800, s28;
	s26 =	sadd.s32 $0x800, s26;
	[tilespmem:v63+s21+$0x0 ss:$0x1] =	vst.idx.msk $0xffff, v0  }
0x139: {  	_ =	swait.ge [sflag:s17], $0x180  }
0x13a: {  	[sflag:s17] =	ssyncset.done $0x0  }
0x13b: {  	s11 =	simm.s32 $0x13D00;
	[sflag:s17] =	ssyncadd.s32 $0xFFFFFE80  }
0x13c: {  	[tilespmem:s11], [sflag:$0x3] =	stream.indirect.gather [spmem:s3], $0x80, s15, s18, $0xb8;
	[tilespmem:$0x1F480] =	vst v63  }
0x13d: {  	s25 =	simm.s32 $0x13980;
	s12 =	simm.s32 $0x15500  }
0x13e: {  	[tilespmem:s12], [sflag:$0x4] =	stream.indirect.gather [spmem:s3], $0x80, s25, s18, $0xb8;
	[tilespmem:$0x1F480] =	vst v63  }
0x13f: {  	s26 =	simm.s32 $0x13A00;
	s28 =	simm.s32 $0x16D00  }
0x140: {  	[tilespmem:s28], [sflag:$0x5] =	stream.indirect.gather [spmem:s4], $0x80, s26, s18, $0xb8;
	[tilespmem:$0x1F480] =	vst v63  }
0x141: {  	_ =	swait.ge [sflag:s2], $0x1800  }
0x142: {  	[sflag:s2] =	ssyncset.done $0x0  }
0x143: {  	[sflag:s2] =	ssyncadd.s32 $0xFFFFE800  }
0x144: {  	_ =	swait.ge [sflag:s5], $0x1800  }
0x145: {  	s29 =	smin.u32 s14, $0xCE;
	s19 =	sadd.s32 $0x1CD30, s7;
	[sflag:s5] =	ssyncset.done $0x0  }
0x146: {  	s7 =	simm.s32 $0x19E00;
	s11 =	sshll.u32 s29, $0x9;
	[sflag:s5] =	ssyncadd.s32 $0xFFFFE800  }
0x147: {  	s14 =	simm.s32 $0x18600;
	s11 =	sadd.s32 s11, s10;
	_ =	swait.ge [sflag:s8], $0x1800  }
0x148: {  	v4 =	vmov s19;
	s11 =	sshrl.u32 s11, $0x3;
	s12 =	simm.s32 $0x1B600;
	[sflag:s8] =	ssyncset.done $0x0  }
0x149: {  	s30 =	sadd.s32 s6, s11;
	s11 =	simm.s32 $0x0;
	[tilespmem:$0x1FEC0] =	vst v4;
	[sflag:s8] =	ssyncadd.s32 $0xFFFFE800  }
0x14a: {  	[tilespmem:s16], [sflag:$0x2] =	stream.linear.gather [hbm4b:s30+s11], $0x180, $0x38;
	[tilespmem:$0x1F480] =	vst v63  }
.LBB2_7:
0x14b: {  	v12 =	vld [tilespmem:s7+$0x80]  }
0x14c: {  	v6 =	vld [tilespmem:s7+$0x90]  }
0x14d: {  	v15 =	vld [tilespmem:s7+$0xA0]  }
0x14e: {  	v13 =	vld [tilespmem:s7+$0xB0]  }
0x14f: {  	v17 =	vld [tilespmem:s7+$0xC0]  }
0x150: {  	v16 =	vld [tilespmem:s7+$0xD0]  }
0x151: {  	v19 =	vld [tilespmem:s7+$0xE0]  }
0x152: {  	v18 =	vld [tilespmem:s7+$0xF0]  }
0x153: {  	v0 =	vld [tilespmem:s7+$0x0]  }
0x154: {  	v51 =	vld [tilespmem:s7+$0x10]  }
0x155: {  	v52 =	vld [tilespmem:s7+$0x20]  }
0x156: {  	v53 =	vld [tilespmem:s7+$0x30]  }
0x157: {  	v54 =	vld [tilespmem:s7+$0x40]  }
0x158: {  	v7 =	vld [tilespmem:s14+$0x80]  }
0x159: {  	v8 =	vld [tilespmem:s12+$0x80]  }
0x15a: {  	v9 =	vld [tilespmem:s14+$0x90]  }
0x15b: {  	v10 =	vld [tilespmem:s12+$0x90]  }
0x15c: {  	v11 =	vld [tilespmem:s14+$0xA0]  }
0x15d: {  	v14 =	vld [tilespmem:s12+$0xA0]  }
0x15e: {  	v20 =	vld [tilespmem:s14+$0xB0]  }
0x15f: {  	v21 =	vld [tilespmem:s12+$0xB0]  }
0x160: {  	v22 =	vld [tilespmem:s14+$0xC0]  }
0x161: {  	v23 =	vld [tilespmem:s12+$0xC0]  }
0x162: {  	v24 =	vld [tilespmem:s14+$0xD0]  }
0x163: {  	v25 =	vld [tilespmem:s12+$0xD0]  }
0x164: {  	v26 =	vld [tilespmem:s14+$0xE0]  }
0x165: {  	v27 =	vld [tilespmem:s12+$0xE0]  }
0x166: {  	v28 =	vld [tilespmem:s14+$0xF0]  }
0x167: {  	v29 =	vld [tilespmem:s12+$0xF0]  }
0x168: {  	v30 =	vld [tilespmem:s14+$0x0]  }
0x169: {  	v31 =	vld [tilespmem:s12+$0x0]  }
0x16a: {  	v32 =	vld [tilespmem:s14+$0x10]  }
0x16b: {  	v33 =	vld [tilespmem:s12+$0x10]  }
0x16c: {  	v34 =	vld [tilespmem:s14+$0x20]  }
0x16d: {  	v35 =	vld [tilespmem:s12+$0x20]  }
0x16e: {  	v36 =	vld [tilespmem:s14+$0x30]  }
0x16f: {  	v37 =	vld [tilespmem:s12+$0x30]  }
0x170: {  	v38 =	vld [tilespmem:s14+$0x40]  }
0x171: {  	v39 =	vld [tilespmem:s12+$0x40]  }
0x172: {  	v40 =	vld [tilespmem:s14+$0x50]  }
0x173: {  	v41 =	vld [tilespmem:s12+$0x50]  }
0x174: {  	v42 =	vld [tilespmem:s14+$0x60]  }
0x175: {  	v43 =	vld [tilespmem:s12+$0x60]  }
0x176: {  	v44 =	vld [tilespmem:s14+$0x70]  }
0x177: {  	v45 =	vld [tilespmem:s12+$0x70]  }
0x178: {  	v46 =	vld [tilespmem:s14+$0xFFFFFF80]  }
0x179: {  	v47 =	vld [tilespmem:s12+$0xFFFFFF80]  }
0x17a: {  	v48 =	vld [tilespmem:s14+$0xFFFFFF90]  }
0x17b: {  	v49 =	vld [tilespmem:s12+$0xFFFFFF90]  }
0x17c: {  	v50 =	vld [tilespmem:s14+$0xFFFFFFA0]  }
0x17d: {  	v55 =	vld [tilespmem:s12+$0xFFFFFFC0]  }
0x17e: {  	v56 =	vld [tilespmem:s14+$0xFFFFFFD0]  }
0x17f: {  	v57 =	vld [tilespmem:s12+$0xFFFFFFD0]  }
0x180: {  	v58 =	vld [tilespmem:s14+$0xFFFFFFE0]  }
0x181: {  	v59 =	vld [tilespmem:s12+$0xFFFFFFE0]  }
0x182: {  	v60 =	vld [tilespmem:s14+$0xFFFFFFF0]  }
0x183: {  	v61 =	vld [tilespmem:s12+$0xFFFFFFF0]  }
0x184: {  	v62 =	vld [tilespmem:s14+$0xFFFFFF00]  }
0x185: {  	v63 =	vld [tilespmem:s12+$0xFFFFFF00]  }
0x186: {  	v5 =	vld [tilespmem:s14+$0xFFFFFF10]  }
0x187: {  	v1 =	vld [tilespmem:s14+$0xFFFFFF20]  }
0x188: {  	[tilespmem:$0x1FE80] =	vst v51;
	v51 =	vld [tilespmem:s12+$0xFFFFFFA0]  }
0x189: {  	[tilespmem:$0x1FE90] =	vst v52;
	v52 =	vld [tilespmem:s14+$0xFFFFFFB0]  }
0x18a: {  	[tilespmem:$0x1FEA0] =	vst v53;
	v53 =	vld [tilespmem:s12+$0xFFFFFFB0]  }
0x18b: {  	[tilespmem:$0x1FEB0] =	vst v54;
	v54 =	vld [tilespmem:s14+$0xFFFFFFC0]  }
0x18c: {  	[tilespmem:$0x1FE70] =	vst v0;
	v0 =	vld [tilespmem:s12+$0xFFFFFF10]  }
0x18d: {  	v7 =	vmul.f32 v8, v7;
	v8 =	vmul.f32 v10, v9;
	v9 =	vld [tilespmem:s12+$0xFFFFFF20]  }
0x18e: {  	v10 =	vmul.f32 v14, v11;
	v14 =	vld [tilespmem:s14+$0xFFFFFF30]  }
0x18f: {  	v11 =	vmul.f32 v21, v20;
	v20 =	vld [tilespmem:s12+$0xFFFFFF30]  }
0x190: {  	v21 =	vld [tilespmem:s14+$0xFFFFFF40]  }
0x191: {  	v2 =	vmul.f32 v23, v22;
	v22 =	vld [tilespmem:s12+$0xFFFFFF40]  }
0x192: {  	v29 =	vmul.f32 v29, v28;
	v30 =	vmul.f32 v31, v30;
	v28 =	vld [tilespmem:s14+$0xFFFFFF50]  }
0x193: {  	v31 =	vmul.f32 v33, v32;
	v33 =	vmul.f32 v37, v36;
	v36 =	vld [tilespmem:s12+$0xFFFFFF50]  }
0x194: {  	v32 =	vmul.f32 v35, v34;
	v34 =	vmul.f32 v39, v38;
	v39 =	vld [tilespmem:s14+$0xFFFFFF60]  }
0x195: {  	v37 =	vmul.f32 v43, v42;
	v42 =	vld [tilespmem:s12+$0xFFFFFF60]  }
0x196: {  	v35 =	vmul.f32 v41, v40;
	v43 =	vld [tilespmem:s14+$0xFFFFFF70]  }
0x197: {  	v41 =	vmul.f32 v49, v48;
	v48 =	vmul.f32 v57, v56;
	v56 =	vld [tilespmem:s7+$0x50]  }
0x198: {  	v57 =	vld [tilespmem:s7+$0x60]  }
0x199: {  	v49 =	vmul.f32 v59, v58;
	v58 =	vld [tilespmem:s7+$0x70]  }
0x19a: {  	v3 =	vmul.f32 v25, v24;
	v4 =	vmul.f32 v27, v26;
	v59 =	vld [tilespmem:s7+$0xFFFFFF90]  }
0x19b: {  	v38 =	vmul.f32 v45, v44;
	v25 =	vmul.f32 v63, v62;
	v62 =	vld [tilespmem:s7+$0xFFFFFFD0]  }
0x19c: {  	v40 =	vmul.f32 v47, v46;
	v63 =	vld [tilespmem:s7+$0xFFFFFFF0];
	v7 =	vmul.f32 v12, v7  }
0x19d: {  	v44 =	vld [tilespmem:s7+$0xFFFFFF20];
	v8 =	vmul.f32 v6, v8;
	v12 =	vmul.f32 v19, v4  }
0x19e: {  	v4 =	vld [tilespmem:$0x1FE70];
	v45 =	vmul.f32 v51, v50;
	v46 =	vmul.f32 v53, v52  }
0x19f: {  	v6 =	vld [tilespmem:s7+$0xFFFFFFA0];
	v47 =	vmul.f32 v55, v54;
	v50 =	vmul.f32 v61, v60  }
0x1a0: {  	v55 =	vld [tilespmem:s12+$0xFFFFFF70];
	v26 =	vmul.f32 v0, v5;
	v27 =	vmul.f32 v9, v1  }
0x1a1: {  	v23 =	vmul.f32 v22, v21;
	v22 =	vmul.f32 v36, v28;
	v5 =	vld [tilespmem:s7+$0xFFFFFF80]  }
0x1a2: {  	v9 =	vmul.f32 v15, v10;
	v10 =	vmul.f32 v17, v2;
	v17 =	vld [tilespmem:$0x1FEA0]  }
0x1a3: {  	v28 =	vmul.f32 v13, v11;
	v13 =	vmul.f32 v4, v30;
	v4 =	vld [tilespmem:$0x1FE80]  }
0x1a4: {  	v24 =	vmul.f32 v20, v14;
	v11 =	vmul.f32 v16, v3;
	v16 =	vld [tilespmem:$0x1FE90]  }
0x1a5: {  	v21 =	vmul.f32 v42, v39;
	v60 =	vld [tilespmem:s7+$0xFFFFFFB0];
	v14 =	vmul.f32 v18, v29  }
0x1a6: {  	v61 =	vld [tilespmem:s7+$0xFFFFFFC0];
	v19 =	vmul.f32 v56, v35;
	v29 =	vmul.f32 v57, v37  }
0x1a7: {  	v36 =	vmul.f32 v62, v48;
	v18 =	vmul.f32 v17, v33;
	v17 =	vld [tilespmem:$0x1FEB0]  }
0x1a8: {  	v20 =	vmul.f32 v55, v43;
	v15 =	vmul.f32 v4, v31;
	v4 =	vld [tilespmem:s7+$0xFFFFFFE0]  }
0x1a9: {  	v39 =	vld [tilespmem:s7+$0xFFFFFF00];
	v16 =	vmul.f32 v16, v32;
	v30 =	vmul.f32 v5, v40  }
0x1aa: {  	v42 =	vld [tilespmem:s7+$0xFFFFFF50];
	v32 =	vmul.f32 v59, v41;
	v33 =	vmul.f32 v6, v45  }
0x1ab: {  	v43 =	vld [tilespmem:s7+$0xFFFFFF10];
	v35 =	vmul.f32 v60, v46;
	v31 =	vmul.f32 v58, v38  }
0x1ac: {  	s19 =	sshll.u32 s11, $0x4;
	s20 =	simm.s32 $0x3;
	s22 =	simm.s32 $0x7;
	v41 =	vld [tilespmem:s7+$0xFFFFFF30];
	v38 =	vmul.f32 v63, v50;
	v17 =	vmul.f32 v17, v34  }
0x1ad: {  	s21 =	smov.u32 s7;
	s23 =	smov.u32 s14;
	s25 =	smov.u32 s12;
	v40 =	vld [tilespmem:s7+$0xFFFFFF40];
	v45 =	vimm.f32 $0.0e+00;
	v34 =	vmul.f32 v61, v47;
	v37 =	vmul.f32 v4, v49  }
.LBB2_8:
0x1ae: {  	v2 =	vld [tilespmem:s21+$0xFFFFFF60]  }
0x1af: {  	v4 =	vld [tilespmem:s21+$0xFFFFFF70];
	s21 =	sadd.s32 $0x200, s21  }
0x1b0: {  	v6 =	vld [tilespmem:s21+$0x80]  }
0x1b1: {  	s23 =	sadd.s32 $0x200, s23;
	v15 =	vadd.f32 v15, v13;
	v13 =	vld [tilespmem:s21+$0xE0]  }
0x1b2: {  	s25 =	sadd.s32 $0x200, s25;
	v19 =	vadd.f32 v19, v17;
	v17 =	vadd.f32 v32, v30;
	v30 =	vld [tilespmem:s23+$0xD0]  }
0x1b3: {  	v32 =	vld [tilespmem:s25+$0xD0]  }
0x1b4: {  	v5 =	vadd.f32 v8, v7;
	v7 =	vld [tilespmem:s25+$0x10]  }
0x1b5: {  	v8 =	vld [tilespmem:s23+$0x20]  }
0x1b6: {  	v53 =	vld [tilespmem:s25+$0xFFFFFFB0]  }
0x1b7: {  	v54 =	vld [tilespmem:s23+$0xFFFFFFC0]  }
0x1b8: {  	v55 =	vld [tilespmem:s25+$0xFFFFFFC0]  }
0x1b9: {  	v56 =	vld [tilespmem:s23+$0xFFFFFFD0]  }
0x1ba: {  	v57 =	vld [tilespmem:s25+$0xFFFFFFD0]  }
0x1bb: {  	v58 =	vld [tilespmem:s23+$0xFFFFFFE0]  }
0x1bc: {  	v59 =	vld [tilespmem:s25+$0xFFFFFFE0]  }
0x1bd: {  	v60 =	vld [tilespmem:s23+$0xFFFFFFF0]  }
0x1be: {  	[tilespmem:$0x1FE00] =	vst v6;
	v6 =	vld [tilespmem:s21+$0x90]  }
0x1bf: {  	v61 =	vld [tilespmem:s25+$0xFFFFFFF0]  }
0x1c0: {  	v62 =	vld [tilespmem:s23+$0xFFFFFF00]  }
0x1c1: {  	v63 =	vld [tilespmem:s25+$0xFFFFFF00]  }
0x1c2: {  	v1 =	vmul.f32 v43, v26;
	v26 =	vadd.f32 v11, v10;
	v10 =	vld [tilespmem:s25+$0x80]  }
0x1c3: {  	[tilespmem:$0x1FE10] =	vst v6;
	v6 =	vld [tilespmem:s21+$0xA0]  }
0x1c4: {  	v0 =	vmul.f32 v39, v25;
	v25 =	vadd.f32 v28, v9;
	v28 =	vld [tilespmem:s23+$0xC0]  }
0x1c5: {  	v3 =	vmul.f32 v44, v27;
	v27 =	vadd.f32 v14, v12;
	v12 =	vld [tilespmem:s25+$0xC0]  }
0x1c6: {  	v11 =	vld [tilespmem:s25+$0xE0]  }
0x1c7: {  	v9 =	vld [tilespmem:s23+$0x10]  }
0x1c8: {  	[tilespmem:$0x1FE20] =	vst v6;
	v6 =	vld [tilespmem:s21+$0xB0]  }
0x1c9: {  	v14 =	vmul.f32 v40, v23;
	v23 =	vadd.f32 v38, v37;
	v37 =	vld [tilespmem:s23+$0x40]  }
0x1ca: {  	v4 =	vmul.f32 v4, v20;
	v20 =	vadd.f32 v36, v34;
	v34 =	vld [tilespmem:s23+$0xE0]  }
0x1cb: {  	v2 =	vmul.f32 v2, v21;
	v21 =	vadd.f32 v35, v33;
	v35 =	vld [tilespmem:s25+$0xF0]  }
0x1cc: {  	v36 =	vld [tilespmem:s23+$0x0]  }
0x1cd: {  	v16 =	vadd.f32 v18, v16;
	v18 =	vmul.f32 v42, v22;
	[tilespmem:$0x1FE30] =	vst v6;
	v6 =	vld [tilespmem:s21+$0xC0]  }
0x1ce: {  	v33 =	vld [tilespmem:s25+$0x30]  }
0x1cf: {  	v22 =	vadd.f32 v31, v29;
	v39 =	vadd.f32 v18, v14;
	v14 =	vld [tilespmem:s21+$0xF0]  }
0x1d0: {  	v18 =	vld [tilespmem:s21+$0x30]  }
0x1d1: {  	v24 =	vmul.f32 v41, v24;
	v43 =	vadd.f32 v22, v19;
	v19 =	vld [tilespmem:s21+$0x40]  }
0x1d2: {  	[tilespmem:$0x1FE40] =	vst v6;
	v6 =	vld [tilespmem:s21+$0xD0]  }
0x1d3: {  	v38 =	vadd.f32 v24, v3;
	v24 =	vld [tilespmem:s23+$0xA0]  }
0x1d4: {  	v5 =	vadd.f32 v25, v5;
	v25 =	vld [tilespmem:s25+$0xA0]  }
0x1d5: {  	v44 =	vadd.f32 v27, v26;
	v27 =	vld [tilespmem:s25+$0xB0]  }
0x1d6: {  	v2 =	vadd.f32 v4, v2;
	v4 =	vadd.f32 v16, v15;
	v15 =	vld [tilespmem:s21+$0x0]  }
0x1d7: {  	v0 =	vadd.f32 v1, v0;
	[tilespmem:$0x1FE50] =	vst v6;
	v6 =	vld [tilespmem:$0x1FFC0]  }
0x1d8: {  	v16 =	vld [tilespmem:s21+$0x10];
	v41 =	vadd.f32 v21, v17;
	v42 =	vadd.f32 v23, v20  }
0x1d9: {  	v17 =	vld [tilespmem:s21+$0x20];
	v0 =	vadd.f32 v38, v0;
	v40 =	vadd.f32 v2, v39  }
0x1da: {  	v20 =	vld [tilespmem:s23+$0x80];
	v2 =	vadd.f32 v42, v41  }
0x1db: {  	v23 =	vld [tilespmem:s25+$0x90];
	v0 =	vadd.f32 v40, v0  }
0x1dc: {  	v21 =	vld [tilespmem:s25+$0x0];
	v3 =	vadd.f32 v44, v5;
	v1 =	vadd.f32 v43, v4;
	v4 =	vperm.xlane v2, v6  }
0x1dd: {  	v38 =	vld [tilespmem:s23+$0xF0];
	v22 =	vperm.xlane v0, v6  }
0x1de: {  	v5 =	vperm.xlane v1, v6;
	v2 =	vadd.f32 v2, v4;
	v4 =	vperm.xlane v3, v6;
	v6 =	vld [tilespmem:$0x1FFD0]  }
0x1df: {  	v44 =	vld [tilespmem:s23+$0x70]  }
0x1e0: {  	v39 =	vld [tilespmem:s25+$0x40]  }
0x1e1: {  	v41 =	vld [tilespmem:s25+$0x50]  }
0x1e2: {  	v42 =	vld [tilespmem:s23+$0x60];
	v0 =	vadd.f32 v0, v22  }
0x1e3: {  	v43 =	vld [tilespmem:s25+$0x60];
	v1 =	vadd.f32 v1, v5;
	v3 =	vadd.f32 v3, v4;
	v5 =	vperm.xlane v2, v6  }
0x1e4: {  	v12 =	vmul.f32 v12, v28;
	v28 =	vld [tilespmem:s23+$0xFFFFFF70];
	v26 =	vperm.xlane v0, v6  }
0x1e5: {  	v4 =	vperm.xlane v1, v6;
	v2 =	vadd.f32 v2, v5;
	v5 =	vperm.xlane v3, v6;
	v6 =	vld [tilespmem:$0x1FFE0]  }
0x1e6: {  	v30 =	vmul.f32 v32, v30;
	v32 =	vmul.f32 v11, v34;
	v11 =	vld [tilespmem:s25+$0xFFFFFF40]  }
0x1e7: {  	v40 =	vld [tilespmem:s23+$0x50];
	v34 =	vmul.f32 v35, v38  }
0x1e8: {  	v35 =	vmul.f32 v21, v36;
	v36 =	vmul.f32 v7, v9;
	v7 =	vld [tilespmem:s23+$0xFFFFFF50];
	v0 =	vadd.f32 v0, v26  }
0x1e9: {  	v9 =	vld [tilespmem:s23+$0xFFFFFF60]  }
0x1ea: {  	v21 =	vld [tilespmem:s25+$0xFFFFFF60];
	v1 =	vadd.f32 v1, v4;
	v29 =	vperm.xlane v0, v6  }
0x1eb: {  	v38 =	vmul.f32 v43, v42;
	v43 =	vld [tilespmem:s21+$0x50];
	v3 =	vadd.f32 v3, v5;
	v4 =	vperm.xlane v2, v6  }
0x1ec: {  	v22 =	vld [tilespmem:s23+$0x90];
	v0 =	vadd.f32 v0, v29;
	v29 =	vperm.xlane v1, v6  }
0x1ed: {  	v26 =	vld [tilespmem:s23+$0xB0];
	v2 =	vadd.f32 v2, v4;
	v4 =	vperm.xlane v3, v6  }
0x1ee: {  	s26 =	sadd.s32 $0xFFFFFFFF, s20;
	v5 =	vld [tilespmem:$0x1FFF0];
	v1 =	vadd.f32 v1, v29  }
0x1ef: {  	v6 =	vld [tilespmem:s23+$0xFFFFFF10];
	v29 =	vmov s26;
	v3 =	vadd.f32 v3, v4;
	v4 =	vlaneseq.u32  }
0x1f0: {  	s28 =	sadd.s32 $0xFFFFFFFE, s20;
	v31 =	vmov s20;
	vm14 =	veq.s32 v29, v4;
	v29 =	vld [tilespmem:s25+$0x20]  }
0x1f1: {  	s30 =	sadd.s32 $0xFFFFFFFD, s20;
	v48 =	vmov s28;
	vm15 =	veq.s32 v31, v4;
	v31 =	vld [tilespmem:s23+$0x30]  }
0x1f2: {  	v49 =	vmov s30;
	vm13 =	veq.s32 v48, v4;
	v48 =	vld [tilespmem:s23+$0xFFFFFF90]  }
0x1f3: {  	v46 =	vperm.xlane v0, v5;
	vm0 =	veq.s32 v49, v4;
	v49 =	vld [tilespmem:s25+$0xFFFFFF90]  }
0x1f4: {  	v4 =	vmul.f32 v23, v22;
	v22 =	vld [tilespmem:s25+$0xFFFFFF30]  }
0x1f5: {  	v23 =	vld [tilespmem:s23+$0xFFFFFF40];
	v0 =	vadd.f32 v0, v46  }
0x1f6: {  	v50 =	vperm.xlane v1, v5;
	v46 =	vld [tilespmem:s23+$0xFFFFFF80]  }
0x1f7: {  	v51 =	vperm.xlane v3, v5;
	v0 =	vsel vm0, v0, v45;
	v45 =	vld [tilespmem:s25+$0x70]  }
0x1f8: {  	v47 =	vperm.xlane v2, v5;
	v1 =	vadd.f32 v1, v50;
	v50 =	vld [tilespmem:s23+$0xFFFFFFA0]  }
0x1f9: {  	v52 =	vadd.f32 v3, v51;
	v51 =	vld [tilespmem:s25+$0xFFFFFFA0]  }
0x1fa: {  	v2 =	vadd.f32 v2, v47;
	v47 =	vld [tilespmem:s25+$0xFFFFFF80];
	v5 =	vmul.f32 v25, v24;
	v25 =	vmul.f32 v63, v62  }
0x1fb: {  	v62 =	vld [tilespmem:s21+$0xFFFFFFE0];
	v3 =	vmul.f32 v10, v20;
	v29 =	vmul.f32 v29, v8  }
0x1fc: {  	v20 =	vld [tilespmem:s23+$0xFFFFFF30];
	v31 =	vmul.f32 v33, v31;
	v33 =	vmul.f32 v39, v37  }
0x1fd: {  	v8 =	vld [tilespmem:s25+$0xFFFFFF50];
	v37 =	vmul.f32 v41, v40;
	v40 =	vmul.f32 v45, v44  }
0x1fe: {  	v45 =	vmul.f32 v51, v50;
	v50 =	vmul.f32 v61, v60;
	v60 =	vld [tilespmem:$0x1FE10]  }
0x1ff: {  	v63 =	vld [tilespmem:s21+$0xFFFFFFF0]  }
0x200: {  	v0 =	vsel vm13, v2, v0;
	v2 =	vld [tilespmem:s23+$0xFFFFFF20]  }
0x201: {  	v0 =	vsel vm14, v1, v0;
	v1 =	vld [tilespmem:s25+$0xFFFFFF10]  }
0x202: {  	v0 =	vsel vm15, v52, v0;
	v52 =	vld [tilespmem:s23+$0xFFFFFFB0];
	v24 =	vmul.f32 v22, v20  }
0x203: {  	v22 =	vmul.f32 v8, v7;
	v8 =	vmul.f32 v60, v4;
	v4 =	vld [tilespmem:$0x1FE20]  }
0x204: {  	v42 =	vmul.f32 v49, v48;
	v48 =	vmul.f32 v57, v56;
	v56 =	vld [tilespmem:s21+$0x60]  }
0x205: {  	v57 =	vld [tilespmem:s21+$0x70]  }
0x206: {  	v49 =	vmul.f32 v59, v58;
	v58 =	vld [tilespmem:s21+$0xFFFFFF80]  }
0x207: {  	v41 =	vmul.f32 v47, v46;
	v46 =	vmul.f32 v53, v52;
	v53 =	vld [tilespmem:s25+$0xFFFFFF70]  }
0x208: {  	v21 =	vmul.f32 v21, v9;
	v9 =	vmul.f32 v4, v5;
	v4 =	vld [tilespmem:$0x1FE30]  }
0x209: {  	v5 =	vld [tilespmem:$0x1FE40]  }
0x20a: {  	[tilespmem:$0x1FE60] =	vst v0;
	v0 =	vld [tilespmem:s25+$0xFFFFFF20]  }
0x20b: {  	v14 =	vmul.f32 v14, v34;
	v10 =	vmul.f32 v27, v26;
	v7 =	vld [tilespmem:$0x1FE00]  }
0x20c: {  	v23 =	vmul.f32 v11, v23;
	v59 =	vld [tilespmem:s21+$0xFFFFFFA0];
	v47 =	vmul.f32 v55, v54  }
0x20d: {  	v39 =	vld [tilespmem:s21+$0xFFFFFF00];
	v18 =	vmul.f32 v18, v31;
	v20 =	vmul.f32 v53, v28  }
0x20e: {  	v28 =	vmul.f32 v4, v10;
	v10 =	vmul.f32 v5, v12;
	v5 =	vld [tilespmem:$0x1FE50]  }
0x20f: {  	v61 =	vld [tilespmem:s21+$0xFFFFFFB0];
	v26 =	vmul.f32 v1, v6;
	v31 =	vmul.f32 v57, v40  }
0x210: {  	v6 =	vld [tilespmem:s21+$0xFFFFFF90];
	v27 =	vmul.f32 v0, v2;
	v7 =	vmul.f32 v7, v3  }
0x211: {  	v44 =	vld [tilespmem:s21+$0xFFFFFF20];
	v12 =	vmul.f32 v13, v32;
	v13 =	vmul.f32 v15, v35  }
0x212: {  	v4 =	vld [tilespmem:s21+$0xFFFFFFC0];
	v15 =	vmul.f32 v16, v36;
	v16 =	vmul.f32 v17, v29  }
0x213: {  	p1 =	sne.s32 s22, $0xF;
	v17 =	vmul.f32 v19, v33;
	v11 =	vmul.f32 v5, v30;
	v5 =	vld [tilespmem:s21+$0xFFFFFFD0]  }
.Ltmp2:
0x214: {  	v40 =	vld [tilespmem:s21+$0xFFFFFF40];
	v19 =	vmul.f32 v43, v37;
	v29 =	vmul.f32 v56, v38;
	(pc) =	sbr.rel @p1 .LBB2_8-.Ltmp2, $4  }
0x215: {  	v43 =	vld [tilespmem:s21+$0xFFFFFF10];
	v32 =	vmul.f32 v6, v42;
	v33 =	vmul.f32 v59, v45  }
0x216: {  	v45 =	vld [tilespmem:$0x1FE60];
	v35 =	vmul.f32 v61, v46;
	v37 =	vmul.f32 v62, v49  }
0x217: {  	v42 =	vld [tilespmem:s21+$0xFFFFFF50];
	v38 =	vmul.f32 v63, v50;
	v30 =	vmul.f32 v58, v41  }
0x218: {  	s20 =	smov.u32 s22;
	s22 =	sadd.s32 $0x4, s22;
	v41 =	vld [tilespmem:s21+$0xFFFFFF30];
	v34 =	vmul.f32 v4, v47;
	v36 =	vmul.f32 v5, v48  }
0x219: {  	v2 =	vld [tilespmem:s21+$0xFFFFFF60];
	v5 =	vadd.f32 v8, v7;
	v6 =	vadd.f32 v28, v9  }
0x21a: {  	v0 =	vmul.f32 v39, v25;
	v4 =	vld [tilespmem:s21+$0xFFFFFF70];
	v59 =	vadd.f32 v11, v10;
	v60 =	vadd.f32 v14, v12  }
0x21b: {  	v3 =	vmul.f32 v44, v27;
	v62 =	vadd.f32 v15, v13;
	v63 =	vadd.f32 v18, v16  }
0x21c: {  	v61 =	vmul.f32 v40, v23;
	v25 =	vadd.f32 v31, v29;
	v27 =	vadd.f32 v35, v33  }
0x21d: {  	v29 =	vadd.f32 v38, v37;
	v1 =	vmul.f32 v43, v26;
	v26 =	vadd.f32 v32, v30  }
0x21e: {  	v28 =	vadd.f32 v36, v34;
	v23 =	vmul.f32 v42, v22;
	v58 =	vmul.f32 v41, v24  }
0x21f: {  	v32 =	vadd.f32 v63, v62;
	v2 =	vmul.f32 v2, v21;
	v4 =	vmul.f32 v4, v20  }
0x220: {  	v0 =	vadd.f32 v1, v0;
	v31 =	vadd.f32 v23, v61  }
0x221: {  	v30 =	vadd.f32 v58, v3;
	v2 =	vadd.f32 v4, v2  }
0x222: {  	v38 =	vld [tilespmem:$0x1FFC0];
	v5 =	vadd.f32 v6, v5;
	v24 =	vadd.f32 v19, v17  }
0x223: {  	v0 =	vadd.f32 v30, v0;
	v33 =	vadd.f32 v2, v31  }
0x224: {  	v34 =	vadd.f32 v27, v26;
	v35 =	vadd.f32 v29, v28  }
0x225: {  	v36 =	vadd.f32 v25, v24;
	v0 =	vadd.f32 v33, v0  }
0x226: {  	v43 =	vld [tilespmem:$0x1FFD0];
	v37 =	vadd.f32 v60, v59;
	v2 =	vadd.f32 v35, v34  }
0x227: {  	v1 =	vadd.f32 v36, v32;
	v39 =	vperm.xlane v0, v38  }
0x228: {  	v3 =	vadd.f32 v37, v5;
	v40 =	vperm.xlane v2, v38  }
0x229: {  	v41 =	vperm.xlane v1, v38;
	v0 =	vadd.f32 v0, v39  }
0x22a: {  	v48 =	vld [tilespmem:$0x1FFE0];
	v42 =	vperm.xlane v3, v38;
	v2 =	vadd.f32 v2, v40  }
0x22b: {  	v1 =	vadd.f32 v1, v41;
	v6 =	vperm.xlane v0, v43  }
0x22c: {  	v3 =	vadd.f32 v3, v42;
	v44 =	vperm.xlane v2, v43  }
0x22d: {  	v46 =	vperm.xlane v1, v43;
	v0 =	vadd.f32 v0, v6  }
0x22e: {  	v53 =	vld [tilespmem:$0x1FFF0];
	v47 =	vperm.xlane v3, v43;
	v2 =	vadd.f32 v2, v44  }
0x22f: {  	v1 =	vadd.f32 v1, v46;
	v6 =	vperm.xlane v0, v48  }
0x230: {  	v3 =	vadd.f32 v3, v47;
	v49 =	vperm.xlane v2, v48  }
0x231: {  	s29 =	sadd.s32 $0xFFFFFFFF, s20;
	v52 =	vmov s20;
	v50 =	vperm.xlane v1, v48;
	v0 =	vadd.f32 v0, v6  }
0x232: {  	s22 =	sadd.s32 $0xFFFFFFFE, s20;
	v55 =	vmov s29;
	v51 =	vperm.xlane v3, v48;
	v2 =	vadd.f32 v2, v49  }
0x233: {  	v57 =	vmov s22;
	v1 =	vadd.f32 v1, v50;
	v54 =	vperm.xlane v0, v53  }
0x234: {  	s30 =	sadd.s32 $0xFFFFFFFD, s20;
	v60 =	vlaneseq.u32;
	v3 =	vadd.f32 v3, v51;
	v56 =	vperm.xlane v2, v53  }
0x235: {  	v63 =	vld [tilespmem:$0x1FEC0];
	v58 =	vmov s30;
	v59 =	vperm.xlane v1, v53;
	v0 =	vadd.f32 v0, v54  }
0x236: {  	vm0 =	veq.s32 v58, v60;
	v61 =	vperm.xlane v3, v53;
	v2 =	vadd.f32 v2, v56  }
0x237: {  	s11 =	sadd.s32 $0x1, s11;
	vm13 =	veq.s32 v57, v60;
	v1 =	vadd.f32 v1, v59;
	v0 =	vsel vm0, v0, v45  }
0x238: {  	p1 =	sne.s32 s11, $0x3;
	vm14 =	veq.s32 v55, v60;
	v62 =	vadd.f32 v3, v61;
	v0 =	vsel vm13, v2, v0  }
.Ltmp3:
0x239: {  	vm15 =	veq.s32 v52, v60;
	v0 =	vsel vm14, v1, v0;
	(pc) =	sbr.rel @p1 .LBB2_7-.Ltmp3, $3  }
0x23a: {  	v0 =	vsel vm15, v62, v0  }
0x23b: {  	v0 =	vmul.f32 $7.812500000e-03, v0;
	_ =	sdelay $0x1  }
0x23c: {  	s7 =	sadd.s32 $0x800, s7;
	s12 =	sadd.s32 $0x800, s12;
	s14 =	sadd.s32 $0x800, s14;
	[tilespmem:v63+s19+$0x0 ss:$0x1] =	vst.idx.msk $0xffff, v0  }
0x23d: {  	_ =	swait.ge [sflag:s24], $0x180  }
0x23e: {  	s13 =	sadd.s32 $0x1, s13;
	[sflag:s24] =	ssyncset.done $0x0  }
0x23f: {  	s7 =	simm.s32 $0x18500;
	p1 =	sne.s32 s13, $0x69;
	[sflag:s24] =	ssyncadd.s32 $0xFFFFFE80  }
0x240: {  	[tilespmem:s7], [sflag:$0x6] =	stream.indirect.gather [spmem:s3], $0x80, s16, s18, $0xb8;
	[tilespmem:$0x1F480] =	vst v63  }
.Ltmp4:
0x241: {  	_ = 	snop;
	(pc) =	sbr.rel @p1 .LBB2_2-.Ltmp4, $4  }
0x242: {  	s28 =	simm.s32 $0x13B80;
	s11 =	simm.s32 $0x19D00  }
0x243: {  	[tilespmem:s11], [sflag:$0x7] =	stream.indirect.gather [spmem:s3], $0x80, s28, s18, $0xb8;
	[tilespmem:$0x1F480] =	vst v63  }
0x244: {  	s29 =	simm.s32 $0x13C00;
	s30 =	simm.s32 $0x1B500  }
0x245: {  	[tilespmem:s30], [sflag:$0x8] =	stream.indirect.gather [spmem:s4], $0x80, s29, s18, $0xb8;
	[tilespmem:$0x1F480] =	vst v63  }
0x246: {  	_ =	swait.ge [sflag:s31], $0x1800  }
0x247: {  	[sflag:s31] =	ssyncset.done $0x0  }
0x248: {  	[sflag:s31] =	ssyncadd.s32 $0xFFFFE800  }
0x249: {  	_ =	swait.ge [sflag:s1], $0x1800  }
0x24a: {  	[sflag:s1] =	ssyncset.done $0x0  }
0x24b: {  	[sflag:s1] =	ssyncadd.s32 $0xFFFFE800  }
0x24c: {  	_ =	swait.ge [sflag:s0], $0x1800  }
0x24d: {  	[sflag:s0] =	ssyncset.done $0x0  }
0x24e: {  	[sflag:s0] =	ssyncadd.s32 $0xFFFFE800  }
0x24f: {  	_ =	swait.ge [sflag:s2], $0x1800  }
0x250: {  	[sflag:s2] =	ssyncset.done $0x0  }
0x251: {  	[sflag:s2] =	ssyncadd.s32 $0xFFFFE800  }
0x252: {  	_ =	swait.ge [sflag:s5], $0x1800  }
0x253: {  	[sflag:s5] =	ssyncset.done $0x0  }
0x254: {  	[sflag:s5] =	ssyncadd.s32 $0xFFFFE800  }
0x255: {  	s11 =	simm.s32 $0x80;
	_ =	swait.ge [sflag:s8], $0x1800  }
0x256: {  	s12 =	simm.s32 $0x400;
	s13 =	simm.s32 $0x1CD00;
	[sflag:s8] =	ssyncset.done $0x0  }
0x257: {  	s28 =	simm.s32 $0x9;
	s7 =	rddreg [dreg:$0x9];
	[sflag:s8] =	ssyncadd.s32 $0xFFFFE800  }
0x258: {  	[hbm4b:s7+s11] =	stream.strided.scatter [tilespmem:s13], [sflag:$0x9], $0x2780, s12, s11, $0x38;
	[tilespmem:$0x1F480] =	vst v63  }
0x259: {  	_ =	swait.ge [sflag:s28], $0x2780  }
0x25a: {  	s29 =	rddreg [dreg:$0xd]  }
0x25b: {  	s30 =	rddreg [dreg:$0xa];
	s12 =	sadd.s32 $0x1, s29  }
0x25c: {  	p1 =	sne.s32 s12, s30  }
.Ltmp5:
0x25d: {  	_ = 	snop;
	(pc) =	sbr.rel @p1 .LBB2_1-.Ltmp5, $3  }
0x25e: {  	_ =	sdelay $0x1  }
0x25f: {  	[sflag:s28] =	ssyncset.done $0x0  }
0x260: {  	[sflag:s28] =	ssyncadd.s32 $0xFFFFD880  }
0x261: {  	_ =	sfence.sel $0x180000  }
0x262: {  	[bflag:$0x0] =	sbarrier.arrive $0xFFFF  }
0x263: {  	_ =	strace $0x90000047  }
0x264: {  	[bflag:$0x2] =	sbarrier.arrive $0xFFFF  }
0x265: {  	s0 =	rddreg [dreg:$0x6]  }
0x266: {  	s0 =	sadd.s32 @!p0 $0x100000, s0  }
0x267: {  	[sflag:s0] =	ssyncadd.tile.s32 @!p0 $0x1;
	_ =	shalt  }
.Lfunc_end2:
_tile_overlayer_lowered:
.L_overlay_start_2:
0x268: {  	(tag) =	ssettag $0x2  }
0x269: {  	s0 =	rddreg [dreg:$0x0];
	s2 =	stileid.u32  }
0x26a: {  	s1 =	rddreg [dreg:$0x1];
	p0 =	sne.s32 s2, $0x0  }
0x26b: {  	s3 =	rddreg [dreg:$0x2];
	[bflag:$0x3] =	sbarrier.arrive $0xFFFF;
	s2 =	simm.s32 @!p0 $0x1C09  }
0x26c: {  	[timem:s3], [sflag:s2] =	dma.local @!p0 [hbm:s0], s1  }
0x26d: {  	s0 =	simm.s32 @!p0 $0x9  }
0x26e: {  	_ =	swait.ge @!p0 [sflag:s0], s1  }
0x26f: {  	s1 =	ssub.s32 @!p0 $0x0, s1;
	[sflag:s0] =	ssyncset.done @!p0 $0x0  }
0x270: {  	[sflag:s0] =	ssyncadd.s32 @!p0 s1  }
0x271: {  	[bflag:$0x3] =	sbarrier.arrive $0xFFFF  }
0x272: {  	_ =	shalt  }

</sc_bundles>
